<compile_context>
chip_gen: v7x
topology: tpu7x:2x2x1
jax: 0.10.2.dev20260603
libtpu: 0.0.44.dev20260713+nightly
codegen_flags: <defaults>
</compile_context>

<pallas_src>
import functools

import jax
import jax.numpy as jnp
from jax import lax
from jax.experimental import pallas as pl
from jax.experimental.pallas import tpu as pltpu
from jax.experimental.pallas import tpu_sc as plsc

_C = 16


def kernel(x, pos_embedding):
    batch, seq_len = x.shape
    max_len, d_model = pos_embedding.shape

    info = plsc.get_sparse_core_info()
    nc, ns = info.num_cores, info.num_subcores
    nw = nc * ns
    rows_per_w = seq_len // nw
    k = rows_per_w // _C

    mesh = plsc.VectorSubcoreMesh(core_axis_name="c", subcore_axis_name="s")

    @functools.partial(
        pl.kernel,
        mesh=mesh,
        out_type=jax.ShapeDtypeStruct((batch, seq_len, d_model), jnp.float32),
        scratch_types=[
            pltpu.VMEM((2, _C, d_model), jnp.float32),
            pltpu.SemaphoreType.DMA((2,)),
            pltpu.SemaphoreType.DMA((2,)),
        ],
    )
    def k_sc(table_hbm, out_hbm, buf, rsem, wsem):
        wid = lax.axis_index("s") * nc + lax.axis_index("c")
        base = wid * rows_per_w

        reads = []
        writes = {}
        for j in range(k):
            s = j % 2
            r0 = base + j * _C
            if j >= 2:
                for c in writes.pop(j - 2):
                    c.wait()
            rd = pltpu.make_async_copy(
                table_hbm.at[pl.ds(r0, _C)], buf.at[s], rsem.at[s]
            )
            rd.start()
            rd.wait()
            ws = []
            for b in range(batch):
                wr = pltpu.make_async_copy(
                    buf.at[s], out_hbm.at[b, pl.ds(r0, _C)], wsem.at[s]
                )
                wr.start()
                ws.append(wr)
            writes[j] = ws
        for js in sorted(writes):
            for c in writes[js]:
                c.wait()

    return k_sc(pos_embedding)

# --- scband reference (transcript-rebuilt; emitter-appended) ---
"""Pipeline reference for scband-positional-embeddings-27255862460881 (READ-ONLY COPY).

The authoritative reference and input builder live on the scoring server;
editing this copy changes nothing except your own understanding.
"""

import jax, jax.numpy as jnp
import numpy as np

MAX_LEN = 8192
D_MODEL = 2048

def setup_inputs(seed: int = 0) -> dict:
    key = jax.random.key(seed)
    k1, k2 = jax.random.split(key)
    x = jax.random.randint(k1, (4, 4096), 0, MAX_LEN, dtype=jnp.int64 if jax.config.jax_enable_x64 else jnp.int32)
    pos_embedding = jax.random.normal(k2, (MAX_LEN, D_MODEL), dtype=jnp.float32)
    return {"x": x, "pos_embedding": pos_embedding}

def reference(x, pos_embedding):
    batch_size, seq_len = x.shape
    positions = jnp.broadcast_to(jnp.arange(seq_len)[None, :], (batch_size, seq_len))
    return jnp.take(pos_embedding, positions, axis=0)

if __name__ == "__main__":
    import jax
    _d = setup_inputs()
    print(jax.jit(kernel)(*tuple(_d.values())))

</pallas_src>

<mosaic_0001>
#map = affine_map<(d0, d1) -> (0, 0)>
#map1 = affine_map<(d0, d1) -> (0, 0, 0)>
module attributes {stable_mosaic.version = 14 : i64} {
  func.func @k_sc(%arg0: i32, %arg1: i32, %arg2: memref<8192x2048xf32, #tpu.memory_space<hbm>>, %arg3: memref<4x4096x2048xf32, #tpu.memory_space<hbm>>, %arg4: memref<2x16x2048xf32, #tpu.memory_space<vmem>>, %arg5: memref<2x!tpu.dma_semaphore, #tpu.memory_space<semaphore_mem>>, %arg6: memref<2x!tpu.dma_semaphore, #tpu.memory_space<semaphore_mem>>) attributes {dimension_semantics = [#tpu.dimension_semantics<core_parallel>, #tpu.dimension_semantics<subcore_parallel>], iteration_bounds = array<i64: 2, 16>, scalar_prefetch = 0 : i64, scratch_operands = 3 : i64, tpu.core_type = #tpu.core_type<sc_vector_subcore>, window_params = [{transform_indices = #map}, {transform_indices = #map1}]} {
    %mul3A = arith.constant 2 : i32
    %mul3A_0 = arith.muli %arg1, %mul3A : i32
    %add3A = arith.addi %mul3A_0, %arg0 : i32
    %mul3A_1 = arith.constant 128 : i32
    %mul3A_2 = arith.muli %add3A, %mul3A_1 : i32
    %add3A_3 = arith.constant 0 : i32
    %add3A_4 = arith.addi %mul3A_2, %add3A_3 : i32
    %dma_start3A = arith.constant 0 : i32
    %dma_start3A_5 = arith.constant 0 : i32
    %dma_start3A_6 = arith.constant 0 : i32
    %dma_start3A_7 = arith.constant 0 : i32
    %dma_start3A_8 = tpu.memref_slice %arg4[%dma_start3A, %dma_start3A_6, %dma_start3A_7] : memref<2x16x2048xf32, #tpu.memory_space<vmem>> -> memref<1x16x2048xf32, #tpu.memory_space<vmem>>
    %dma_start3A_9 = tpu.memref_squeeze %dma_start3A_8 : memref<1x16x2048xf32, #tpu.memory_space<vmem>> -> memref<16x2048xf32, #tpu.memory_space<vmem>>
    %dma_start3A_10 = arith.constant 0 : i32
    %dma_start3A_11 = tpu.memref_slice %arg2[%add3A_4, %dma_start3A_10] : memref<8192x2048xf32, #tpu.memory_space<hbm>> -> memref<16x2048xf32, #tpu.memory_space<hbm>>
    %dma_start3A_12 = tpu.memref_slice %arg5[%dma_start3A_5] : memref<2x!tpu.dma_semaphore, #tpu.memory_space<semaphore_mem>> -> memref<1x!tpu.dma_semaphore, #tpu.memory_space<semaphore_mem>>
    %dma_start3A_13 = tpu.memref_squeeze %dma_start3A_12 : memref<1x!tpu.dma_semaphore, #tpu.memory_space<semaphore_mem>> -> memref<!tpu.dma_semaphore, #tpu.memory_space<semaphore_mem>>
    %dma_start3A_14 = arith.constant 0 : i32
    %dma_start3A_15 = arith.constant 0 : i32
    %dma_start3A_16 = tpu.memref_slice %arg4[%dma_start3A, %dma_start3A_14, %dma_start3A_15] : memref<2x16x2048xf32, #tpu.memory_space<vmem>> -> memref<1x16x2048xf32, #tpu.memory_space<vmem>>
    %dma_start3A_17 = tpu.memref_squeeze %dma_start3A_16 : memref<1x16x2048xf32, #tpu.memory_space<vmem>> -> memref<16x2048xf32, #tpu.memory_space<vmem>>
    %dma_start3A_18 = arith.constant 0 : i32
    %dma_start3A_19 = tpu.memref_slice %arg2[%add3A_4, %dma_start3A_18] : memref<8192x2048xf32, #tpu.memory_space<hbm>> -> memref<16x2048xf32, #tpu.memory_space<hbm>>
    tpu.enqueue_dma source(%dma_start3A_19 : memref<16x2048xf32, #tpu.memory_space<hbm>>) target(%dma_start3A_17 : memref<16x2048xf32, #tpu.memory_space<vmem>>) target_semaphore(%dma_start3A_13 : memref<!tpu.dma_semaphore, #tpu.memory_space<semaphore_mem>>)
    %dma_wait3A = arith.constant 0 : i32
    %dma_wait3A_20 = arith.constant 0 : i32
    %dma_wait3A_21 = arith.constant 0 : i32
    %dma_wait3A_22 = arith.constant 0 : i32
    %dma_wait3A_23 = tpu.memref_slice %arg4[%dma_wait3A, %dma_wait3A_21, %dma_wait3A_22] : memref<2x16x2048xf32, #tpu.memory_space<vmem>> -> memref<1x16x2048xf32, #tpu.memory_space<vmem>>
    %dma_wait3A_24 = tpu.memref_squeeze %dma_wait3A_23 : memref<1x16x2048xf32, #tpu.memory_space<vmem>> -> memref<16x2048xf32, #tpu.memory_space<vmem>>
    %dma_wait3A_25 = arith.constant 0 : i32
    %dma_wait3A_26 = tpu.memref_slice %arg2[%add3A_4, %dma_wait3A_25] : memref<8192x2048xf32, #tpu.memory_space<hbm>> -> memref<16x2048xf32, #tpu.memory_space<hbm>>
    %dma_wait3A_27 = tpu.memref_slice %arg5[%dma_wait3A_20] : memref<2x!tpu.dma_semaphore, #tpu.memory_space<semaphore_mem>> -> memref<1x!tpu.dma_semaphore, #tpu.memory_space<semaphore_mem>>
    %dma_wait3A_28 = tpu.memref_squeeze %dma_wait3A_27 : memref<1x!tpu.dma_semaphore, #tpu.memory_space<semaphore_mem>> -> memref<!tpu.dma_semaphore, #tpu.memory_space<semaphore_mem>>
    %dma_wait3A_29 = arith.constant 0 : i32
    %dma_wait3A_30 = arith.constant 0 : i32
    %dma_wait3A_31 = tpu.memref_slice %arg4[%dma_wait3A, %dma_wait3A_29, %dma_wait3A_30] : memref<2x16x2048xf32, #tpu.memory_space<vmem>> -> memref<1x16x2048xf32, #tpu.memory_space<vmem>>
    %dma_wait3A_32 = tpu.memref_squeeze %dma_wait3A_31 : memref<1x16x2048xf32, #tpu.memory_space<vmem>> -> memref<16x2048xf32, #tpu.memory_space<vmem>>
    %dma_wait3A_33 = arith.constant 0 : i32
    %dma_wait3A_34 = tpu.memref_slice %arg2[%add3A_4, %dma_wait3A_33] : memref<8192x2048xf32, #tpu.memory_space<hbm>> -> memref<16x2048xf32, #tpu.memory_space<hbm>>
    tpu.wait_dma2 semaphore(%dma_wait3A_28 : memref<!tpu.dma_semaphore, #tpu.memory_space<semaphore_mem>>) src(%dma_wait3A_34 : memref<16x2048xf32, #tpu.memory_space<hbm>>) dst(%dma_wait3A_32 : memref<16x2048xf32, #tpu.memory_space<vmem>>)
    %dma_start3A_35 = arith.constant 0 : i32
    %dma_start3A_36 = arith.constant 0 : i32
    %dma_start3A_37 = arith.constant 0 : i32
    %dma_start3A_38 = arith.constant 0 : i32
    %dma_start3A_39 = arith.constant 0 : i32
    %dma_start3A_40 = tpu.memref_slice %arg4[%dma_start3A_35, %dma_start3A_38, %dma_start3A_39] : memref<2x16x2048xf32, #tpu.memory_space<vmem>> -> memref<1x16x2048xf32, #tpu.memory_space<vmem>>
    %dma_start3A_41 = tpu.memref_squeeze %dma_start3A_40 : memref<1x16x2048xf32, #tpu.memory_space<vmem>> -> memref<16x2048xf32, #tpu.memory_space<vmem>>
    %dma_start3A_42 = arith.constant 0 : i32
    %dma_start3A_43 = tpu.memref_slice %arg3[%dma_start3A_36, %add3A_4, %dma_start3A_42] : memref<4x4096x2048xf32, #tpu.memory_space<hbm>> -> memref<1x16x2048xf32, #tpu.memory_space<hbm>>
    %dma_start3A_44 = tpu.memref_squeeze %dma_start3A_43 : memref<1x16x2048xf32, #tpu.memory_space<hbm>> -> memref<16x2048xf32, #tpu.memory_space<hbm>>
    %dma_start3A_45 = tpu.memref_slice %arg6[%dma_start3A_37] : memref<2x!tpu.dma_semaphore, #tpu.memory_space<semaphore_mem>> -> memref<1x!tpu.dma_semaphore, #tpu.memory_space<semaphore_mem>>
    %dma_start3A_46 = tpu.memref_squeeze %dma_start3A_45 : memref<1x!tpu.dma_semaphore, #tpu.memory_space<semaphore_mem>> -> memref<!tpu.dma_semaphore, #tpu.memory_space<semaphore_mem>>
    %dma_start3A_47 = arith.constant 0 : i32
    %dma_start3A_48 = tpu.memref_slice %arg3[%dma_start3A_36, %add3A_4, %dma_start3A_47] : memref<4x4096x2048xf32, #tpu.memory_space<hbm>> -> memref<1x16x2048xf32, #tpu.memory_space<hbm>>
    %dma_start3A_49 = tpu.memref_squeeze %dma_start3A_48 : memref<1x16x2048xf32, #tpu.memory_space<hbm>> -> memref<16x2048xf32, #tpu.memory_space<hbm>>
    %dma_start3A_50 = arith.constant 0 : i32
    %dma_start3A_51 = arith.constant 0 : i32
    %dma_start3A_52 = tpu.memref_slice %arg4[%dma_start3A_35, %dma_start3A_50, %dma_start3A_51] : memref<2x16x2048xf32, #tpu.memory_space<vmem>> -> memref<1x16x2048xf32, #tpu.memory_space<vmem>>
    %dma_start3A_53 = tpu.memref_squeeze %dma_start3A_52 : memref<1x16x2048xf32, #tpu.memory_space<vmem>> -> memref<16x2048xf32, #tpu.memory_space<vmem>>
    tpu.enqueue_dma source(%dma_start3A_53 : memref<16x2048xf32, #tpu.memory_space<vmem>>) target(%dma_start3A_49 : memref<16x2048xf32, #tpu.memory_space<hbm>>) target_semaphore(%dma_start3A_46 : memref<!tpu.dma_semaphore, #tpu.memory_space<semaphore_mem>>)
    %dma_start3A_54 = arith.constant 0 : i32
    %dma_start3A_55 = arith.constant 1 : i32
    %dma_start3A_56 = arith.constant 0 : i32
    %dma_start3A_57 = arith.constant 0 : i32
    %dma_start3A_58 = arith.constant 0 : i32
    %dma_start3A_59 = tpu.memref_slice %arg4[%dma_start3A_54, %dma_start3A_57, %dma_start3A_58] : memref<2x16x2048xf32, #tpu.memory_space<vmem>> -> memref<1x16x2048xf32, #tpu.memory_space<vmem>>
    %dma_start3A_60 = tpu.memref_squeeze %dma_start3A_59 : memref<1x16x2048xf32, #tpu.memory_space<vmem>> -> memref<16x2048xf32, #tpu.memory_space<vmem>>
    %dma_start3A_61 = arith.constant 0 : i32
    %dma_start3A_62 = tpu.memref_slice %arg3[%dma_start3A_55, %add3A_4, %dma_start3A_61] : memref<4x4096x2048xf32, #tpu.memory_space<hbm>> -> memref<1x16x2048xf32, #tpu.memory_space<hbm>>
    %dma_start3A_63 = tpu.memref_squeeze %dma_start3A_62 : memref<1x16x2048xf32, #tpu.memory_space<hbm>> -> memref<16x2048xf32, #tpu.memory_space<hbm>>
    %dma_start3A_64 = tpu.memref_slice %arg6[%dma_start3A_56] : memref<2x!tpu.dma_semaphore, #tpu.memory_space<semaphore_mem>> -> memref<1x!tpu.dma_semaphore, #tpu.memory_space<semaphore_mem>>
    %dma_start3A_65 = tpu.memref_squeeze %dma_start3A_64 : memref<1x!tpu.dma_semaphore, #tpu.memory_space<semaphore_mem>> -> memref<!tpu.dma_semaphore, #tpu.memory_space<semaphore_mem>>
    %dma_start3A_66 = arith.constant 0 : i32
    %dma_start3A_67 = tpu.memref_slice %arg3[%dma_start3A_55, %add3A_4, %dma_start3A_66] : memref<4x4096x2048xf32, #tpu.memory_space<hbm>> -> memref<1x16x2048xf32, #tpu.memory_space<hbm>>
    %dma_start3A_68 = tpu.memref_squeeze %dma_start3A_67 : memref<1x16x2048xf32, #tpu.memory_space<hbm>> -> memref<16x2048xf32, #tpu.memory_space<hbm>>
    %dma_start3A_69 = arith.constant 0 : i32
    %dma_start3A_70 = arith.constant 0 : i32
    %dma_start3A_71 = tpu.memref_slice %arg4[%dma_start3A_54, %dma_start3A_69, %dma_start3A_70] : memref<2x16x2048xf32, #tpu.memory_space<vmem>> -> memref<1x16x2048xf32, #tpu.memory_space<vmem>>
    %dma_start3A_72 = tpu.memref_squeeze %dma_start3A_71 : memref<1x16x2048xf32, #tpu.memory_space<vmem>> -> memref<16x2048xf32, #tpu.memory_space<vmem>>
    tpu.enqueue_dma source(%dma_start3A_72 : memref<16x2048xf32, #tpu.memory_space<vmem>>) target(%dma_start3A_68 : memref<16x2048xf32, #tpu.memory_space<hbm>>) target_semaphore(%dma_start3A_65 : memref<!tpu.dma_semaphore, #tpu.memory_space<semaphore_mem>>)
    %dma_start3A_73 = arith.constant 0 : i32
    %dma_start3A_74 = arith.constant 2 : i32
    %dma_start3A_75 = arith.constant 0 : i32
    %dma_start3A_76 = arith.constant 0 : i32
    %dma_start3A_77 = arith.constant 0 : i32
    %dma_start3A_78 = tpu.memref_slice %arg4[%dma_start3A_73, %dma_start3A_76, %dma_start3A_77] : memref<2x16x2048xf32, #tpu.memory_space<vmem>> -> memref<1x16x2048xf32, #tpu.memory_space<vmem>>
    %dma_start3A_79 = tpu.memref_squeeze %dma_start3A_78 : memref<1x16x2048xf32, #tpu.memory_space<vmem>> -> memref<16x2048xf32, #tpu.memory_space<vmem>>
    %dma_start3A_80 = arith.constant 0 : i32
    %dma_start3A_81 = tpu.memref_slice %arg3[%dma_start3A_74, %add3A_4, %dma_start3A_80] : memref<4x4096x2048xf32, #tpu.memory_space<hbm>> -> memref<1x16x2048xf32, #tpu.memory_space<hbm>>
    %dma_start3A_82 = tpu.memref_squeeze %dma_start3A_81 : memref<1x16x2048xf32, #tpu.memory_space<hbm>> -> memref<16x2048xf32, #tpu.memory_space<hbm>>
    %dma_start3A_83 = tpu.memref_slice %arg6[%dma_start3A_75] : memref<2x!tpu.dma_semaphore, #tpu.memory_space<semaphore_mem>> -> memref<1x!tpu.dma_semaphore, #tpu.memory_space<semaphore_mem>>
    %dma_start3A_84 = tpu.memref_squeeze %dma_start3A_83 : memref<1x!tpu.dma_semaphore, #tpu.memory_space<semaphore_mem>> -> memref<!tpu.dma_semaphore, #tpu.memory_space<semaphore_mem>>
    %dma_start3A_85 = arith.constant 0 : i32
    %dma_start3A_86 = tpu.memref_slice %arg3[%dma_start3A_74, %add3A_4, %dma_start3A_85] : memref<4x4096x2048xf32, #tpu.memory_space<hbm>> -> memref<1x16x2048xf32, #tpu.memory_space<hbm>>
    %dma_start3A_87 = tpu.memref_squeeze %dma_start3A_86 : memref<1x16x2048xf32, #tpu.memory_space<hbm>> -> memref<16x2048xf32, #tpu.memory_space<hbm>>
    %dma_start3A_88 = arith.constant 0 : i32
    %dma_start3A_89 = arith.constant 0 : i32
    %dma_start3A_90 = tpu.memref_slice %arg4[%dma_start3A_73, %dma_start3A_88, %dma_start3A_89] : memref<2x16x2048xf32, #tpu.memory_space<vmem>> -> memref<1x16x2048xf32, #tpu.memory_space<vmem>>
    %dma_start3A_91 = tpu.memref_squeeze %dma_start3A_90 : memref<1x16x2048xf32, #tpu.memory_space<vmem>> -> memref<16x2048xf32, #tpu.memory_space<vmem>>
    tpu.enqueue_dma source(%dma_start3A_91 : memref<16x2048xf32, #tpu.memory_space<vmem>>) target(%dma_start3A_87 : memref<16x2048xf32, #tpu.memory_space<hbm>>) target_semaphore(%dma_start3A_84 : memref<!tpu.dma_semaphore, #tpu.memory_space<semaphore_mem>>)
    %dma_start3A_92 = arith.constant 0 : i32
    %dma_start3A_93 = arith.constant 3 : i32
    %dma_start3A_94 = arith.constant 0 : i32
    %dma_start3A_95 = arith.constant 0 : i32
    %dma_start3A_96 = arith.constant 0 : i32
    %dma_start3A_97 = tpu.memref_slice %arg4[%dma_start3A_92, %dma_start3A_95, %dma_start3A_96] : memref<2x16x2048xf32, #tpu.memory_space<vmem>> -> memref<1x16x2048xf32, #tpu.memory_space<vmem>>
    %dma_start3A_98 = tpu.memref_squeeze %dma_start3A_97 : memref<1x16x2048xf32, #tpu.memory_space<vmem>> -> memref<16x2048xf32, #tpu.memory_space<vmem>>
    %dma_start3A_99 = arith.constant 0 : i32
    %dma_start3A_100 = tpu.memref_slice %arg3[%dma_start3A_93, %add3A_4, %dma_start3A_99] : memref<4x4096x2048xf32, #tpu.memory_space<hbm>> -> memref<1x16x2048xf32, #tpu.memory_space<hbm>>
    %dma_start3A_101 = tpu.memref_squeeze %dma_start3A_100 : memref<1x16x2048xf32, #tpu.memory_space<hbm>> -> memref<16x2048xf32, #tpu.memory_space<hbm>>
    %dma_start3A_102 = tpu.memref_slice %arg6[%dma_start3A_94] : memref<2x!tpu.dma_semaphore, #tpu.memory_space<semaphore_mem>> -> memref<1x!tpu.dma_semaphore, #tpu.memory_space<semaphore_mem>>
    %dma_start3A_103 = tpu.memref_squeeze %dma_start3A_102 : memref<1x!tpu.dma_semaphore, #tpu.memory_space<semaphore_mem>> -> memref<!tpu.dma_semaphore, #tpu.memory_space<semaphore_mem>>
    %dma_start3A_104 = arith.constant 0 : i32
    %dma_start3A_105 = tpu.memref_slice %arg3[%dma_start3A_93, %add3A_4, %dma_start3A_104] : memref<4x4096x2048xf32, #tpu.memory_space<hbm>> -> memref<1x16x2048xf32, #tpu.memory_space<hbm>>
    %dma_start3A_106 = tpu.memref_squeeze %dma_start3A_105 : memref<1x16x2048xf32, #tpu.memory_space<hbm>> -> memref<16x2048xf32, #tpu.memory_space<hbm>>
    %dma_start3A_107 = arith.constant 0 : i32
    %dma_start3A_108 = arith.constant 0 : i32
    %dma_start3A_109 = tpu.memref_slice %arg4[%dma_start3A_92, %dma_start3A_107, %dma_start3A_108] : memref<2x16x2048xf32, #tpu.memory_space<vmem>> -> memref<1x16x2048xf32, #tpu.memory_space<vmem>>
    %dma_start3A_110 = tpu.memref_squeeze %dma_start3A_109 : memref<1x16x2048xf32, #tpu.memory_space<vmem>> -> memref<16x2048xf32, #tpu.memory_space<vmem>>
    tpu.enqueue_dma source(%dma_start3A_110 : memref<16x2048xf32, #tpu.memory_space<vmem>>) target(%dma_start3A_106 : memref<16x2048xf32, #tpu.memory_space<hbm>>) target_semaphore(%dma_start3A_103 : memref<!tpu.dma_semaphore, #tpu.memory_space<semaphore_mem>>)
    %add3A_111 = arith.constant 16 : i32
    %add3A_112 = arith.addi %mul3A_2, %add3A_111 : i32
    %dma_start3A_113 = arith.constant 1 : i32
    %dma_start3A_114 = arith.constant 1 : i32
    %dma_start3A_115 = arith.constant 0 : i32
    %dma_start3A_116 = arith.constant 0 : i32
    %dma_start3A_117 = tpu.memref_slice %arg4[%dma_start3A_113, %dma_start3A_115, %dma_start3A_116] : memref<2x16x2048xf32, #tpu.memory_space<vmem>> -> memref<1x16x2048xf32, #tpu.memory_space<vmem>>
    %dma_start3A_118 = tpu.memref_squeeze %dma_start3A_117 : memref<1x16x2048xf32, #tpu.memory_space<vmem>> -> memref<16x2048xf32, #tpu.memory_space<vmem>>
    %dma_start3A_119 = arith.constant 0 : i32
    %dma_start3A_120 = tpu.memref_slice %arg2[%add3A_112, %dma_start3A_119] : memref<8192x2048xf32, #tpu.memory_space<hbm>> -> memref<16x2048xf32, #tpu.memory_space<hbm>>
    %dma_start3A_121 = tpu.memref_slice %arg5[%dma_start3A_114] : memref<2x!tpu.dma_semaphore, #tpu.memory_space<semaphore_mem>> -> memref<1x!tpu.dma_semaphore, #tpu.memory_space<semaphore_mem>>
    %dma_start3A_122 = tpu.memref_squeeze %dma_start3A_121 : memref<1x!tpu.dma_semaphore, #tpu.memory_space<semaphore_mem>> -> memref<!tpu.dma_semaphore, #tpu.memory_space<semaphore_mem>>
    %dma_start3A_123 = arith.constant 0 : i32
    %dma_start3A_124 = arith.constant 0 : i32
    %dma_start3A_125 = tpu.memref_slice %arg4[%dma_start3A_113, %dma_start3A_123, %dma_start3A_124] : memref<2x16x2048xf32, #tpu.memory_space<vmem>> -> memref<1x16x2048xf32, #tpu.memory_space<vmem>>
    %dma_start3A_126 = tpu.memref_squeeze %dma_start3A_125 : memref<1x16x2048xf32, #tpu.memory_space<vmem>> -> memref<16x2048xf32, #tpu.memory_space<vmem>>
    %dma_start3A_127 = arith.constant 0 : i32
    %dma_start3A_128 = tpu.memref_slice %arg2[%add3A_112, %dma_start3A_127] : memref<8192x2048xf32, #tpu.memory_space<hbm>> -> memref<16x2048xf32, #tpu.memory_space<hbm>>
    tpu.enqueue_dma source(%dma_start3A_128 : memref<16x2048xf32, #tpu.memory_space<hbm>>) target(%dma_start3A_126 : memref<16x2048xf32, #tpu.memory_space<vmem>>) target_semaphore(%dma_start3A_122 : memref<!tpu.dma_semaphore, #tpu.memory_space<semaphore_mem>>)
    %dma_wait3A_129 = arith.constant 1 : i32
    %dma_wait3A_130 = arith.constant 1 : i32
    %dma_wait3A_131 = arith.constant 0 : i32
    %dma_wait3A_132 = arith.constant 0 : i32
    %dma_wait3A_133 = tpu.memref_slice %arg4[%dma_wait3A_129, %dma_wait3A_131, %dma_wait3A_132] : memref<2x16x2048xf32, #tpu.memory_space<vmem>> -> memref<1x16x2048xf32, #tpu.memory_space<vmem>>
    %dma_wait3A_134 = tpu.memref_squeeze %dma_wait3A_133 : memref<1x16x2048xf32, #tpu.memory_space<vmem>> -> memref<16x2048xf32, #tpu.memory_space<vmem>>
    %dma_wait3A_135 = arith.constant 0 : i32
    %dma_wait3A_136 = tpu.memref_slice %arg2[%add3A_112, %dma_wait3A_135] : memref<8192x2048xf32, #tpu.memory_space<hbm>> -> memref<16x2048xf32, #tpu.memory_space<hbm>>
    %dma_wait3A_137 = tpu.memref_slice %arg5[%dma_wait3A_130] : memref<2x!tpu.dma_semaphore, #tpu.memory_space<semaphore_mem>> -> memref<1x!tpu.dma_semaphore, #tpu.memory_space<semaphore_mem>>
    %dma_wait3A_138 = tpu.memref_squeeze %dma_wait3A_137 : memref<1x!tpu.dma_semaphore, #tpu.memory_space<semaphore_mem>> -> memref<!tpu.dma_semaphore, #tpu.memory_space<semaphore_mem>>
    %dma_wait3A_139 = arith.constant 0 : i32
    %dma_wait3A_140 = arith.constant 0 : i32
    %dma_wait3A_141 = tpu.memref_slice %arg4[%dma_wait3A_129, %dma_wait3A_139, %dma_wait3A_140] : memref<2x16x2048xf32, #tpu.memory_space<vmem>> -> memref<1x16x2048xf32, #tpu.memory_space<vmem>>
    %dma_wait3A_142 = tpu.memref_squeeze %dma_wait3A_141 : memref<1x16x2048xf32, #tpu.memory_space<vmem>> -> memref<16x2048xf32, #tpu.memory_space<vmem>>
    %dma_wait3A_143 = arith.constant 0 : i32
    %dma_wait3A_144 = tpu.memref_slice %arg2[%add3A_112, %dma_wait3A_143] : memref<8192x2048xf32, #tpu.memory_space<hbm>> -> memref<16x2048xf32, #tpu.memory_space<hbm>>
    tpu.wait_dma2 semaphore(%dma_wait3A_138 : memref<!tpu.dma_semaphore, #tpu.memory_space<semaphore_mem>>) src(%dma_wait3A_144 : memref<16x2048xf32, #tpu.memory_space<hbm>>) dst(%dma_wait3A_142 : memref<16x2048xf32, #tpu.memory_space<vmem>>)
    %dma_start3A_145 = arith.constant 1 : i32
    %dma_start3A_146 = arith.constant 0 : i32
    %dma_start3A_147 = arith.constant 1 : i32
    %dma_start3A_148 = arith.constant 0 : i32
    %dma_start3A_149 = arith.constant 0 : i32
    %dma_start3A_150 = tpu.memref_slice %arg4[%dma_start3A_145, %dma_start3A_148, %dma_start3A_149] : memref<2x16x2048xf32, #tpu.memory_space<vmem>> -> memref<1x16x2048xf32, #tpu.memory_space<vmem>>
    %dma_start3A_151 = tpu.memref_squeeze %dma_start3A_150 : memref<1x16x2048xf32, #tpu.memory_space<vmem>> -> memref<16x2048xf32, #tpu.memory_space<vmem>>
    %dma_start3A_152 = arith.constant 0 : i32
    %dma_start3A_153 = tpu.memref_slice %arg3[%dma_start3A_146, %add3A_112, %dma_start3A_152] : memref<4x4096x2048xf32, #tpu.memory_space<hbm>> -> memref<1x16x2048xf32, #tpu.memory_space<hbm>>
    %dma_start3A_154 = tpu.memref_squeeze %dma_start3A_153 : memref<1x16x2048xf32, #tpu.memory_space<hbm>> -> memref<16x2048xf32, #tpu.memory_space<hbm>>
    %dma_start3A_155 = tpu.memref_slice %arg6[%dma_start3A_147] : memref<2x!tpu.dma_semaphore, #tpu.memory_space<semaphore_mem>> -> memref<1x!tpu.dma_semaphore, #tpu.memory_space<semaphore_mem>>
    %dma_start3A_156 = tpu.memref_squeeze %dma_start3A_155 : memref<1x!tpu.dma_semaphore, #tpu.memory_space<semaphore_mem>> -> memref<!tpu.dma_semaphore, #tpu.memory_space<semaphore_mem>>
    %dma_start3A_157 = arith.constant 0 : i32
    %dma_start3A_158 = tpu.memref_slice %arg3[%dma_start3A_146, %add3A_112, %dma_start3A_157] : memref<4x4096x2048xf32, #tpu.memory_space<hbm>> -> memref<1x16x2048xf32, #tpu.memory_space<hbm>>
    %dma_start3A_159 = tpu.memref_squeeze %dma_start3A_158 : memref<1x16x2048xf32, #tpu.memory_space<hbm>> -> memref<16x2048xf32, #tpu.memory_space<hbm>>
    %dma_start3A_160 = arith.constant 0 : i32
    %dma_start3A_161 = arith.constant 0 : i32
    %dma_start3A_162 = tpu.memref_slice %arg4[%dma_start3A_145, %dma_start3A_160, %dma_start3A_161] : memref<2x16x2048xf32, #tpu.memory_space<vmem>> -> memref<1x16x2048xf32, #tpu.memory_space<vmem>>
    %dma_start3A_163 = tpu.memref_squeeze %dma_start3A_162 : memref<1x16x2048xf32, #tpu.memory_space<vmem>> -> memref<16x2048xf32, #tpu.memory_space<vmem>>
    tpu.enqueue_dma source(%dma_start3A_163 : memref<16x2048xf32, #tpu.memory_space<vmem>>) target(%dma_start3A_159 : memref<16x2048xf32, #tpu.memory_space<hbm>>) target_semaphore(%dma_start3A_156 : memref<!tpu.dma_semaphore, #tpu.memory_space<semaphore_mem>>)
    %dma_start3A_164 = arith.constant 1 : i32
    %dma_start3A_165 = arith.constant 1 : i32
    %dma_start3A_166 = arith.constant 1 : i32
    %dma_start3A_167 = arith.constant 0 : i32
    %dma_start3A_168 = arith.constant 0 : i32
    %dma_start3A_169 = tpu.memref_slice %arg4[%dma_start3A_164, %dma_start3A_167, %dma_start3A_168] : memref<2x16x2048xf32, #tpu.memory_space<vmem>> -> memref<1x16x2048xf32, #tpu.memory_space<vmem>>
    %dma_start3A_170 = tpu.memref_squeeze %dma_start3A_169 : memref<1x16x2048xf32, #tpu.memory_space<vmem>> -> memref<16x2048xf32, #tpu.memory_space<vmem>>
    %dma_start3A_171 = arith.constant 0 : i32
    %dma_start3A_172 = tpu.memref_slice %arg3[%dma_start3A_165, %add3A_112, %dma_start3A_171] : memref<4x4096x2048xf32, #tpu.memory_space<hbm>> -> memref<1x16x2048xf32, #tpu.memory_space<hbm>>
    %dma_start3A_173 = tpu.memref_squeeze %dma_start3A_172 : memref<1x16x2048xf32, #tpu.memory_space<hbm>> -> memref<16x2048xf32, #tpu.memory_space<hbm>>
    %dma_start3A_174 = tpu.memref_slice %arg6[%dma_start3A_166] : memref<2x!tpu.dma_semaphore, #tpu.memory_space<semaphore_mem>> -> memref<1x!tpu.dma_semaphore, #tpu.memory_space<semaphore_mem>>
    %dma_start3A_175 = tpu.memref_squeeze %dma_start3A_174 : memref<1x!tpu.dma_semaphore, #tpu.memory_space<semaphore_mem>> -> memref<!tpu.dma_semaphore, #tpu.memory_space<semaphore_mem>>
    %dma_start3A_176 = arith.constant 0 : i32
    %dma_start3A_177 = tpu.memref_slice %arg3[%dma_start3A_165, %add3A_112, %dma_start3A_176] : memref<4x4096x2048xf32, #tpu.memory_space<hbm>> -> memref<1x16x2048xf32, #tpu.memory_space<hbm>>
    %dma_start3A_178 = tpu.memref_squeeze %dma_start3A_177 : memref<1x16x2048xf32, #tpu.memory_space<hbm>> -> memref<16x2048xf32, #tpu.memory_space<hbm>>
    %dma_start3A_179 = arith.constant 0 : i32
    %dma_start3A_180 = arith.constant 0 : i32
    %dma_start3A_181 = tpu.memref_slice %arg4[%dma_start3A_164, %dma_start3A_179, %dma_start3A_180] : memref<2x16x2048xf32, #tpu.memory_space<vmem>> -> memref<1x16x2048xf32, #tpu.memory_space<vmem>>
    %dma_start3A_182 = tpu.memref_squeeze %dma_start3A_181 : memref<1x16x2048xf32, #tpu.memory_space<vmem>> -> memref<16x2048xf32, #tpu.memory_space<vmem>>
    tpu.enqueue_dma source(%dma_start3A_182 : memref<16x2048xf32, #tpu.memory_space<vmem>>) target(%dma_start3A_178 : memref<16x2048xf32, #tpu.memory_space<hbm>>) target_semaphore(%dma_start3A_175 : memref<!tpu.dma_semaphore, #tpu.memory_space<semaphore_mem>>)
    %dma_start3A_183 = arith.constant 1 : i32
    %dma_start3A_184 = arith.constant 2 : i32
    %dma_start3A_185 = arith.constant 1 : i32
    %dma_start3A_186 = arith.constant 0 : i32
    %dma_start3A_187 = arith.constant 0 : i32
    %dma_start3A_188 = tpu.memref_slice %arg4[%dma_start3A_183, %dma_start3A_186, %dma_start3A_187] : memref<2x16x2048xf32, #tpu.memory_space<vmem>> -> memref<1x16x2048xf32, #tpu.memory_space<vmem>>
    %dma_start3A_189 = tpu.memref_squeeze %dma_start3A_188 : memref<1x16x2048xf32, #tpu.memory_space<vmem>> -> memref<16x2048xf32, #tpu.memory_space<vmem>>
    %dma_start3A_190 = arith.constant 0 : i32
    %dma_start3A_191 = tpu.memref_slice %arg3[%dma_start3A_184, %add3A_112, %dma_start3A_190] : memref<4x4096x2048xf32, #tpu.memory_space<hbm>> -> memref<1x16x2048xf32, #tpu.memory_space<hbm>>
    %dma_start3A_192 = tpu.memref_squeeze %dma_start3A_191 : memref<1x16x2048xf32, #tpu.memory_space<hbm>> -> memref<16x2048xf32, #tpu.memory_space<hbm>>
    %dma_start3A_193 = tpu.memref_slice %arg6[%dma_start3A_185] : memref<2x!tpu.dma_semaphore, #tpu.memory_space<semaphore_mem>> -> memref<1x!tpu.dma_semaphore, #tpu.memory_space<semaphore_mem>>
    %dma_start3A_194 = tpu.memref_squeeze %dma_start3A_193 : memref<1x!tpu.dma_semaphore, #tpu.memory_space<semaphore_mem>> -> memref<!tpu.dma_semaphore, #tpu.memory_space<semaphore_mem>>
    %dma_start3A_195 = arith.constant 0 : i32
    %dma_start3A_196 = tpu.memref_slice %arg3[%dma_start3A_184, %add3A_112, %dma_start3A_195] : memref<4x4096x2048xf32, #tpu.memory_space<hbm>> -> memref<1x16x2048xf32, #tpu.memory_space<hbm>>
    %dma_start3A_197 = tpu.memref_squeeze %dma_start3A_196 : memref<1x16x2048xf32, #tpu.memory_space<hbm>> -> memref<16x2048xf32, #tpu.memory_space<hbm>>
    %dma_start3A_198 = arith.constant 0 : i32
    %dma_start3A_199 = arith.constant 0 : i32
    %dma_start3A_200 = tpu.memref_slice %arg4[%dma_start3A_183, %dma_start3A_198, %dma_start3A_199] : memref<2x16x2048xf32, #tpu.memory_space<vmem>> -> memref<1x16x2048xf32, #tpu.memory_space<vmem>>
    %dma_start3A_201 = tpu.memref_squeeze %dma_start3A_200 : memref<1x16x2048xf32, #tpu.memory_space<vmem>> -> memref<16x2048xf32, #tpu.memory_space<vmem>>
    tpu.enqueue_dma source(%dma_start3A_201 : memref<16x2048xf32, #tpu.memory_space<vmem>>) target(%dma_start3A_197 : memref<16x2048xf32, #tpu.memory_space<hbm>>) target_semaphore(%dma_start3A_194 : memref<!tpu.dma_semaphore, #tpu.memory_space<semaphore_mem>>)
    %dma_start3A_202 = arith.constant 1 : i32
    %dma_start3A_203 = arith.constant 3 : i32
    %dma_start3A_204 = arith.constant 1 : i32
    %dma_start3A_205 = arith.constant 0 : i32
    %dma_start3A_206 = arith.constant 0 : i32
    %dma_start3A_207 = tpu.memref_slice %arg4[%dma_start3A_202, %dma_start3A_205, %dma_start3A_206] : memref<2x16x2048xf32, #tpu.memory_space<vmem>> -> memref<1x16x2048xf32, #tpu.memory_space<vmem>>
    %dma_start3A_208 = tpu.memref_squeeze %dma_start3A_207 : memref<1x16x2048xf32, #tpu.memory_space<vmem>> -> memref<16x2048xf32, #tpu.memory_space<vmem>>
    %dma_start3A_209 = arith.constant 0 : i32
    %dma_start3A_210 = tpu.memref_slice %arg3[%dma_start3A_203, %add3A_112, %dma_start3A_209] : memref<4x4096x2048xf32, #tpu.memory_space<hbm>> -> memref<1x16x2048xf32, #tpu.memory_space<hbm>>
    %dma_start3A_211 = tpu.memref_squeeze %dma_start3A_210 : memref<1x16x2048xf32, #tpu.memory_space<hbm>> -> memref<16x2048xf32, #tpu.memory_space<hbm>>
    %dma_start3A_212 = tpu.memref_slice %arg6[%dma_start3A_204] : memref<2x!tpu.dma_semaphore, #tpu.memory_space<semaphore_mem>> -> memref<1x!tpu.dma_semaphore, #tpu.memory_space<semaphore_mem>>
    %dma_start3A_213 = tpu.memref_squeeze %dma_start3A_212 : memref<1x!tpu.dma_semaphore, #tpu.memory_space<semaphore_mem>> -> memref<!tpu.dma_semaphore, #tpu.memory_space<semaphore_mem>>
    %dma_start3A_214 = arith.constant 0 : i32
    %dma_start3A_215 = tpu.memref_slice %arg3[%dma_start3A_203, %add3A_112, %dma_start3A_214] : memref<4x4096x2048xf32, #tpu.memory_space<hbm>> -> memref<1x16x2048xf32, #tpu.memory_space<hbm>>
    %dma_start3A_216 = tpu.memref_squeeze %dma_start3A_215 : memref<1x16x2048xf32, #tpu.memory_space<hbm>> -> memref<16x2048xf32, #tpu.memory_space<hbm>>
    %dma_start3A_217 = arith.constant 0 : i32
    %dma_start3A_218 = arith.constant 0 : i32
    %dma_start3A_219 = tpu.memref_slice %arg4[%dma_start3A_202, %dma_start3A_217, %dma_start3A_218] : memref<2x16x2048xf32, #tpu.memory_space<vmem>> -> memref<1x16x2048xf32, #tpu.memory_space<vmem>>
    %dma_start3A_220 = tpu.memref_squeeze %dma_start3A_219 : memref<1x16x2048xf32, #tpu.memory_space<vmem>> -> memref<16x2048xf32, #tpu.memory_space<vmem>>
    tpu.enqueue_dma source(%dma_start3A_220 : memref<16x2048xf32, #tpu.memory_space<vmem>>) target(%dma_start3A_216 : memref<16x2048xf32, #tpu.memory_space<hbm>>) target_semaphore(%dma_start3A_213 : memref<!tpu.dma_semaphore, #tpu.memory_space<semaphore_mem>>)
    %add3A_221 = arith.constant 32 : i32
    %add3A_222 = arith.addi %mul3A_2, %add3A_221 : i32
    %dma_wait3A_223 = arith.constant 0 : i32
    %dma_wait3A_224 = arith.constant 0 : i32
    %dma_wait3A_225 = arith.constant 0 : i32
    %dma_wait3A_226 = arith.constant 0 : i32
    %dma_wait3A_227 = arith.constant 0 : i32
    %dma_wait3A_228 = tpu.memref_slice %arg4[%dma_wait3A_223, %dma_wait3A_226, %dma_wait3A_227] : memref<2x16x2048xf32, #tpu.memory_space<vmem>> -> memref<1x16x2048xf32, #tpu.memory_space<vmem>>
    %dma_wait3A_229 = tpu.memref_squeeze %dma_wait3A_228 : memref<1x16x2048xf32, #tpu.memory_space<vmem>> -> memref<16x2048xf32, #tpu.memory_space<vmem>>
    %dma_wait3A_230 = arith.constant 0 : i32
    %dma_wait3A_231 = tpu.memref_slice %arg3[%dma_wait3A_224, %add3A_4, %dma_wait3A_230] : memref<4x4096x2048xf32, #tpu.memory_space<hbm>> -> memref<1x16x2048xf32, #tpu.memory_space<hbm>>
    %dma_wait3A_232 = tpu.memref_squeeze %dma_wait3A_231 : memref<1x16x2048xf32, #tpu.memory_space<hbm>> -> memref<16x2048xf32, #tpu.memory_space<hbm>>
    %dma_wait3A_233 = tpu.memref_slice %arg6[%dma_wait3A_225] : memref<2x!tpu.dma_semaphore, #tpu.memory_space<semaphore_mem>> -> memref<1x!tpu.dma_semaphore, #tpu.memory_space<semaphore_mem>>
    %dma_wait3A_234 = tpu.memref_squeeze %dma_wait3A_233 : memref<1x!tpu.dma_semaphore, #tpu.memory_space<semaphore_mem>> -> memref<!tpu.dma_semaphore, #tpu.memory_space<semaphore_mem>>
    %dma_wait3A_235 = arith.constant 0 : i32
    %dma_wait3A_236 = tpu.memref_slice %arg3[%dma_wait3A_224, %add3A_4, %dma_wait3A_235] : memref<4x4096x2048xf32, #tpu.memory_space<hbm>> -> memref<1x16x2048xf32, #tpu.memory_space<hbm>>
    %dma_wait3A_237 = tpu.memref_squeeze %dma_wait3A_236 : memref<1x16x2048xf32, #tpu.memory_space<hbm>> -> memref<16x2048xf32, #tpu.memory_space<hbm>>
    %dma_wait3A_238 = arith.constant 0 : i32
    %dma_wait3A_239 = arith.constant 0 : i32
    %dma_wait3A_240 = tpu.memref_slice %arg4[%dma_wait3A_223, %dma_wait3A_238, %dma_wait3A_239] : memref<2x16x2048xf32, #tpu.memory_space<vmem>> -> memref<1x16x2048xf32, #tpu.memory_space<vmem>>
    %dma_wait3A_241 = tpu.memref_squeeze %dma_wait3A_240 : memref<1x16x2048xf32, #tpu.memory_space<vmem>> -> memref<16x2048xf32, #tpu.memory_space<vmem>>
    tpu.wait_dma2 semaphore(%dma_wait3A_234 : memref<!tpu.dma_semaphore, #tpu.memory_space<semaphore_mem>>) src(%dma_wait3A_241 : memref<16x2048xf32, #tpu.memory_space<vmem>>) dst(%dma_wait3A_237 : memref<16x2048xf32, #tpu.memory_space<hbm>>)
    %dma_wait3A_242 = arith.constant 0 : i32
    %dma_wait3A_243 = arith.constant 1 : i32
    %dma_wait3A_244 = arith.constant 0 : i32
    %dma_wait3A_245 = arith.constant 0 : i32
    %dma_wait3A_246 = arith.constant 0 : i32
    %dma_wait3A_247 = tpu.memref_slice %arg4[%dma_wait3A_242, %dma_wait3A_245, %dma_wait3A_246] : memref<2x16x2048xf32, #tpu.memory_space<vmem>> -> memref<1x16x2048xf32, #tpu.memory_space<vmem>>
    %dma_wait3A_248 = tpu.memref_squeeze %dma_wait3A_247 : memref<1x16x2048xf32, #tpu.memory_space<vmem>> -> memref<16x2048xf32, #tpu.memory_space<vmem>>
    %dma_wait3A_249 = arith.constant 0 : i32
    %dma_wait3A_250 = tpu.memref_slice %arg3[%dma_wait3A_243, %add3A_4, %dma_wait3A_249] : memref<4x4096x2048xf32, #tpu.memory_space<hbm>> -> memref<1x16x2048xf32, #tpu.memory_space<hbm>>
    %dma_wait3A_251 = tpu.memref_squeeze %dma_wait3A_250 : memref<1x16x2048xf32, #tpu.memory_space<hbm>> -> memref<16x2048xf32, #tpu.memory_space<hbm>>
    %dma_wait3A_252 = tpu.memref_slice %arg6[%dma_wait3A_244] : memref<2x!tpu.dma_semaphore, #tpu.memory_space<semaphore_mem>> -> memref<1x!tpu.dma_semaphore, #tpu.memory_space<semaphore_mem>>
    %dma_wait3A_253 = tpu.memref_squeeze %dma_wait3A_252 : memref<1x!tpu.dma_semaphore, #tpu.memory_space<semaphore_mem>> -> memref<!tpu.dma_semaphore, #tpu.memory_space<semaphore_mem>>
    %dma_wait3A_254 = arith.constant 0 : i32
    %dma_wait3A_255 = tpu.memref_slice %arg3[%dma_wait3A_243, %add3A_4, %dma_wait3A_254] : memref<4x4096x2048xf32, #tpu.memory_space<hbm>> -> memref<1x16x2048xf32, #tpu.memory_space<hbm>>
    %dma_wait3A_256 = tpu.memref_squeeze %dma_wait3A_255 : memref<1x16x2048xf32, #tpu.memory_space<hbm>> -> memref<16x2048xf32, #tpu.memory_space<hbm>>
    %dma_wait3A_257 = arith.constant 0 : i32
    %dma_wait3A_258 = arith.constant 0 : i32
    %dma_wait3A_259 = tpu.memref_slice %arg4[%dma_wait3A_242, %dma_wait3A_257, %dma_wait3A_258] : memref<2x16x2048xf32, #tpu.memory_space<vmem>> -> memref<1x16x2048xf32, #tpu.memory_space<vmem>>
    %dma_wait3A_260 = tpu.memref_squeeze %dma_wait3A_259 : memref<1x16x2048xf32, #tpu.memory_space<vmem>> -> memref<16x2048xf32, #tpu.memory_space<vmem>>
    tpu.wait_dma2 semaphore(%dma_wait3A_253 : memref<!tpu.dma_semaphore, #tpu.memory_space<semaphore_mem>>) src(%dma_wait3A_260 : memref<16x2048xf32, #tpu.memory_space<vmem>>) dst(%dma_wait3A_256 : memref<16x2048xf32, #tpu.memory_space<hbm>>)
    %dma_wait3A_261 = arith.constant 0 : i32
    %dma_wait3A_262 = arith.constant 2 : i32
    %dma_wait3A_263 = arith.constant 0 : i32
    %dma_wait3A_264 = arith.constant 0 : i32
    %dma_wait3A_265 = arith.constant 0 : i32
    %dma_wait3A_266 = tpu.memref_slice %arg4[%dma_wait3A_261, %dma_wait3A_264, %dma_wait3A_265] : memref<2x16x2048xf32, #tpu.memory_space<vmem>> -> memref<1x16x2048xf32, #tpu.memory_space<vmem>>
    %dma_wait3A_267 = tpu.memref_squeeze %dma_wait3A_266 : memref<1x16x2048xf32, #tpu.memory_space<vmem>> -> memref<16x2048xf32, #tpu.memory_space<vmem>>
    %dma_wait3A_268 = arith.constant 0 : i32
    %dma_wait3A_269 = tpu.memref_slice %arg3[%dma_wait3A_262, %add3A_4, %dma_wait3A_268] : memref<4x4096x2048xf32, #tpu.memory_space<hbm>> -> memref<1x16x2048xf32, #tpu.memory_space<hbm>>
    %dma_wait3A_270 = tpu.memref_squeeze %dma_wait3A_269 : memref<1x16x2048xf32, #tpu.memory_space<hbm>> -> memref<16x2048xf32, #tpu.memory_space<hbm>>
    %dma_wait3A_271 = tpu.memref_slice %arg6[%dma_wait3A_263] : memref<2x!tpu.dma_semaphore, #tpu.memory_space<semaphore_mem>> -> memref<1x!tpu.dma_semaphore, #tpu.memory_space<semaphore_mem>>
    %dma_wait3A_272 = tpu.memref_squeeze %dma_wait3A_271 : memref<1x!tpu.dma_semaphore, #tpu.memory_space<semaphore_mem>> -> memref<!tpu.dma_semaphore, #tpu.memory_space<semaphore_mem>>
    %dma_wait3A_273 = arith.constant 0 : i32
    %dma_wait3A_274 = tpu.memref_slice %arg3[%dma_wait3A_262, %add3A_4, %dma_wait3A_273] : memref<4x4096x2048xf32, #tpu.memory_space<hbm>> -> memref<1x16x2048xf32, #tpu.memory_space<hbm>>
    %dma_wait3A_275 = tpu.memref_squeeze %dma_wait3A_274 : memref<1x16x2048xf32, #tpu.memory_space<hbm>> -> memref<16x2048xf32, #tpu.memory_space<hbm>>
    %dma_wait3A_276 = arith.constant 0 : i32
    %dma_wait3A_277 = arith.constant 0 : i32
    %dma_wait3A_278 = tpu.memref_slice %arg4[%dma_wait3A_261, %dma_wait3A_276, %dma_wait3A_277] : memref<2x16x2048xf32, #tpu.memory_space<vmem>> -> memref<1x16x2048xf32, #tpu.memory_space<vmem>>
    %dma_wait3A_279 = tpu.memref_squeeze %dma_wait3A_278 : memref<1x16x2048xf32, #tpu.memory_space<vmem>> -> memref<16x2048xf32, #tpu.memory_space<vmem>>
    tpu.wait_dma2 semaphore(%dma_wait3A_272 : memref<!tpu.dma_semaphore, #tpu.memory_space<semaphore_mem>>) src(%dma_wait3A_279 : memref<16x2048xf32, #tpu.memory_space<vmem>>) dst(%dma_wait3A_275 : memref<16x2048xf32, #tpu.memory_space<hbm>>)
    %dma_wait3A_280 = arith.constant 0 : i32
    %dma_wait3A_281 = arith.constant 3 : i32
    %dma_wait3A_282 = arith.constant 0 : i32
    %dma_wait3A_283 = arith.constant 0 : i32
    %dma_wait3A_284 = arith.constant 0 : i32
    %dma_wait3A_285 = tpu.memref_slice %arg4[%dma_wait3A_280, %dma_wait3A_283, %dma_wait3A_284] : memref<2x16x2048xf32, #tpu.memory_space<vmem>> -> memref<1x16x2048xf32, #tpu.memory_space<vmem>>
    %dma_wait3A_286 = tpu.memref_squeeze %dma_wait3A_285 : memref<1x16x2048xf32, #tpu.memory_space<vmem>> -> memref<16x2048xf32, #tpu.memory_space<vmem>>
    %dma_wait3A_287 = arith.constant 0 : i32
    %dma_wait3A_288 = tpu.memref_slice %arg3[%dma_wait3A_281, %add3A_4, %dma_wait3A_287] : memref<4x4096x2048xf32, #tpu.memory_space<hbm>> -> memref<1x16x2048xf32, #tpu.memory_space<hbm>>
    %dma_wait3A_289 = tpu.memref_squeeze %dma_wait3A_288 : memref<1x16x2048xf32, #tpu.memory_space<hbm>> -> memref<16x2048xf32, #tpu.memory_space<hbm>>
    %dma_wait3A_290 = tpu.memref_slice %arg6[%dma_wait3A_282] : memref<2x!tpu.dma_semaphore, #tpu.memory_space<semaphore_mem>> -> memref<1x!tpu.dma_semaphore, #tpu.memory_space<semaphore_mem>>
    %dma_wait3A_291 = tpu.memref_squeeze %dma_wait3A_290 : memref<1x!tpu.dma_semaphore, #tpu.memory_space<semaphore_mem>> -> memref<!tpu.dma_semaphore, #tpu.memory_space<semaphore_mem>>
    %dma_wait3A_292 = arith.constant 0 : i32
    %dma_wait3A_293 = tpu.memref_slice %arg3[%dma_wait3A_281, %add3A_4, %dma_wait3A_292] : memref<4x4096x2048xf32, #tpu.memory_space<hbm>> -> memref<1x16x2048xf32, #tpu.memory_space<hbm>>
    %dma_wait3A_294 = tpu.memref_squeeze %dma_wait3A_293 : memref<1x16x2048xf32, #tpu.memory_space<hbm>> -> memref<16x2048xf32, #tpu.memory_space<hbm>>
    %dma_wait3A_295 = arith.constant 0 : i32
    %dma_wait3A_296 = arith.constant 0 : i32
    %dma_wait3A_297 = tpu.memref_slice %arg4[%dma_wait3A_280, %dma_wait3A_295, %dma_wait3A_296] : memref<2x16x2048xf32, #tpu.memory_space<vmem>> -> memref<1x16x2048xf32, #tpu.memory_space<vmem>>
    %dma_wait3A_298 = tpu.memref_squeeze %dma_wait3A_297 : memref<1x16x2048xf32, #tpu.memory_space<vmem>> -> memref<16x2048xf32, #tpu.memory_space<vmem>>
    tpu.wait_dma2 semaphore(%dma_wait3A_291 : memref<!tpu.dma_semaphore, #tpu.memory_space<semaphore_mem>>) src(%dma_wait3A_298 : memref<16x2048xf32, #tpu.memory_space<vmem>>) dst(%dma_wait3A_294 : memref<16x2048xf32, #tpu.memory_space<hbm>>)
    %dma_start3A_299 = arith.constant 0 : i32
    %dma_start3A_300 = arith.constant 0 : i32
    %dma_start3A_301 = arith.constant 0 : i32
    %dma_start3A_302 = arith.constant 0 : i32
    %dma_start3A_303 = tpu.memref_slice %arg4[%dma_start3A_299, %dma_start3A_301, %dma_start3A_302] : memref<2x16x2048xf32, #tpu.memory_space<vmem>> -> memref<1x16x2048xf32, #tpu.memory_space<vmem>>
    %dma_start3A_304 = tpu.memref_squeeze %dma_start3A_303 : memref<1x16x2048xf32, #tpu.memory_space<vmem>> -> memref<16x2048xf32, #tpu.memory_space<vmem>>
    %dma_start3A_305 = arith.constant 0 : i32
    %dma_start3A_306 = tpu.memref_slice %arg2[%add3A_222, %dma_start3A_305] : memref<8192x2048xf32, #tpu.memory_space<hbm>> -> memref<16x2048xf32, #tpu.memory_space<hbm>>
    %dma_start3A_307 = tpu.memref_slice %arg5[%dma_start3A_300] : memref<2x!tpu.dma_semaphore, #tpu.memory_space<semaphore_mem>> -> memref<1x!tpu.dma_semaphore, #tpu.memory_space<semaphore_mem>>
    %dma_start3A_308 = tpu.memref_squeeze %dma_start3A_307 : memref<1x!tpu.dma_semaphore, #tpu.memory_space<semaphore_mem>> -> memref<!tpu.dma_semaphore, #tpu.memory_space<semaphore_mem>>
    %dma_start3A_309 = arith.constant 0 : i32
    %dma_start3A_310 = arith.constant 0 : i32
    %dma_start3A_311 = tpu.memref_slice %arg4[%dma_start3A_299, %dma_start3A_309, %dma_start3A_310] : memref<2x16x2048xf32, #tpu.memory_space<vmem>> -> memref<1x16x2048xf32, #tpu.memory_space<vmem>>
    %dma_start3A_312 = tpu.memref_squeeze %dma_start3A_311 : memref<1x16x2048xf32, #tpu.memory_space<vmem>> -> memref<16x2048xf32, #tpu.memory_space<vmem>>
    %dma_start3A_313 = arith.constant 0 : i32
    %dma_start3A_314 = tpu.memref_slice %arg2[%add3A_222, %dma_start3A_313] : memref<8192x2048xf32, #tpu.memory_space<hbm>> -> memref<16x2048xf32, #tpu.memory_space<hbm>>
    tpu.enqueue_dma source(%dma_start3A_314 : memref<16x2048xf32, #tpu.memory_space<hbm>>) target(%dma_start3A_312 : memref<16x2048xf32, #tpu.memory_space<vmem>>) target_semaphore(%dma_start3A_308 : memref<!tpu.dma_semaphore, #tpu.memory_space<semaphore_mem>>)
    %dma_wait3A_315 = arith.constant 0 : i32
    %dma_wait3A_316 = arith.constant 0 : i32
    %dma_wait3A_317 = arith.constant 0 : i32
    %dma_wait3A_318 = arith.constant 0 : i32
    %dma_wait3A_319 = tpu.memref_slice %arg4[%dma_wait3A_315, %dma_wait3A_317, %dma_wait3A_318] : memref<2x16x2048xf32, #tpu.memory_space<vmem>> -> memref<1x16x2048xf32, #tpu.memory_space<vmem>>
    %dma_wait3A_320 = tpu.memref_squeeze %dma_wait3A_319 : memref<1x16x2048xf32, #tpu.memory_space<vmem>> -> memref<16x2048xf32, #tpu.memory_space<vmem>>
    %dma_wait3A_321 = arith.constant 0 : i32
    %dma_wait3A_322 = tpu.memref_slice %arg2[%add3A_222, %dma_wait3A_321] : memref<8192x2048xf32, #tpu.memory_space<hbm>> -> memref<16x2048xf32, #tpu.memory_space<hbm>>
    %dma_wait3A_323 = tpu.memref_slice %arg5[%dma_wait3A_316] : memref<2x!tpu.dma_semaphore, #tpu.memory_space<semaphore_mem>> -> memref<1x!tpu.dma_semaphore, #tpu.memory_space<semaphore_mem>>
    %dma_wait3A_324 = tpu.memref_squeeze %dma_wait3A_323 : memref<1x!tpu.dma_semaphore, #tpu.memory_space<semaphore_mem>> -> memref<!tpu.dma_semaphore, #tpu.memory_space<semaphore_mem>>
    %dma_wait3A_325 = arith.constant 0 : i32
    %dma_wait3A_326 = arith.constant 0 : i32
    %dma_wait3A_327 = tpu.memref_slice %arg4[%dma_wait3A_315, %dma_wait3A_325, %dma_wait3A_326] : memref<2x16x2048xf32, #tpu.memory_space<vmem>> -> memref<1x16x2048xf32, #tpu.memory_space<vmem>>
    %dma_wait3A_328 = tpu.memref_squeeze %dma_wait3A_327 : memref<1x16x2048xf32, #tpu.memory_space<vmem>> -> memref<16x2048xf32, #tpu.memory_space<vmem>>
    %dma_wait3A_329 = arith.constant 0 : i32
    %dma_wait3A_330 = tpu.memref_slice %arg2[%add3A_222, %dma_wait3A_329] : memref<8192x2048xf32, #tpu.memory_space<hbm>> -> memref<16x2048xf32, #tpu.memory_space<hbm>>
    tpu.wait_dma2 semaphore(%dma_wait3A_324 : memref<!tpu.dma_semaphore, #tpu.memory_space<semaphore_mem>>) src(%dma_wait3A_330 : memref<16x2048xf32, #tpu.memory_space<hbm>>) dst(%dma_wait3A_328 : memref<16x2048xf32, #tpu.memory_space<vmem>>)
    %dma_start3A_331 = arith.constant 0 : i32
    %dma_start3A_332 = arith.constant 0 : i32
    %dma_start3A_333 = arith.constant 0 : i32
    %dma_start3A_334 = arith.constant 0 : i32
    %dma_start3A_335 = arith.constant 0 : i32
    %dma_start3A_336 = tpu.memref_slice %arg4[%dma_start3A_331, %dma_start3A_334, %dma_start3A_335] : memref<2x16x2048xf32, #tpu.memory_space<vmem>> -> memref<1x16x2048xf32, #tpu.memory_space<vmem>>
    %dma_start3A_337 = tpu.memref_squeeze %dma_start3A_336 : memref<1x16x2048xf32, #tpu.memory_space<vmem>> -> memref<16x2048xf32, #tpu.memory_space<vmem>>
    %dma_start3A_338 = arith.constant 0 : i32
    %dma_start3A_339 = tpu.memref_slice %arg3[%dma_start3A_332, %add3A_222, %dma_start3A_338] : memref<4x4096x2048xf32, #tpu.memory_space<hbm>> -> memref<1x16x2048xf32, #tpu.memory_space<hbm>>
    %dma_start3A_340 = tpu.memref_squeeze %dma_start3A_339 : memref<1x16x2048xf32, #tpu.memory_space<hbm>> -> memref<16x2048xf32, #tpu.memory_space<hbm>>
    %dma_start3A_341 = tpu.memref_slice %arg6[%dma_start3A_333] : memref<2x!tpu.dma_semaphore, #tpu.memory_space<semaphore_mem>> -> memref<1x!tpu.dma_semaphore, #tpu.memory_space<semaphore_mem>>
    %dma_start3A_342 = tpu.memref_squeeze %dma_start3A_341 : memref<1x!tpu.dma_semaphore, #tpu.memory_space<semaphore_mem>> -> memref<!tpu.dma_semaphore, #tpu.memory_space<semaphore_mem>>
    %dma_start3A_343 = arith.constant 0 : i32
    %dma_start3A_344 = tpu.memref_slice %arg3[%dma_start3A_332, %add3A_222, %dma_start3A_343] : memref<4x4096x2048xf32, #tpu.memory_space<hbm>> -> memref<1x16x2048xf32, #tpu.memory_space<hbm>>
    %dma_start3A_345 = tpu.memref_squeeze %dma_start3A_344 : memref<1x16x2048xf32, #tpu.memory_space<hbm>> -> memref<16x2048xf32, #tpu.memory_space<hbm>>
    %dma_start3A_346 = arith.constant 0 : i32
    %dma_start3A_347 = arith.constant 0 : i32
    %dma_start3A_348 = tpu.memref_slice %arg4[%dma_start3A_331, %dma_start3A_346, %dma_start3A_347] : memref<2x16x2048xf32, #tpu.memory_space<vmem>> -> memref<1x16x2048xf32, #tpu.memory_space<vmem>>
    %dma_start3A_349 = tpu.memref_squeeze %dma_start3A_348 : memref<1x16x2048xf32, #tpu.memory_space<vmem>> -> memref<16x2048xf32, #tpu.memory_space<vmem>>
    tpu.enqueue_dma source(%dma_start3A_349 : memref<16x2048xf32, #tpu.memory_space<vmem>>) target(%dma_start3A_345 : memref<16x2048xf32, #tpu.memory_space<hbm>>) target_semaphore(%dma_start3A_342 : memref<!tpu.dma_semaphore, #tpu.memory_space<semaphore_mem>>)
    %dma_start3A_350 = arith.constant 0 : i32
    %dma_start3A_351 = arith.constant 1 : i32
    %dma_start3A_352 = arith.constant 0 : i32
    %dma_start3A_353 = arith.constant 0 : i32
    %dma_start3A_354 = arith.constant 0 : i32
    %dma_start3A_355 = tpu.memref_slice %arg4[%dma_start3A_350, %dma_start3A_353, %dma_start3A_354] : memref<2x16x2048xf32, #tpu.memory_space<vmem>> -> memref<1x16x2048xf32, #tpu.memory_space<vmem>>
    %dma_start3A_356 = tpu.memref_squeeze %dma_start3A_355 : memref<1x16x2048xf32, #tpu.memory_space<vmem>> -> memref<16x2048xf32, #tpu.memory_space<vmem>>
    %dma_start3A_357 = arith.constant 0 : i32
    %dma_start3A_358 = tpu.memref_slice %arg3[%dma_start3A_351, %add3A_222, %dma_start3A_357] : memref<4x4096x2048xf32, #tpu.memory_space<hbm>> -> memref<1x16x2048xf32, #tpu.memory_space<hbm>>
    %dma_start3A_359 = tpu.memref_squeeze %dma_start3A_358 : memref<1x16x2048xf32, #tpu.memory_space<hbm>> -> memref<16x2048xf32, #tpu.memory_space<hbm>>
    %dma_start3A_360 = tpu.memref_slice %arg6[%dma_start3A_352] : memref<2x!tpu.dma_semaphore, #tpu.memory_space<semaphore_mem>> -> memref<1x!tpu.dma_semaphore, #tpu.memory_space<semaphore_mem>>
    %dma_start3A_361 = tpu.memref_squeeze %dma_start3A_360 : memref<1x!tpu.dma_semaphore, #tpu.memory_space<semaphore_mem>> -> memref<!tpu.dma_semaphore, #tpu.memory_space<semaphore_mem>>
    %dma_start3A_362 = arith.constant 0 : i32
    %dma_start3A_363 = tpu.memref_slice %arg3[%dma_start3A_351, %add3A_222, %dma_start3A_362] : memref<4x4096x2048xf32, #tpu.memory_space<hbm>> -> memref<1x16x2048xf32, #tpu.memory_space<hbm>>
    %dma_start3A_364 = tpu.memref_squeeze %dma_start3A_363 : memref<1x16x2048xf32, #tpu.memory_space<hbm>> -> memref<16x2048xf32, #tpu.memory_space<hbm>>
    %dma_start3A_365 = arith.constant 0 : i32
    %dma_start3A_366 = arith.constant 0 : i32
    %dma_start3A_367 = tpu.memref_slice %arg4[%dma_start3A_350, %dma_start3A_365, %dma_start3A_366] : memref<2x16x2048xf32, #tpu.memory_space<vmem>> -> memref<1x16x2048xf32, #tpu.memory_space<vmem>>
    %dma_start3A_368 = tpu.memref_squeeze %dma_start3A_367 : memref<1x16x2048xf32, #tpu.memory_space<vmem>> -> memref<16x2048xf32, #tpu.memory_space<vmem>>
    tpu.enqueue_dma source(%dma_start3A_368 : memref<16x2048xf32, #tpu.memory_space<vmem>>) target(%dma_start3A_364 : memref<16x2048xf32, #tpu.memory_space<hbm>>) target_semaphore(%dma_start3A_361 : memref<!tpu.dma_semaphore, #tpu.memory_space<semaphore_mem>>)
    %dma_start3A_369 = arith.constant 0 : i32
    %dma_start3A_370 = arith.constant 2 : i32
    %dma_start3A_371 = arith.constant 0 : i32
    %dma_start3A_372 = arith.constant 0 : i32
    %dma_start3A_373 = arith.constant 0 : i32
    %dma_start3A_374 = tpu.memref_slice %arg4[%dma_start3A_369, %dma_start3A_372, %dma_start3A_373] : memref<2x16x2048xf32, #tpu.memory_space<vmem>> -> memref<1x16x2048xf32, #tpu.memory_space<vmem>>
    %dma_start3A_375 = tpu.memref_squeeze %dma_start3A_374 : memref<1x16x2048xf32, #tpu.memory_space<vmem>> -> memref<16x2048xf32, #tpu.memory_space<vmem>>
    %dma_start3A_376 = arith.constant 0 : i32
    %dma_start3A_377 = tpu.memref_slice %arg3[%dma_start3A_370, %add3A_222, %dma_start3A_376] : memref<4x4096x2048xf32, #tpu.memory_space<hbm>> -> memref<1x16x2048xf32, #tpu.memory_space<hbm>>
    %dma_start3A_378 = tpu.memref_squeeze %dma_start3A_377 : memref<1x16x2048xf32, #tpu.memory_space<hbm>> -> memref<16x2048xf32, #tpu.memory_space<hbm>>
    %dma_start3A_379 = tpu.memref_slice %arg6[%dma_start3A_371] : memref<2x!tpu.dma_semaphore, #tpu.memory_space<semaphore_mem>> -> memref<1x!tpu.dma_semaphore, #tpu.memory_space<semaphore_mem>>
    %dma_start3A_380 = tpu.memref_squeeze %dma_start3A_379 : memref<1x!tpu.dma_semaphore, #tpu.memory_space<semaphore_mem>> -> memref<!tpu.dma_semaphore, #tpu.memory_space<semaphore_mem>>
    %dma_start3A_381 = arith.constant 0 : i32
    %dma_start3A_382 = tpu.memref_slice %arg3[%dma_start3A_370, %add3A_222, %dma_start3A_381] : memref<4x4096x2048xf32, #tpu.memory_space<hbm>> -> memref<1x16x2048xf32, #tpu.memory_space<hbm>>
    %dma_start3A_383 = tpu.memref_squeeze %dma_start3A_382 : memref<1x16x2048xf32, #tpu.memory_space<hbm>> -> memref<16x2048xf32, #tpu.memory_space<hbm>>
    %dma_start3A_384 = arith.constant 0 : i32
    %dma_start3A_385 = arith.constant 0 : i32
    %dma_start3A_386 = tpu.memref_slice %arg4[%dma_start3A_369, %dma_start3A_384, %dma_start3A_385] : memref<2x16x2048xf32, #tpu.memory_space<vmem>> -> memref<1x16x2048xf32, #tpu.memory_space<vmem>>
    %dma_start3A_387 = tpu.memref_squeeze %dma_start3A_386 : memref<1x16x2048xf32, #tpu.memory_space<vmem>> -> memref<16x2048xf32, #tpu.memory_space<vmem>>
    tpu.enqueue_dma source(%dma_start3A_387 : memref<16x2048xf32, #tpu.memory_space<vmem>>) target(%dma_start3A_383 : memref<16x2048xf32, #tpu.memory_space<hbm>>) target_semaphore(%dma_start3A_380 : memref<!tpu.dma_semaphore, #tpu.memory_space<semaphore_mem>>)
    %dma_start3A_388 = arith.constant 0 : i32
    %dma_start3A_389 = arith.constant 3 : i32
    %dma_start3A_390 = arith.constant 0 : i32
    %dma_start3A_391 = arith.constant 0 : i32
    %dma_start3A_392 = arith.constant 0 : i32
    %dma_start3A_393 = tpu.memref_slice %arg4[%dma_start3A_388, %dma_start3A_391, %dma_start3A_392] : memref<2x16x2048xf32, #tpu.memory_space<vmem>> -> memref<1x16x2048xf32, #tpu.memory_space<vmem>>
    %dma_start3A_394 = tpu.memref_squeeze %dma_start3A_393 : memref<1x16x2048xf32, #tpu.memory_space<vmem>> -> memref<16x2048xf32, #tpu.memory_space<vmem>>
    %dma_start3A_395 = arith.constant 0 : i32
    %dma_start3A_396 = tpu.memref_slice %arg3[%dma_start3A_389, %add3A_222, %dma_start3A_395] : memref<4x4096x2048xf32, #tpu.memory_space<hbm>> -> memref<1x16x2048xf32, #tpu.memory_space<hbm>>
    %dma_start3A_397 = tpu.memref_squeeze %dma_start3A_396 : memref<1x16x2048xf32, #tpu.memory_space<hbm>> -> memref<16x2048xf32, #tpu.memory_space<hbm>>
    %dma_start3A_398 = tpu.memref_slice %arg6[%dma_start3A_390] : memref<2x!tpu.dma_semaphore, #tpu.memory_space<semaphore_mem>> -> memref<1x!tpu.dma_semaphore, #tpu.memory_space<semaphore_mem>>
    %dma_start3A_399 = tpu.memref_squeeze %dma_start3A_398 : memref<1x!tpu.dma_semaphore, #tpu.memory_space<semaphore_mem>> -> memref<!tpu.dma_semaphore, #tpu.memory_space<semaphore_mem>>
    %dma_start3A_400 = arith.constant 0 : i32
    %dma_start3A_401 = tpu.memref_slice %arg3[%dma_start3A_389, %add3A_222, %dma_start3A_400] : memref<4x4096x2048xf32, #tpu.memory_space<hbm>> -> memref<1x16x2048xf32, #tpu.memory_space<hbm>>
    %dma_start3A_402 = tpu.memref_squeeze %dma_start3A_401 : memref<1x16x2048xf32, #tpu.memory_space<hbm>> -> memref<16x2048xf32, #tpu.memory_space<hbm>>
    %dma_start3A_403 = arith.constant 0 : i32
    %dma_start3A_404 = arith.constant 0 : i32
    %dma_start3A_405 = tpu.memref_slice %arg4[%dma_start3A_388, %dma_start3A_403, %dma_start3A_404] : memref<2x16x2048xf32, #tpu.memory_space<vmem>> -> memref<1x16x2048xf32, #tpu.memory_space<vmem>>
    %dma_start3A_406 = tpu.memref_squeeze %dma_start3A_405 : memref<1x16x2048xf32, #tpu.memory_space<vmem>> -> memref<16x2048xf32, #tpu.memory_space<vmem>>
    tpu.enqueue_dma source(%dma_start3A_406 : memref<16x2048xf32, #tpu.memory_space<vmem>>) target(%dma_start3A_402 : memref<16x2048xf32, #tpu.memory_space<hbm>>) target_semaphore(%dma_start3A_399 : memref<!tpu.dma_semaphore, #tpu.memory_space<semaphore_mem>>)
    %add3A_407 = arith.constant 48 : i32
    %add3A_408 = arith.addi %mul3A_2, %add3A_407 : i32
    %dma_wait3A_409 = arith.constant 1 : i32
    %dma_wait3A_410 = arith.constant 0 : i32
    %dma_wait3A_411 = arith.constant 1 : i32
    %dma_wait3A_412 = arith.constant 0 : i32
    %dma_wait3A_413 = arith.constant 0 : i32
    %dma_wait3A_414 = tpu.memref_slice %arg4[%dma_wait3A_409, %dma_wait3A_412, %dma_wait3A_413] : memref<2x16x2048xf32, #tpu.memory_space<vmem>> -> memref<1x16x2048xf32, #tpu.memory_space<vmem>>
    %dma_wait3A_415 = tpu.memref_squeeze %dma_wait3A_414 : memref<1x16x2048xf32, #tpu.memory_space<vmem>> -> memref<16x2048xf32, #tpu.memory_space<vmem>>
    %dma_wait3A_416 = arith.constant 0 : i32
    %dma_wait3A_417 = tpu.memref_slice %arg3[%dma_wait3A_410, %add3A_112, %dma_wait3A_416] : memref<4x4096x2048xf32, #tpu.memory_space<hbm>> -> memref<1x16x2048xf32, #tpu.memory_space<hbm>>
    %dma_wait3A_418 = tpu.memref_squeeze %dma_wait3A_417 : memref<1x16x2048xf32, #tpu.memory_space<hbm>> -> memref<16x2048xf32, #tpu.memory_space<hbm>>
    %dma_wait3A_419 = tpu.memref_slice %arg6[%dma_wait3A_411] : memref<2x!tpu.dma_semaphore, #tpu.memory_space<semaphore_mem>> -> memref<1x!tpu.dma_semaphore, #tpu.memory_space<semaphore_mem>>
    %dma_wait3A_420 = tpu.memref_squeeze %dma_wait3A_419 : memref<1x!tpu.dma_semaphore, #tpu.memory_space<semaphore_mem>> -> memref<!tpu.dma_semaphore, #tpu.memory_space<semaphore_mem>>
    %dma_wait3A_421 = arith.constant 0 : i32
    %dma_wait3A_422 = tpu.memref_slice %arg3[%dma_wait3A_410, %add3A_112, %dma_wait3A_421] : memref<4x4096x2048xf32, #tpu.memory_space<hbm>> -> memref<1x16x2048xf32, #tpu.memory_space<hbm>>
    %dma_wait3A_423 = tpu.memref_squeeze %dma_wait3A_422 : memref<1x16x2048xf32, #tpu.memory_space<hbm>> -> memref<16x2048xf32, #tpu.memory_space<hbm>>
    %dma_wait3A_424 = arith.constant 0 : i32
    %dma_wait3A_425 = arith.constant 0 : i32
    %dma_wait3A_426 = tpu.memref_slice %arg4[%dma_wait3A_409, %dma_wait3A_424, %dma_wait3A_425] : memref<2x16x2048xf32, #tpu.memory_space<vmem>> -> memref<1x16x2048xf32, #tpu.memory_space<vmem>>
    %dma_wait3A_427 = tpu.memref_squeeze %dma_wait3A_426 : memref<1x16x2048xf32, #tpu.memory_space<vmem>> -> memref<16x2048xf32, #tpu.memory_space<vmem>>
    tpu.wait_dma2 semaphore(%dma_wait3A_420 : memref<!tpu.dma_semaphore, #tpu.memory_space<semaphore_mem>>) src(%dma_wait3A_427 : memref<16x2048xf32, #tpu.memory_space<vmem>>) dst(%dma_wait3A_423 : memref<16x2048xf32, #tpu.memory_space<hbm>>)
    %dma_wait3A_428 = arith.constant 1 : i32
    %dma_wait3A_429 = arith.constant 1 : i32
    %dma_wait3A_430 = arith.constant 1 : i32
    %dma_wait3A_431 = arith.constant 0 : i32
    %dma_wait3A_432 = arith.constant 0 : i32
    %dma_wait3A_433 = tpu.memref_slice %arg4[%dma_wait3A_428, %dma_wait3A_431, %dma_wait3A_432] : memref<2x16x2048xf32, #tpu.memory_space<vmem>> -> memref<1x16x2048xf32, #tpu.memory_space<vmem>>
    %dma_wait3A_434 = tpu.memref_squeeze %dma_wait3A_433 : memref<1x16x2048xf32, #tpu.memory_space<vmem>> -> memref<16x2048xf32, #tpu.memory_space<vmem>>
    %dma_wait3A_435 = arith.constant 0 : i32
    %dma_wait3A_436 = tpu.memref_slice %arg3[%dma_wait3A_429, %add3A_112, %dma_wait3A_435] : memref<4x4096x2048xf32, #tpu.memory_space<hbm>> -> memref<1x16x2048xf32, #tpu.memory_space<hbm>>
    %dma_wait3A_437 = tpu.memref_squeeze %dma_wait3A_436 : memref<1x16x2048xf32, #tpu.memory_space<hbm>> -> memref<16x2048xf32, #tpu.memory_space<hbm>>
    %dma_wait3A_438 = tpu.memref_slice %arg6[%dma_wait3A_430] : memref<2x!tpu.dma_semaphore, #tpu.memory_space<semaphore_mem>> -> memref<1x!tpu.dma_semaphore, #tpu.memory_space<semaphore_mem>>
    %dma_wait3A_439 = tpu.memref_squeeze %dma_wait3A_438 : memref<1x!tpu.dma_semaphore, #tpu.memory_space<semaphore_mem>> -> memref<!tpu.dma_semaphore, #tpu.memory_space<semaphore_mem>>
    %dma_wait3A_440 = arith.constant 0 : i32
    %dma_wait3A_441 = tpu.memref_slice %arg3[%dma_wait3A_429, %add3A_112, %dma_wait3A_440] : memref<4x4096x2048xf32, #tpu.memory_space<hbm>> -> memref<1x16x2048xf32, #tpu.memory_space<hbm>>
    %dma_wait3A_442 = tpu.memref_squeeze %dma_wait3A_441 : memref<1x16x2048xf32, #tpu.memory_space<hbm>> -> memref<16x2048xf32, #tpu.memory_space<hbm>>
    %dma_wait3A_443 = arith.constant 0 : i32
    %dma_wait3A_444 = arith.constant 0 : i32
    %dma_wait3A_445 = tpu.memref_slice %arg4[%dma_wait3A_428, %dma_wait3A_443, %dma_wait3A_444] : memref<2x16x2048xf32, #tpu.memory_space<vmem>> -> memref<1x16x2048xf32, #tpu.memory_space<vmem>>
    %dma_wait3A_446 = tpu.memref_squeeze %dma_wait3A_445 : memref<1x16x2048xf32, #tpu.memory_space<vmem>> -> memref<16x2048xf32, #tpu.memory_space<vmem>>
    tpu.wait_dma2 semaphore(%dma_wait3A_439 : memref<!tpu.dma_semaphore, #tpu.memory_space<semaphore_mem>>) src(%dma_wait3A_446 : memref<16x2048xf32, #tpu.memory_space<vmem>>) dst(%dma_wait3A_442 : memref<16x2048xf32, #tpu.memory_space<hbm>>)
    %dma_wait3A_447 = arith.constant 1 : i32
    %dma_wait3A_448 = arith.constant 2 : i32
    %dma_wait3A_449 = arith.constant 1 : i32
    %dma_wait3A_450 = arith.constant 0 : i32
    %dma_wait3A_451 = arith.constant 0 : i32
    %dma_wait3A_452 = tpu.memref_slice %arg4[%dma_wait3A_447, %dma_wait3A_450, %dma_wait3A_451] : memref<2x16x2048xf32, #tpu.memory_space<vmem>> -> memref<1x16x2048xf32, #tpu.memory_space<vmem>>
    %dma_wait3A_453 = tpu.memref_squeeze %dma_wait3A_452 : memref<1x16x2048xf32, #tpu.memory_space<vmem>> -> memref<16x2048xf32, #tpu.memory_space<vmem>>
    %dma_wait3A_454 = arith.constant 0 : i32
    %dma_wait3A_455 = tpu.memref_slice %arg3[%dma_wait3A_448, %add3A_112, %dma_wait3A_454] : memref<4x4096x2048xf32, #tpu.memory_space<hbm>> -> memref<1x16x2048xf32, #tpu.memory_space<hbm>>
    %dma_wait3A_456 = tpu.memref_squeeze %dma_wait3A_455 : memref<1x16x2048xf32, #tpu.memory_space<hbm>> -> memref<16x2048xf32, #tpu.memory_space<hbm>>
    %dma_wait3A_457 = tpu.memref_slice %arg6[%dma_wait3A_449] : memref<2x!tpu.dma_semaphore, #tpu.memory_space<semaphore_mem>> -> memref<1x!tpu.dma_semaphore, #tpu.memory_space<semaphore_mem>>
    %dma_wait3A_458 = tpu.memref_squeeze %dma_wait3A_457 : memref<1x!tpu.dma_semaphore, #tpu.memory_space<semaphore_mem>> -> memref<!tpu.dma_semaphore, #tpu.memory_space<semaphore_mem>>
    %dma_wait3A_459 = arith.constant 0 : i32
    %dma_wait3A_460 = tpu.memref_slice %arg3[%dma_wait3A_448, %add3A_112, %dma_wait3A_459] : memref<4x4096x2048xf32, #tpu.memory_space<hbm>> -> memref<1x16x2048xf32, #tpu.memory_space<hbm>>
    %dma_wait3A_461 = tpu.memref_squeeze %dma_wait3A_460 : memref<1x16x2048xf32, #tpu.memory_space<hbm>> -> memref<16x2048xf32, #tpu.memory_space<hbm>>
    %dma_wait3A_462 = arith.constant 0 : i32
    %dma_wait3A_463 = arith.constant 0 : i32
    %dma_wait3A_464 = tpu.memref_slice %arg4[%dma_wait3A_447, %dma_wait3A_462, %dma_wait3A_463] : memref<2x16x2048xf32, #tpu.memory_space<vmem>> -> memref<1x16x2048xf32, #tpu.memory_space<vmem>>
    %dma_wait3A_465 = tpu.memref_squeeze %dma_wait3A_464 : memref<1x16x2048xf32, #tpu.memory_space<vmem>> -> memref<16x2048xf32, #tpu.memory_space<vmem>>
    tpu.wait_dma2 semaphore(%dma_wait3A_458 : memref<!tpu.dma_semaphore, #tpu.memory_space<semaphore_mem>>) src(%dma_wait3A_465 : memref<16x2048xf32, #tpu.memory_space<vmem>>) dst(%dma_wait3A_461 : memref<16x2048xf32, #tpu.memory_space<hbm>>)
    %dma_wait3A_466 = arith.constant 1 : i32
    %dma_wait3A_467 = arith.constant 3 : i32
    %dma_wait3A_468 = arith.constant 1 : i32
    %dma_wait3A_469 = arith.constant 0 : i32
    %dma_wait3A_470 = arith.constant 0 : i32
    %dma_wait3A_471 = tpu.memref_slice %arg4[%dma_wait3A_466, %dma_wait3A_469, %dma_wait3A_470] : memref<2x16x2048xf32, #tpu.memory_space<vmem>> -> memref<1x16x2048xf32, #tpu.memory_space<vmem>>
    %dma_wait3A_472 = tpu.memref_squeeze %dma_wait3A_471 : memref<1x16x2048xf32, #tpu.memory_space<vmem>> -> memref<16x2048xf32, #tpu.memory_space<vmem>>
    %dma_wait3A_473 = arith.constant 0 : i32
    %dma_wait3A_474 = tpu.memref_slice %arg3[%dma_wait3A_467, %add3A_112, %dma_wait3A_473] : memref<4x4096x2048xf32, #tpu.memory_space<hbm>> -> memref<1x16x2048xf32, #tpu.memory_space<hbm>>
    %dma_wait3A_475 = tpu.memref_squeeze %dma_wait3A_474 : memref<1x16x2048xf32, #tpu.memory_space<hbm>> -> memref<16x2048xf32, #tpu.memory_space<hbm>>
    %dma_wait3A_476 = tpu.memref_slice %arg6[%dma_wait3A_468] : memref<2x!tpu.dma_semaphore, #tpu.memory_space<semaphore_mem>> -> memref<1x!tpu.dma_semaphore, #tpu.memory_space<semaphore_mem>>
    %dma_wait3A_477 = tpu.memref_squeeze %dma_wait3A_476 : memref<1x!tpu.dma_semaphore, #tpu.memory_space<semaphore_mem>> -> memref<!tpu.dma_semaphore, #tpu.memory_space<semaphore_mem>>
    %dma_wait3A_478 = arith.constant 0 : i32
    %dma_wait3A_479 = tpu.memref_slice %arg3[%dma_wait3A_467, %add3A_112, %dma_wait3A_478] : memref<4x4096x2048xf32, #tpu.memory_space<hbm>> -> memref<1x16x2048xf32, #tpu.memory_space<hbm>>
    %dma_wait3A_480 = tpu.memref_squeeze %dma_wait3A_479 : memref<1x16x2048xf32, #tpu.memory_space<hbm>> -> memref<16x2048xf32, #tpu.memory_space<hbm>>
    %dma_wait3A_481 = arith.constant 0 : i32
    %dma_wait3A_482 = arith.constant 0 : i32
    %dma_wait3A_483 = tpu.memref_slice %arg4[%dma_wait3A_466, %dma_wait3A_481, %dma_wait3A_482] : memref<2x16x2048xf32, #tpu.memory_space<vmem>> -> memref<1x16x2048xf32, #tpu.memory_space<vmem>>
    %dma_wait3A_484 = tpu.memref_squeeze %dma_wait3A_483 : memref<1x16x2048xf32, #tpu.memory_space<vmem>> -> memref<16x2048xf32, #tpu.memory_space<vmem>>
    tpu.wait_dma2 semaphore(%dma_wait3A_477 : memref<!tpu.dma_semaphore, #tpu.memory_space<semaphore_mem>>) src(%dma_wait3A_484 : memref<16x2048xf32, #tpu.memory_space<vmem>>) dst(%dma_wait3A_480 : memref<16x2048xf32, #tpu.memory_space<hbm>>)
    %dma_start3A_485 = arith.constant 1 : i32
    %dma_start3A_486 = arith.constant 1 : i32
    %dma_start3A_487 = arith.constant 0 : i32
    %dma_start3A_488 = arith.constant 0 : i32
    %dma_start3A_489 = tpu.memref_slice %arg4[%dma_start3A_485, %dma_start3A_487, %dma_start3A_488] : memref<2x16x2048xf32, #tpu.memory_space<vmem>> -> memref<1x16x2048xf32, #tpu.memory_space<vmem>>
    %dma_start3A_490 = tpu.memref_squeeze %dma_start3A_489 : memref<1x16x2048xf32, #tpu.memory_space<vmem>> -> memref<16x2048xf32, #tpu.memory_space<vmem>>
    %dma_start3A_491 = arith.constant 0 : i32
    %dma_start3A_492 = tpu.memref_slice %arg2[%add3A_408, %dma_start3A_491] : memref<8192x2048xf32, #tpu.memory_space<hbm>> -> memref<16x2048xf32, #tpu.memory_space<hbm>>
    %dma_start3A_493 = tpu.memref_slice %arg5[%dma_start3A_486] : memref<2x!tpu.dma_semaphore, #tpu.memory_space<semaphore_mem>> -> memref<1x!tpu.dma_semaphore, #tpu.memory_space<semaphore_mem>>
    %dma_start3A_494 = tpu.memref_squeeze %dma_start3A_493 : memref<1x!tpu.dma_semaphore, #tpu.memory_space<semaphore_mem>> -> memref<!tpu.dma_semaphore, #tpu.memory_space<semaphore_mem>>
    %dma_start3A_495 = arith.constant 0 : i32
    %dma_start3A_496 = arith.constant 0 : i32
    %dma_start3A_497 = tpu.memref_slice %arg4[%dma_start3A_485, %dma_start3A_495, %dma_start3A_496] : memref<2x16x2048xf32, #tpu.memory_space<vmem>> -> memref<1x16x2048xf32, #tpu.memory_space<vmem>>
    %dma_start3A_498 = tpu.memref_squeeze %dma_start3A_497 : memref<1x16x2048xf32, #tpu.memory_space<vmem>> -> memref<16x2048xf32, #tpu.memory_space<vmem>>
    %dma_start3A_499 = arith.constant 0 : i32
    %dma_start3A_500 = tpu.memref_slice %arg2[%add3A_408, %dma_start3A_499] : memref<8192x2048xf32, #tpu.memory_space<hbm>> -> memref<16x2048xf32, #tpu.memory_space<hbm>>
    tpu.enqueue_dma source(%dma_start3A_500 : memref<16x2048xf32, #tpu.memory_space<hbm>>) target(%dma_start3A_498 : memref<16x2048xf32, #tpu.memory_space<vmem>>) target_semaphore(%dma_start3A_494 : memref<!tpu.dma_semaphore, #tpu.memory_space<semaphore_mem>>)
    %dma_wait3A_501 = arith.constant 1 : i32
    %dma_wait3A_502 = arith.constant 1 : i32
    %dma_wait3A_503 = arith.constant 0 : i32
    %dma_wait3A_504 = arith.constant 0 : i32
    %dma_wait3A_505 = tpu.memref_slice %arg4[%dma_wait3A_501, %dma_wait3A_503, %dma_wait3A_504] : memref<2x16x2048xf32, #tpu.memory_space<vmem>> -> memref<1x16x2048xf32, #tpu.memory_space<vmem>>
    %dma_wait3A_506 = tpu.memref_squeeze %dma_wait3A_505 : memref<1x16x2048xf32, #tpu.memory_space<vmem>> -> memref<16x2048xf32, #tpu.memory_space<vmem>>
    %dma_wait3A_507 = arith.constant 0 : i32
    %dma_wait3A_508 = tpu.memref_slice %arg2[%add3A_408, %dma_wait3A_507] : memref<8192x2048xf32, #tpu.memory_space<hbm>> -> memref<16x2048xf32, #tpu.memory_space<hbm>>
    %dma_wait3A_509 = tpu.memref_slice %arg5[%dma_wait3A_502] : memref<2x!tpu.dma_semaphore, #tpu.memory_space<semaphore_mem>> -> memref<1x!tpu.dma_semaphore, #tpu.memory_space<semaphore_mem>>
    %dma_wait3A_510 = tpu.memref_squeeze %dma_wait3A_509 : memref<1x!tpu.dma_semaphore, #tpu.memory_space<semaphore_mem>> -> memref<!tpu.dma_semaphore, #tpu.memory_space<semaphore_mem>>
    %dma_wait3A_511 = arith.constant 0 : i32
    %dma_wait3A_512 = arith.constant 0 : i32
    %dma_wait3A_513 = tpu.memref_slice %arg4[%dma_wait3A_501, %dma_wait3A_511, %dma_wait3A_512] : memref<2x16x2048xf32, #tpu.memory_space<vmem>> -> memref<1x16x2048xf32, #tpu.memory_space<vmem>>
    %dma_wait3A_514 = tpu.memref_squeeze %dma_wait3A_513 : memref<1x16x2048xf32, #tpu.memory_space<vmem>> -> memref<16x2048xf32, #tpu.memory_space<vmem>>
    %dma_wait3A_515 = arith.constant 0 : i32
    %dma_wait3A_516 = tpu.memref_slice %arg2[%add3A_408, %dma_wait3A_515] : memref<8192x2048xf32, #tpu.memory_space<hbm>> -> memref<16x2048xf32, #tpu.memory_space<hbm>>
    tpu.wait_dma2 semaphore(%dma_wait3A_510 : memref<!tpu.dma_semaphore, #tpu.memory_space<semaphore_mem>>) src(%dma_wait3A_516 : memref<16x2048xf32, #tpu.memory_space<hbm>>) dst(%dma_wait3A_514 : memref<16x2048xf32, #tpu.memory_space<vmem>>)
    %dma_start3A_517 = arith.constant 1 : i32
    %dma_start3A_518 = arith.constant 0 : i32
    %dma_start3A_519 = arith.constant 1 : i32
    %dma_start3A_520 = arith.constant 0 : i32
    %dma_start3A_521 = arith.constant 0 : i32
    %dma_start3A_522 = tpu.memref_slice %arg4[%dma_start3A_517, %dma_start3A_520, %dma_start3A_521] : memref<2x16x2048xf32, #tpu.memory_space<vmem>> -> memref<1x16x2048xf32, #tpu.memory_space<vmem>>
    %dma_start3A_523 = tpu.memref_squeeze %dma_start3A_522 : memref<1x16x2048xf32, #tpu.memory_space<vmem>> -> memref<16x2048xf32, #tpu.memory_space<vmem>>
    %dma_start3A_524 = arith.constant 0 : i32
    %dma_start3A_525 = tpu.memref_slice %arg3[%dma_start3A_518, %add3A_408, %dma_start3A_524] : memref<4x4096x2048xf32, #tpu.memory_space<hbm>> -> memref<1x16x2048xf32, #tpu.memory_space<hbm>>
    %dma_start3A_526 = tpu.memref_squeeze %dma_start3A_525 : memref<1x16x2048xf32, #tpu.memory_space<hbm>> -> memref<16x2048xf32, #tpu.memory_space<hbm>>
    %dma_start3A_527 = tpu.memref_slice %arg6[%dma_start3A_519] : memref<2x!tpu.dma_semaphore, #tpu.memory_space<semaphore_mem>> -> memref<1x!tpu.dma_semaphore, #tpu.memory_space<semaphore_mem>>
    %dma_start3A_528 = tpu.memref_squeeze %dma_start3A_527 : memref<1x!tpu.dma_semaphore, #tpu.memory_space<semaphore_mem>> -> memref<!tpu.dma_semaphore, #tpu.memory_space<semaphore_mem>>
    %dma_start3A_529 = arith.constant 0 : i32
    %dma_start3A_530 = tpu.memref_slice %arg3[%dma_start3A_518, %add3A_408, %dma_start3A_529] : memref<4x4096x2048xf32, #tpu.memory_space<hbm>> -> memref<1x16x2048xf32, #tpu.memory_space<hbm>>
    %dma_start3A_531 = tpu.memref_squeeze %dma_start3A_530 : memref<1x16x2048xf32, #tpu.memory_space<hbm>> -> memref<16x2048xf32, #tpu.memory_space<hbm>>
    %dma_start3A_532 = arith.constant 0 : i32
    %dma_start3A_533 = arith.constant 0 : i32
    %dma_start3A_534 = tpu.memref_slice %arg4[%dma_start3A_517, %dma_start3A_532, %dma_start3A_533] : memref<2x16x2048xf32, #tpu.memory_space<vmem>> -> memref<1x16x2048xf32, #tpu.memory_space<vmem>>
    %dma_start3A_535 = tpu.memref_squeeze %dma_start3A_534 : memref<1x16x2048xf32, #tpu.memory_space<vmem>> -> memref<16x2048xf32, #tpu.memory_space<vmem>>
    tpu.enqueue_dma source(%dma_start3A_535 : memref<16x2048xf32, #tpu.memory_space<vmem>>) target(%dma_start3A_531 : memref<16x2048xf32, #tpu.memory_space<hbm>>) target_semaphore(%dma_start3A_528 : memref<!tpu.dma_semaphore, #tpu.memory_space<semaphore_mem>>)
    %dma_start3A_536 = arith.constant 1 : i32
    %dma_start3A_537 = arith.constant 1 : i32
    %dma_start3A_538 = arith.constant 1 : i32
    %dma_start3A_539 = arith.constant 0 : i32
    %dma_start3A_540 = arith.constant 0 : i32
    %dma_start3A_541 = tpu.memref_slice %arg4[%dma_start3A_536, %dma_start3A_539, %dma_start3A_540] : memref<2x16x2048xf32, #tpu.memory_space<vmem>> -> memref<1x16x2048xf32, #tpu.memory_space<vmem>>
    %dma_start3A_542 = tpu.memref_squeeze %dma_start3A_541 : memref<1x16x2048xf32, #tpu.memory_space<vmem>> -> memref<16x2048xf32, #tpu.memory_space<vmem>>
    %dma_start3A_543 = arith.constant 0 : i32
    %dma_start3A_544 = tpu.memref_slice %arg3[%dma_start3A_537, %add3A_408, %dma_start3A_543] : memref<4x4096x2048xf32, #tpu.memory_space<hbm>> -> memref<1x16x2048xf32, #tpu.memory_space<hbm>>
    %dma_start3A_545 = tpu.memref_squeeze %dma_start3A_544 : memref<1x16x2048xf32, #tpu.memory_space<hbm>> -> memref<16x2048xf32, #tpu.memory_space<hbm>>
    %dma_start3A_546 = tpu.memref_slice %arg6[%dma_start3A_538] : memref<2x!tpu.dma_semaphore, #tpu.memory_space<semaphore_mem>> -> memref<1x!tpu.dma_semaphore, #tpu.memory_space<semaphore_mem>>
    %dma_start3A_547 = tpu.memref_squeeze %dma_start3A_546 : memref<1x!tpu.dma_semaphore, #tpu.memory_space<semaphore_mem>> -> memref<!tpu.dma_semaphore, #tpu.memory_space<semaphore_mem>>
    %dma_start3A_548 = arith.constant 0 : i32
    %dma_start3A_549 = tpu.memref_slice %arg3[%dma_start3A_537, %add3A_408, %dma_start3A_548] : memref<4x4096x2048xf32, #tpu.memory_space<hbm>> -> memref<1x16x2048xf32, #tpu.memory_space<hbm>>
    %dma_start3A_550 = tpu.memref_squeeze %dma_start3A_549 : memref<1x16x2048xf32, #tpu.memory_space<hbm>> -> memref<16x2048xf32, #tpu.memory_space<hbm>>
    %dma_start3A_551 = arith.constant 0 : i32
    %dma_start3A_552 = arith.constant 0 : i32
    %dma_start3A_553 = tpu.memref_slice %arg4[%dma_start3A_536, %dma_start3A_551, %dma_start3A_552] : memref<2x16x2048xf32, #tpu.memory_space<vmem>> -> memref<1x16x2048xf32, #tpu.memory_space<vmem>>
    %dma_start3A_554 = tpu.memref_squeeze %dma_start3A_553 : memref<1x16x2048xf32, #tpu.memory_space<vmem>> -> memref<16x2048xf32, #tpu.memory_space<vmem>>
    tpu.enqueue_dma source(%dma_start3A_554 : memref<16x2048xf32, #tpu.memory_space<vmem>>) target(%dma_start3A_550 : memref<16x2048xf32, #tpu.memory_space<hbm>>) target_semaphore(%dma_start3A_547 : memref<!tpu.dma_semaphore, #tpu.memory_space<semaphore_mem>>)
    %dma_start3A_555 = arith.constant 1 : i32
    %dma_start3A_556 = arith.constant 2 : i32
    %dma_start3A_557 = arith.constant 1 : i32
    %dma_start3A_558 = arith.constant 0 : i32
    %dma_start3A_559 = arith.constant 0 : i32
    %dma_start3A_560 = tpu.memref_slice %arg4[%dma_start3A_555, %dma_start3A_558, %dma_start3A_559] : memref<2x16x2048xf32, #tpu.memory_space<vmem>> -> memref<1x16x2048xf32, #tpu.memory_space<vmem>>
    %dma_start3A_561 = tpu.memref_squeeze %dma_start3A_560 : memref<1x16x2048xf32, #tpu.memory_space<vmem>> -> memref<16x2048xf32, #tpu.memory_space<vmem>>
    %dma_start3A_562 = arith.constant 0 : i32
    %dma_start3A_563 = tpu.memref_slice %arg3[%dma_start3A_556, %add3A_408, %dma_start3A_562] : memref<4x4096x2048xf32, #tpu.memory_space<hbm>> -> memref<1x16x2048xf32, #tpu.memory_space<hbm>>
    %dma_start3A_564 = tpu.memref_squeeze %dma_start3A_563 : memref<1x16x2048xf32, #tpu.memory_space<hbm>> -> memref<16x2048xf32, #tpu.memory_space<hbm>>
    %dma_start3A_565 = tpu.memref_slice %arg6[%dma_start3A_557] : memref<2x!tpu.dma_semaphore, #tpu.memory_space<semaphore_mem>> -> memref<1x!tpu.dma_semaphore, #tpu.memory_space<semaphore_mem>>
    %dma_start3A_566 = tpu.memref_squeeze %dma_start3A_565 : memref<1x!tpu.dma_semaphore, #tpu.memory_space<semaphore_mem>> -> memref<!tpu.dma_semaphore, #tpu.memory_space<semaphore_mem>>
    %dma_start3A_567 = arith.constant 0 : i32
    %dma_start3A_568 = tpu.memref_slice %arg3[%dma_start3A_556, %add3A_408, %dma_start3A_567] : memref<4x4096x2048xf32, #tpu.memory_space<hbm>> -> memref<1x16x2048xf32, #tpu.memory_space<hbm>>
    %dma_start3A_569 = tpu.memref_squeeze %dma_start3A_568 : memref<1x16x2048xf32, #tpu.memory_space<hbm>> -> memref<16x2048xf32, #tpu.memory_space<hbm>>
    %dma_start3A_570 = arith.constant 0 : i32
    %dma_start3A_571 = arith.constant 0 : i32
    %dma_start3A_572 = tpu.memref_slice %arg4[%dma_start3A_555, %dma_start3A_570, %dma_start3A_571] : memref<2x16x2048xf32, #tpu.memory_space<vmem>> -> memref<1x16x2048xf32, #tpu.memory_space<vmem>>
    %dma_start3A_573 = tpu.memref_squeeze %dma_start3A_572 : memref<1x16x2048xf32, #tpu.memory_space<vmem>> -> memref<16x2048xf32, #tpu.memory_space<vmem>>
    tpu.enqueue_dma source(%dma_start3A_573 : memref<16x2048xf32, #tpu.memory_space<vmem>>) target(%dma_start3A_569 : memref<16x2048xf32, #tpu.memory_space<hbm>>) target_semaphore(%dma_start3A_566 : memref<!tpu.dma_semaphore, #tpu.memory_space<semaphore_mem>>)
    %dma_start3A_574 = arith.constant 1 : i32
    %dma_start3A_575 = arith.constant 3 : i32
    %dma_start3A_576 = arith.constant 1 : i32
    %dma_start3A_577 = arith.constant 0 : i32
    %dma_start3A_578 = arith.constant 0 : i32
    %dma_start3A_579 = tpu.memref_slice %arg4[%dma_start3A_574, %dma_start3A_577, %dma_start3A_578] : memref<2x16x2048xf32, #tpu.memory_space<vmem>> -> memref<1x16x2048xf32, #tpu.memory_space<vmem>>
    %dma_start3A_580 = tpu.memref_squeeze %dma_start3A_579 : memref<1x16x2048xf32, #tpu.memory_space<vmem>> -> memref<16x2048xf32, #tpu.memory_space<vmem>>
    %dma_start3A_581 = arith.constant 0 : i32
    %dma_start3A_582 = tpu.memref_slice %arg3[%dma_start3A_575, %add3A_408, %dma_start3A_581] : memref<4x4096x2048xf32, #tpu.memory_space<hbm>> -> memref<1x16x2048xf32, #tpu.memory_space<hbm>>
    %dma_start3A_583 = tpu.memref_squeeze %dma_start3A_582 : memref<1x16x2048xf32, #tpu.memory_space<hbm>> -> memref<16x2048xf32, #tpu.memory_space<hbm>>
    %dma_start3A_584 = tpu.memref_slice %arg6[%dma_start3A_576] : memref<2x!tpu.dma_semaphore, #tpu.memory_space<semaphore_mem>> -> memref<1x!tpu.dma_semaphore, #tpu.memory_space<semaphore_mem>>
    %dma_start3A_585 = tpu.memref_squeeze %dma_start3A_584 : memref<1x!tpu.dma_semaphore, #tpu.memory_space<semaphore_mem>> -> memref<!tpu.dma_semaphore, #tpu.memory_space<semaphore_mem>>
    %dma_start3A_586 = arith.constant 0 : i32
    %dma_start3A_587 = tpu.memref_slice %arg3[%dma_start3A_575, %add3A_408, %dma_start3A_586] : memref<4x4096x2048xf32, #tpu.memory_space<hbm>> -> memref<1x16x2048xf32, #tpu.memory_space<hbm>>
    %dma_start3A_588 = tpu.memref_squeeze %dma_start3A_587 : memref<1x16x2048xf32, #tpu.memory_space<hbm>> -> memref<16x2048xf32, #tpu.memory_space<hbm>>
    %dma_start3A_589 = arith.constant 0 : i32
    %dma_start3A_590 = arith.constant 0 : i32
    %dma_start3A_591 = tpu.memref_slice %arg4[%dma_start3A_574, %dma_start3A_589, %dma_start3A_590] : memref<2x16x2048xf32, #tpu.memory_space<vmem>> -> memref<1x16x2048xf32, #tpu.memory_space<vmem>>
    %dma_start3A_592 = tpu.memref_squeeze %dma_start3A_591 : memref<1x16x2048xf32, #tpu.memory_space<vmem>> -> memref<16x2048xf32, #tpu.memory_space<vmem>>
    tpu.enqueue_dma source(%dma_start3A_592 : memref<16x2048xf32, #tpu.memory_space<vmem>>) target(%dma_start3A_588 : memref<16x2048xf32, #tpu.memory_space<hbm>>) target_semaphore(%dma_start3A_585 : memref<!tpu.dma_semaphore, #tpu.memory_space<semaphore_mem>>)
    %add3A_593 = arith.constant 64 : i32
    %add3A_594 = arith.addi %mul3A_2, %add3A_593 : i32
    %dma_wait3A_595 = arith.constant 0 : i32
    %dma_wait3A_596 = arith.constant 0 : i32
    %dma_wait3A_597 = arith.constant 0 : i32
    %dma_wait3A_598 = arith.constant 0 : i32
    %dma_wait3A_599 = arith.constant 0 : i32
    %dma_wait3A_600 = tpu.memref_slice %arg4[%dma_wait3A_595, %dma_wait3A_598, %dma_wait3A_599] : memref<2x16x2048xf32, #tpu.memory_space<vmem>> -> memref<1x16x2048xf32, #tpu.memory_space<vmem>>
    %dma_wait3A_601 = tpu.memref_squeeze %dma_wait3A_600 : memref<1x16x2048xf32, #tpu.memory_space<vmem>> -> memref<16x2048xf32, #tpu.memory_space<vmem>>
    %dma_wait3A_602 = arith.constant 0 : i32
    %dma_wait3A_603 = tpu.memref_slice %arg3[%dma_wait3A_596, %add3A_222, %dma_wait3A_602] : memref<4x4096x2048xf32, #tpu.memory_space<hbm>> -> memref<1x16x2048xf32, #tpu.memory_space<hbm>>
    %dma_wait3A_604 = tpu.memref_squeeze %dma_wait3A_603 : memref<1x16x2048xf32, #tpu.memory_space<hbm>> -> memref<16x2048xf32, #tpu.memory_space<hbm>>
    %dma_wait3A_605 = tpu.memref_slice %arg6[%dma_wait3A_597] : memref<2x!tpu.dma_semaphore, #tpu.memory_space<semaphore_mem>> -> memref<1x!tpu.dma_semaphore, #tpu.memory_space<semaphore_mem>>
    %dma_wait3A_606 = tpu.memref_squeeze %dma_wait3A_605 : memref<1x!tpu.dma_semaphore, #tpu.memory_space<semaphore_mem>> -> memref<!tpu.dma_semaphore, #tpu.memory_space<semaphore_mem>>
    %dma_wait3A_607 = arith.constant 0 : i32
    %dma_wait3A_608 = tpu.memref_slice %arg3[%dma_wait3A_596, %add3A_222, %dma_wait3A_607] : memref<4x4096x2048xf32, #tpu.memory_space<hbm>> -> memref<1x16x2048xf32, #tpu.memory_space<hbm>>
    %dma_wait3A_609 = tpu.memref_squeeze %dma_wait3A_608 : memref<1x16x2048xf32, #tpu.memory_space<hbm>> -> memref<16x2048xf32, #tpu.memory_space<hbm>>
    %dma_wait3A_610 = arith.constant 0 : i32
    %dma_wait3A_611 = arith.constant 0 : i32
    %dma_wait3A_612 = tpu.memref_slice %arg4[%dma_wait3A_595, %dma_wait3A_610, %dma_wait3A_611] : memref<2x16x2048xf32, #tpu.memory_space<vmem>> -> memref<1x16x2048xf32, #tpu.memory_space<vmem>>
    %dma_wait3A_613 = tpu.memref_squeeze %dma_wait3A_612 : memref<1x16x2048xf32, #tpu.memory_space<vmem>> -> memref<16x2048xf32, #tpu.memory_space<vmem>>
    tpu.wait_dma2 semaphore(%dma_wait3A_606 : memref<!tpu.dma_semaphore, #tpu.memory_space<semaphore_mem>>) src(%dma_wait3A_613 : memref<16x2048xf32, #tpu.memory_space<vmem>>) dst(%dma_wait3A_609 : memref<16x2048xf32, #tpu.memory_space<hbm>>)
    %dma_wait3A_614 = arith.constant 0 : i32
    %dma_wait3A_615 = arith.constant 1 : i32
    %dma_wait3A_616 = arith.constant 0 : i32
    %dma_wait3A_617 = arith.constant 0 : i32
    %dma_wait3A_618 = arith.constant 0 : i32
    %dma_wait3A_619 = tpu.memref_slice %arg4[%dma_wait3A_614, %dma_wait3A_617, %dma_wait3A_618] : memref<2x16x2048xf32, #tpu.memory_space<vmem>> -> memref<1x16x2048xf32, #tpu.memory_space<vmem>>
    %dma_wait3A_620 = tpu.memref_squeeze %dma_wait3A_619 : memref<1x16x2048xf32, #tpu.memory_space<vmem>> -> memref<16x2048xf32, #tpu.memory_space<vmem>>
    %dma_wait3A_621 = arith.constant 0 : i32
    %dma_wait3A_622 = tpu.memref_slice %arg3[%dma_wait3A_615, %add3A_222, %dma_wait3A_621] : memref<4x4096x2048xf32, #tpu.memory_space<hbm>> -> memref<1x16x2048xf32, #tpu.memory_space<hbm>>
    %dma_wait3A_623 = tpu.memref_squeeze %dma_wait3A_622 : memref<1x16x2048xf32, #tpu.memory_space<hbm>> -> memref<16x2048xf32, #tpu.memory_space<hbm>>
    %dma_wait3A_624 = tpu.memref_slice %arg6[%dma_wait3A_616] : memref<2x!tpu.dma_semaphore, #tpu.memory_space<semaphore_mem>> -> memref<1x!tpu.dma_semaphore, #tpu.memory_space<semaphore_mem>>
    %dma_wait3A_625 = tpu.memref_squeeze %dma_wait3A_624 : memref<1x!tpu.dma_semaphore, #tpu.memory_space<semaphore_mem>> -> memref<!tpu.dma_semaphore, #tpu.memory_space<semaphore_mem>>
    %dma_wait3A_626 = arith.constant 0 : i32
    %dma_wait3A_627 = tpu.memref_slice %arg3[%dma_wait3A_615, %add3A_222, %dma_wait3A_626] : memref<4x4096x2048xf32, #tpu.memory_space<hbm>> -> memref<1x16x2048xf32, #tpu.memory_space<hbm>>
    %dma_wait3A_628 = tpu.memref_squeeze %dma_wait3A_627 : memref<1x16x2048xf32, #tpu.memory_space<hbm>> -> memref<16x2048xf32, #tpu.memory_space<hbm>>
    %dma_wait3A_629 = arith.constant 0 : i32
    %dma_wait3A_630 = arith.constant 0 : i32
    %dma_wait3A_631 = tpu.memref_slice %arg4[%dma_wait3A_614, %dma_wait3A_629, %dma_wait3A_630] : memref<2x16x2048xf32, #tpu.memory_space<vmem>> -> memref<1x16x2048xf32, #tpu.memory_space<vmem>>
    %dma_wait3A_632 = tpu.memref_squeeze %dma_wait3A_631 : memref<1x16x2048xf32, #tpu.memory_space<vmem>> -> memref<16x2048xf32, #tpu.memory_space<vmem>>
    tpu.wait_dma2 semaphore(%dma_wait3A_625 : memref<!tpu.dma_semaphore, #tpu.memory_space<semaphore_mem>>) src(%dma_wait3A_632 : memref<16x2048xf32, #tpu.memory_space<vmem>>) dst(%dma_wait3A_628 : memref<16x2048xf32, #tpu.memory_space<hbm>>)
    %dma_wait3A_633 = arith.constant 0 : i32
    %dma_wait3A_634 = arith.constant 2 : i32
    %dma_wait3A_635 = arith.constant 0 : i32
    %dma_wait3A_636 = arith.constant 0 : i32
    %dma_wait3A_637 = arith.constant 0 : i32
    %dma_wait3A_638 = tpu.memref_slice %arg4[%dma_wait3A_633, %dma_wait3A_636, %dma_wait3A_637] : memref<2x16x2048xf32, #tpu.memory_space<vmem>> -> memref<1x16x2048xf32, #tpu.memory_space<vmem>>
    %dma_wait3A_639 = tpu.memref_squeeze %dma_wait3A_638 : memref<1x16x2048xf32, #tpu.memory_space<vmem>> -> memref<16x2048xf32, #tpu.memory_space<vmem>>
    %dma_wait3A_640 = arith.constant 0 : i32
    %dma_wait3A_641 = tpu.memref_slice %arg3[%dma_wait3A_634, %add3A_222, %dma_wait3A_640] : memref<4x4096x2048xf32, #tpu.memory_space<hbm>> -> memref<1x16x2048xf32, #tpu.memory_space<hbm>>
    %dma_wait3A_642 = tpu.memref_squeeze %dma_wait3A_641 : memref<1x16x2048xf32, #tpu.memory_space<hbm>> -> memref<16x2048xf32, #tpu.memory_space<hbm>>
    %dma_wait3A_643 = tpu.memref_slice %arg6[%dma_wait3A_635] : memref<2x!tpu.dma_semaphore, #tpu.memory_space<semaphore_mem>> -> memref<1x!tpu.dma_semaphore, #tpu.memory_space<semaphore_mem>>
    %dma_wait3A_644 = tpu.memref_squeeze %dma_wait3A_643 : memref<1x!tpu.dma_semaphore, #tpu.memory_space<semaphore_mem>> -> memref<!tpu.dma_semaphore, #tpu.memory_space<semaphore_mem>>
    %dma_wait3A_645 = arith.constant 0 : i32
    %dma_wait3A_646 = tpu.memref_slice %arg3[%dma_wait3A_634, %add3A_222, %dma_wait3A_645] : memref<4x4096x2048xf32, #tpu.memory_space<hbm>> -> memref<1x16x2048xf32, #tpu.memory_space<hbm>>
    %dma_wait3A_647 = tpu.memref_squeeze %dma_wait3A_646 : memref<1x16x2048xf32, #tpu.memory_space<hbm>> -> memref<16x2048xf32, #tpu.memory_space<hbm>>
    %dma_wait3A_648 = arith.constant 0 : i32
    %dma_wait3A_649 = arith.constant 0 : i32
    %dma_wait3A_650 = tpu.memref_slice %arg4[%dma_wait3A_633, %dma_wait3A_648, %dma_wait3A_649] : memref<2x16x2048xf32, #tpu.memory_space<vmem>> -> memref<1x16x2048xf32, #tpu.memory_space<vmem>>
    %dma_wait3A_651 = tpu.memref_squeeze %dma_wait3A_650 : memref<1x16x2048xf32, #tpu.memory_space<vmem>> -> memref<16x2048xf32, #tpu.memory_space<vmem>>
    tpu.wait_dma2 semaphore(%dma_wait3A_644 : memref<!tpu.dma_semaphore, #tpu.memory_space<semaphore_mem>>) src(%dma_wait3A_651 : memref<16x2048xf32, #tpu.memory_space<vmem>>) dst(%dma_wait3A_647 : memref<16x2048xf32, #tpu.memory_space<hbm>>)
    %dma_wait3A_652 = arith.constant 0 : i32
    %dma_wait3A_653 = arith.constant 3 : i32
    %dma_wait3A_654 = arith.constant 0 : i32
    %dma_wait3A_655 = arith.constant 0 : i32
    %dma_wait3A_656 = arith.constant 0 : i32
    %dma_wait3A_657 = tpu.memref_slice %arg4[%dma_wait3A_652, %dma_wait3A_655, %dma_wait3A_656] : memref<2x16x2048xf32, #tpu.memory_space<vmem>> -> memref<1x16x2048xf32, #tpu.memory_space<vmem>>
    %dma_wait3A_658 = tpu.memref_squeeze %dma_wait3A_657 : memref<1x16x2048xf32, #tpu.memory_space<vmem>> -> memref<16x2048xf32, #tpu.memory_space<vmem>>
    %dma_wait3A_659 = arith.constant 0 : i32
    %dma_wait3A_660 = tpu.memref_slice %arg3[%dma_wait3A_653, %add3A_222, %dma_wait3A_659] : memref<4x4096x2048xf32, #tpu.memory_space<hbm>> -> memref<1x16x2048xf32, #tpu.memory_space<hbm>>
    %dma_wait3A_661 = tpu.memref_squeeze %dma_wait3A_660 : memref<1x16x2048xf32, #tpu.memory_space<hbm>> -> memref<16x2048xf32, #tpu.memory_space<hbm>>
    %dma_wait3A_662 = tpu.memref_slice %arg6[%dma_wait3A_654] : memref<2x!tpu.dma_semaphore, #tpu.memory_space<semaphore_mem>> -> memref<1x!tpu.dma_semaphore, #tpu.memory_space<semaphore_mem>>
    %dma_wait3A_663 = tpu.memref_squeeze %dma_wait3A_662 : memref<1x!tpu.dma_semaphore, #tpu.memory_space<semaphore_mem>> -> memref<!tpu.dma_semaphore, #tpu.memory_space<semaphore_mem>>
    %dma_wait3A_664 = arith.constant 0 : i32
    %dma_wait3A_665 = tpu.memref_slice %arg3[%dma_wait3A_653, %add3A_222, %dma_wait3A_664] : memref<4x4096x2048xf32, #tpu.memory_space<hbm>> -> memref<1x16x2048xf32, #tpu.memory_space<hbm>>
    %dma_wait3A_666 = tpu.memref_squeeze %dma_wait3A_665 : memref<1x16x2048xf32, #tpu.memory_space<hbm>> -> memref<16x2048xf32, #tpu.memory_space<hbm>>
    %dma_wait3A_667 = arith.constant 0 : i32
    %dma_wait3A_668 = arith.constant 0 : i32
    %dma_wait3A_669 = tpu.memref_slice %arg4[%dma_wait3A_652, %dma_wait3A_667, %dma_wait3A_668] : memref<2x16x2048xf32, #tpu.memory_space<vmem>> -> memref<1x16x2048xf32, #tpu.memory_space<vmem>>
    %dma_wait3A_670 = tpu.memref_squeeze %dma_wait3A_669 : memref<1x16x2048xf32, #tpu.memory_space<vmem>> -> memref<16x2048xf32, #tpu.memory_space<vmem>>
    tpu.wait_dma2 semaphore(%dma_wait3A_663 : memref<!tpu.dma_semaphore, #tpu.memory_space<semaphore_mem>>) src(%dma_wait3A_670 : memref<16x2048xf32, #tpu.memory_space<vmem>>) dst(%dma_wait3A_666 : memref<16x2048xf32, #tpu.memory_space<hbm>>)
    %dma_start3A_671 = arith.constant 0 : i32
    %dma_start3A_672 = arith.constant 0 : i32
    %dma_start3A_673 = arith.constant 0 : i32
    %dma_start3A_674 = arith.constant 0 : i32
    %dma_start3A_675 = tpu.memref_slice %arg4[%dma_start3A_671, %dma_start3A_673, %dma_start3A_674] : memref<2x16x2048xf32, #tpu.memory_space<vmem>> -> memref<1x16x2048xf32, #tpu.memory_space<vmem>>
    %dma_start3A_676 = tpu.memref_squeeze %dma_start3A_675 : memref<1x16x2048xf32, #tpu.memory_space<vmem>> -> memref<16x2048xf32, #tpu.memory_space<vmem>>
    %dma_start3A_677 = arith.constant 0 : i32
    %dma_start3A_678 = tpu.memref_slice %arg2[%add3A_594, %dma_start3A_677] : memref<8192x2048xf32, #tpu.memory_space<hbm>> -> memref<16x2048xf32, #tpu.memory_space<hbm>>
    %dma_start3A_679 = tpu.memref_slice %arg5[%dma_start3A_672] : memref<2x!tpu.dma_semaphore, #tpu.memory_space<semaphore_mem>> -> memref<1x!tpu.dma_semaphore, #tpu.memory_space<semaphore_mem>>
    %dma_start3A_680 = tpu.memref_squeeze %dma_start3A_679 : memref<1x!tpu.dma_semaphore, #tpu.memory_space<semaphore_mem>> -> memref<!tpu.dma_semaphore, #tpu.memory_space<semaphore_mem>>
    %dma_start3A_681 = arith.constant 0 : i32
    %dma_start3A_682 = arith.constant 0 : i32
    %dma_start3A_683 = tpu.memref_slice %arg4[%dma_start3A_671, %dma_start3A_681, %dma_start3A_682] : memref<2x16x2048xf32, #tpu.memory_space<vmem>> -> memref<1x16x2048xf32, #tpu.memory_space<vmem>>
    %dma_start3A_684 = tpu.memref_squeeze %dma_start3A_683 : memref<1x16x2048xf32, #tpu.memory_space<vmem>> -> memref<16x2048xf32, #tpu.memory_space<vmem>>
    %dma_start3A_685 = arith.constant 0 : i32
    %dma_start3A_686 = tpu.memref_slice %arg2[%add3A_594, %dma_start3A_685] : memref<8192x2048xf32, #tpu.memory_space<hbm>> -> memref<16x2048xf32, #tpu.memory_space<hbm>>
    tpu.enqueue_dma source(%dma_start3A_686 : memref<16x2048xf32, #tpu.memory_space<hbm>>) target(%dma_start3A_684 : memref<16x2048xf32, #tpu.memory_space<vmem>>) target_semaphore(%dma_start3A_680 : memref<!tpu.dma_semaphore, #tpu.memory_space<semaphore_mem>>)
    %dma_wait3A_687 = arith.constant 0 : i32
    %dma_wait3A_688 = arith.constant 0 : i32
    %dma_wait3A_689 = arith.constant 0 : i32
    %dma_wait3A_690 = arith.constant 0 : i32
    %dma_wait3A_691 = tpu.memref_slice %arg4[%dma_wait3A_687, %dma_wait3A_689, %dma_wait3A_690] : memref<2x16x2048xf32, #tpu.memory_space<vmem>> -> memref<1x16x2048xf32, #tpu.memory_space<vmem>>
    %dma_wait3A_692 = tpu.memref_squeeze %dma_wait3A_691 : memref<1x16x2048xf32, #tpu.memory_space<vmem>> -> memref<16x2048xf32, #tpu.memory_space<vmem>>
    %dma_wait3A_693 = arith.constant 0 : i32
    %dma_wait3A_694 = tpu.memref_slice %arg2[%add3A_594, %dma_wait3A_693] : memref<8192x2048xf32, #tpu.memory_space<hbm>> -> memref<16x2048xf32, #tpu.memory_space<hbm>>
    %dma_wait3A_695 = tpu.memref_slice %arg5[%dma_wait3A_688] : memref<2x!tpu.dma_semaphore, #tpu.memory_space<semaphore_mem>> -> memref<1x!tpu.dma_semaphore, #tpu.memory_space<semaphore_mem>>
    %dma_wait3A_696 = tpu.memref_squeeze %dma_wait3A_695 : memref<1x!tpu.dma_semaphore, #tpu.memory_space<semaphore_mem>> -> memref<!tpu.dma_semaphore, #tpu.memory_space<semaphore_mem>>
    %dma_wait3A_697 = arith.constant 0 : i32
    %dma_wait3A_698 = arith.constant 0 : i32
    %dma_wait3A_699 = tpu.memref_slice %arg4[%dma_wait3A_687, %dma_wait3A_697, %dma_wait3A_698] : memref<2x16x2048xf32, #tpu.memory_space<vmem>> -> memref<1x16x2048xf32, #tpu.memory_space<vmem>>
    %dma_wait3A_700 = tpu.memref_squeeze %dma_wait3A_699 : memref<1x16x2048xf32, #tpu.memory_space<vmem>> -> memref<16x2048xf32, #tpu.memory_space<vmem>>
    %dma_wait3A_701 = arith.constant 0 : i32
    %dma_wait3A_702 = tpu.memref_slice %arg2[%add3A_594, %dma_wait3A_701] : memref<8192x2048xf32, #tpu.memory_space<hbm>> -> memref<16x2048xf32, #tpu.memory_space<hbm>>
    tpu.wait_dma2 semaphore(%dma_wait3A_696 : memref<!tpu.dma_semaphore, #tpu.memory_space<semaphore_mem>>) src(%dma_wait3A_702 : memref<16x2048xf32, #tpu.memory_space<hbm>>) dst(%dma_wait3A_700 : memref<16x2048xf32, #tpu.memory_space<vmem>>)
    %dma_start3A_703 = arith.constant 0 : i32
    %dma_start3A_704 = arith.constant 0 : i32
    %dma_start3A_705 = arith.constant 0 : i32
    %dma_start3A_706 = arith.constant 0 : i32
    %dma_start3A_707 = arith.constant 0 : i32
    %dma_start3A_708 = tpu.memref_slice %arg4[%dma_start3A_703, %dma_start3A_706, %dma_start3A_707] : memref<2x16x2048xf32, #tpu.memory_space<vmem>> -> memref<1x16x2048xf32, #tpu.memory_space<vmem>>
    %dma_start3A_709 = tpu.memref_squeeze %dma_start3A_708 : memref<1x16x2048xf32, #tpu.memory_space<vmem>> -> memref<16x2048xf32, #tpu.memory_space<vmem>>
    %dma_start3A_710 = arith.constant 0 : i32
    %dma_start3A_711 = tpu.memref_slice %arg3[%dma_start3A_704, %add3A_594, %dma_start3A_710] : memref<4x4096x2048xf32, #tpu.memory_space<hbm>> -> memref<1x16x2048xf32, #tpu.memory_space<hbm>>
    %dma_start3A_712 = tpu.memref_squeeze %dma_start3A_711 : memref<1x16x2048xf32, #tpu.memory_space<hbm>> -> memref<16x2048xf32, #tpu.memory_space<hbm>>
    %dma_start3A_713 = tpu.memref_slice %arg6[%dma_start3A_705] : memref<2x!tpu.dma_semaphore, #tpu.memory_space<semaphore_mem>> -> memref<1x!tpu.dma_semaphore, #tpu.memory_space<semaphore_mem>>
    %dma_start3A_714 = tpu.memref_squeeze %dma_start3A_713 : memref<1x!tpu.dma_semaphore, #tpu.memory_space<semaphore_mem>> -> memref<!tpu.dma_semaphore, #tpu.memory_space<semaphore_mem>>
    %dma_start3A_715 = arith.constant 0 : i32
    %dma_start3A_716 = tpu.memref_slice %arg3[%dma_start3A_704, %add3A_594, %dma_start3A_715] : memref<4x4096x2048xf32, #tpu.memory_space<hbm>> -> memref<1x16x2048xf32, #tpu.memory_space<hbm>>
    %dma_start3A_717 = tpu.memref_squeeze %dma_start3A_716 : memref<1x16x2048xf32, #tpu.memory_space<hbm>> -> memref<16x2048xf32, #tpu.memory_space<hbm>>
    %dma_start3A_718 = arith.constant 0 : i32
    %dma_start3A_719 = arith.constant 0 : i32
    %dma_start3A_720 = tpu.memref_slice %arg4[%dma_start3A_703, %dma_start3A_718, %dma_start3A_719] : memref<2x16x2048xf32, #tpu.memory_space<vmem>> -> memref<1x16x2048xf32, #tpu.memory_space<vmem>>
    %dma_start3A_721 = tpu.memref_squeeze %dma_start3A_720 : memref<1x16x2048xf32, #tpu.memory_space<vmem>> -> memref<16x2048xf32, #tpu.memory_space<vmem>>
    tpu.enqueue_dma source(%dma_start3A_721 : memref<16x2048xf32, #tpu.memory_space<vmem>>) target(%dma_start3A_717 : memref<16x2048xf32, #tpu.memory_space<hbm>>) target_semaphore(%dma_start3A_714 : memref<!tpu.dma_semaphore, #tpu.memory_space<semaphore_mem>>)
    %dma_start3A_722 = arith.constant 0 : i32
    %dma_start3A_723 = arith.constant 1 : i32
    %dma_start3A_724 = arith.constant 0 : i32
    %dma_start3A_725 = arith.constant 0 : i32
    %dma_start3A_726 = arith.constant 0 : i32
    %dma_start3A_727 = tpu.memref_slice %arg4[%dma_start3A_722, %dma_start3A_725, %dma_start3A_726] : memref<2x16x2048xf32, #tpu.memory_space<vmem>> -> memref<1x16x2048xf32, #tpu.memory_space<vmem>>
    %dma_start3A_728 = tpu.memref_squeeze %dma_start3A_727 : memref<1x16x2048xf32, #tpu.memory_space<vmem>> -> memref<16x2048xf32, #tpu.memory_space<vmem>>
    %dma_start3A_729 = arith.constant 0 : i32
    %dma_start3A_730 = tpu.memref_slice %arg3[%dma_start3A_723, %add3A_594, %dma_start3A_729] : memref<4x4096x2048xf32, #tpu.memory_space<hbm>> -> memref<1x16x2048xf32, #tpu.memory_space<hbm>>
    %dma_start3A_731 = tpu.memref_squeeze %dma_start3A_730 : memref<1x16x2048xf32, #tpu.memory_space<hbm>> -> memref<16x2048xf32, #tpu.memory_space<hbm>>
    %dma_start3A_732 = tpu.memref_slice %arg6[%dma_start3A_724] : memref<2x!tpu.dma_semaphore, #tpu.memory_space<semaphore_mem>> -> memref<1x!tpu.dma_semaphore, #tpu.memory_space<semaphore_mem>>
    %dma_start3A_733 = tpu.memref_squeeze %dma_start3A_732 : memref<1x!tpu.dma_semaphore, #tpu.memory_space<semaphore_mem>> -> memref<!tpu.dma_semaphore, #tpu.memory_space<semaphore_mem>>
    %dma_start3A_734 = arith.constant 0 : i32
    %dma_start3A_735 = tpu.memref_slice %arg3[%dma_start3A_723, %add3A_594, %dma_start3A_734] : memref<4x4096x2048xf32, #tpu.memory_space<hbm>> -> memref<1x16x2048xf32, #tpu.memory_space<hbm>>
    %dma_start3A_736 = tpu.memref_squeeze %dma_start3A_735 : memref<1x16x2048xf32, #tpu.memory_space<hbm>> -> memref<16x2048xf32, #tpu.memory_space<hbm>>
    %dma_start3A_737 = arith.constant 0 : i32
    %dma_start3A_738 = arith.constant 0 : i32
    %dma_start3A_739 = tpu.memref_slice %arg4[%dma_start3A_722, %dma_start3A_737, %dma_start3A_738] : memref<2x16x2048xf32, #tpu.memory_space<vmem>> -> memref<1x16x2048xf32, #tpu.memory_space<vmem>>
    %dma_start3A_740 = tpu.memref_squeeze %dma_start3A_739 : memref<1x16x2048xf32, #tpu.memory_space<vmem>> -> memref<16x2048xf32, #tpu.memory_space<vmem>>
    tpu.enqueue_dma source(%dma_start3A_740 : memref<16x2048xf32, #tpu.memory_space<vmem>>) target(%dma_start3A_736 : memref<16x2048xf32, #tpu.memory_space<hbm>>) target_semaphore(%dma_start3A_733 : memref<!tpu.dma_semaphore, #tpu.memory_space<semaphore_mem>>)
    %dma_start3A_741 = arith.constant 0 : i32
    %dma_start3A_742 = arith.constant 2 : i32
    %dma_start3A_743 = arith.constant 0 : i32
    %dma_start3A_744 = arith.constant 0 : i32
    %dma_start3A_745 = arith.constant 0 : i32
    %dma_start3A_746 = tpu.memref_slice %arg4[%dma_start3A_741, %dma_start3A_744, %dma_start3A_745] : memref<2x16x2048xf32, #tpu.memory_space<vmem>> -> memref<1x16x2048xf32, #tpu.memory_space<vmem>>
    %dma_start3A_747 = tpu.memref_squeeze %dma_start3A_746 : memref<1x16x2048xf32, #tpu.memory_space<vmem>> -> memref<16x2048xf32, #tpu.memory_space<vmem>>
    %dma_start3A_748 = arith.constant 0 : i32
    %dma_start3A_749 = tpu.memref_slice %arg3[%dma_start3A_742, %add3A_594, %dma_start3A_748] : memref<4x4096x2048xf32, #tpu.memory_space<hbm>> -> memref<1x16x2048xf32, #tpu.memory_space<hbm>>
    %dma_start3A_750 = tpu.memref_squeeze %dma_start3A_749 : memref<1x16x2048xf32, #tpu.memory_space<hbm>> -> memref<16x2048xf32, #tpu.memory_space<hbm>>
    %dma_start3A_751 = tpu.memref_slice %arg6[%dma_start3A_743] : memref<2x!tpu.dma_semaphore, #tpu.memory_space<semaphore_mem>> -> memref<1x!tpu.dma_semaphore, #tpu.memory_space<semaphore_mem>>
    %dma_start3A_752 = tpu.memref_squeeze %dma_start3A_751 : memref<1x!tpu.dma_semaphore, #tpu.memory_space<semaphore_mem>> -> memref<!tpu.dma_semaphore, #tpu.memory_space<semaphore_mem>>
    %dma_start3A_753 = arith.constant 0 : i32
    %dma_start3A_754 = tpu.memref_slice %arg3[%dma_start3A_742, %add3A_594, %dma_start3A_753] : memref<4x4096x2048xf32, #tpu.memory_space<hbm>> -> memref<1x16x2048xf32, #tpu.memory_space<hbm>>
    %dma_start3A_755 = tpu.memref_squeeze %dma_start3A_754 : memref<1x16x2048xf32, #tpu.memory_space<hbm>> -> memref<16x2048xf32, #tpu.memory_space<hbm>>
    %dma_start3A_756 = arith.constant 0 : i32
    %dma_start3A_757 = arith.constant 0 : i32
    %dma_start3A_758 = tpu.memref_slice %arg4[%dma_start3A_741, %dma_start3A_756, %dma_start3A_757] : memref<2x16x2048xf32, #tpu.memory_space<vmem>> -> memref<1x16x2048xf32, #tpu.memory_space<vmem>>
    %dma_start3A_759 = tpu.memref_squeeze %dma_start3A_758 : memref<1x16x2048xf32, #tpu.memory_space<vmem>> -> memref<16x2048xf32, #tpu.memory_space<vmem>>
    tpu.enqueue_dma source(%dma_start3A_759 : memref<16x2048xf32, #tpu.memory_space<vmem>>) target(%dma_start3A_755 : memref<16x2048xf32, #tpu.memory_space<hbm>>) target_semaphore(%dma_start3A_752 : memref<!tpu.dma_semaphore, #tpu.memory_space<semaphore_mem>>)
    %dma_start3A_760 = arith.constant 0 : i32
    %dma_start3A_761 = arith.constant 3 : i32
    %dma_start3A_762 = arith.constant 0 : i32
    %dma_start3A_763 = arith.constant 0 : i32
    %dma_start3A_764 = arith.constant 0 : i32
    %dma_start3A_765 = tpu.memref_slice %arg4[%dma_start3A_760, %dma_start3A_763, %dma_start3A_764] : memref<2x16x2048xf32, #tpu.memory_space<vmem>> -> memref<1x16x2048xf32, #tpu.memory_space<vmem>>
    %dma_start3A_766 = tpu.memref_squeeze %dma_start3A_765 : memref<1x16x2048xf32, #tpu.memory_space<vmem>> -> memref<16x2048xf32, #tpu.memory_space<vmem>>
    %dma_start3A_767 = arith.constant 0 : i32
    %dma_start3A_768 = tpu.memref_slice %arg3[%dma_start3A_761, %add3A_594, %dma_start3A_767] : memref<4x4096x2048xf32, #tpu.memory_space<hbm>> -> memref<1x16x2048xf32, #tpu.memory_space<hbm>>
    %dma_start3A_769 = tpu.memref_squeeze %dma_start3A_768 : memref<1x16x2048xf32, #tpu.memory_space<hbm>> -> memref<16x2048xf32, #tpu.memory_space<hbm>>
    %dma_start3A_770 = tpu.memref_slice %arg6[%dma_start3A_762] : memref<2x!tpu.dma_semaphore, #tpu.memory_space<semaphore_mem>> -> memref<1x!tpu.dma_semaphore, #tpu.memory_space<semaphore_mem>>
    %dma_start3A_771 = tpu.memref_squeeze %dma_start3A_770 : memref<1x!tpu.dma_semaphore, #tpu.memory_space<semaphore_mem>> -> memref<!tpu.dma_semaphore, #tpu.memory_space<semaphore_mem>>
    %dma_start3A_772 = arith.constant 0 : i32
    %dma_start3A_773 = tpu.memref_slice %arg3[%dma_start3A_761, %add3A_594, %dma_start3A_772] : memref<4x4096x2048xf32, #tpu.memory_space<hbm>> -> memref<1x16x2048xf32, #tpu.memory_space<hbm>>
    %dma_start3A_774 = tpu.memref_squeeze %dma_start3A_773 : memref<1x16x2048xf32, #tpu.memory_space<hbm>> -> memref<16x2048xf32, #tpu.memory_space<hbm>>
    %dma_start3A_775 = arith.constant 0 : i32
    %dma_start3A_776 = arith.constant 0 : i32
    %dma_start3A_777 = tpu.memref_slice %arg4[%dma_start3A_760, %dma_start3A_775, %dma_start3A_776] : memref<2x16x2048xf32, #tpu.memory_space<vmem>> -> memref<1x16x2048xf32, #tpu.memory_space<vmem>>
    %dma_start3A_778 = tpu.memref_squeeze %dma_start3A_777 : memref<1x16x2048xf32, #tpu.memory_space<vmem>> -> memref<16x2048xf32, #tpu.memory_space<vmem>>
    tpu.enqueue_dma source(%dma_start3A_778 : memref<16x2048xf32, #tpu.memory_space<vmem>>) target(%dma_start3A_774 : memref<16x2048xf32, #tpu.memory_space<hbm>>) target_semaphore(%dma_start3A_771 : memref<!tpu.dma_semaphore, #tpu.memory_space<semaphore_mem>>)
    %add3A_779 = arith.constant 80 : i32
    %add3A_780 = arith.addi %mul3A_2, %add3A_779 : i32
    %dma_wait3A_781 = arith.constant 1 : i32
    %dma_wait3A_782 = arith.constant 0 : i32
    %dma_wait3A_783 = arith.constant 1 : i32
    %dma_wait3A_784 = arith.constant 0 : i32
    %dma_wait3A_785 = arith.constant 0 : i32
    %dma_wait3A_786 = tpu.memref_slice %arg4[%dma_wait3A_781, %dma_wait3A_784, %dma_wait3A_785] : memref<2x16x2048xf32, #tpu.memory_space<vmem>> -> memref<1x16x2048xf32, #tpu.memory_space<vmem>>
    %dma_wait3A_787 = tpu.memref_squeeze %dma_wait3A_786 : memref<1x16x2048xf32, #tpu.memory_space<vmem>> -> memref<16x2048xf32, #tpu.memory_space<vmem>>
    %dma_wait3A_788 = arith.constant 0 : i32
    %dma_wait3A_789 = tpu.memref_slice %arg3[%dma_wait3A_782, %add3A_408, %dma_wait3A_788] : memref<4x4096x2048xf32, #tpu.memory_space<hbm>> -> memref<1x16x2048xf32, #tpu.memory_space<hbm>>
    %dma_wait3A_790 = tpu.memref_squeeze %dma_wait3A_789 : memref<1x16x2048xf32, #tpu.memory_space<hbm>> -> memref<16x2048xf32, #tpu.memory_space<hbm>>
    %dma_wait3A_791 = tpu.memref_slice %arg6[%dma_wait3A_783] : memref<2x!tpu.dma_semaphore, #tpu.memory_space<semaphore_mem>> -> memref<1x!tpu.dma_semaphore, #tpu.memory_space<semaphore_mem>>
    %dma_wait3A_792 = tpu.memref_squeeze %dma_wait3A_791 : memref<1x!tpu.dma_semaphore, #tpu.memory_space<semaphore_mem>> -> memref<!tpu.dma_semaphore, #tpu.memory_space<semaphore_mem>>
    %dma_wait3A_793 = arith.constant 0 : i32
    %dma_wait3A_794 = tpu.memref_slice %arg3[%dma_wait3A_782, %add3A_408, %dma_wait3A_793] : memref<4x4096x2048xf32, #tpu.memory_space<hbm>> -> memref<1x16x2048xf32, #tpu.memory_space<hbm>>
    %dma_wait3A_795 = tpu.memref_squeeze %dma_wait3A_794 : memref<1x16x2048xf32, #tpu.memory_space<hbm>> -> memref<16x2048xf32, #tpu.memory_space<hbm>>
    %dma_wait3A_796 = arith.constant 0 : i32
    %dma_wait3A_797 = arith.constant 0 : i32
    %dma_wait3A_798 = tpu.memref_slice %arg4[%dma_wait3A_781, %dma_wait3A_796, %dma_wait3A_797] : memref<2x16x2048xf32, #tpu.memory_space<vmem>> -> memref<1x16x2048xf32, #tpu.memory_space<vmem>>
    %dma_wait3A_799 = tpu.memref_squeeze %dma_wait3A_798 : memref<1x16x2048xf32, #tpu.memory_space<vmem>> -> memref<16x2048xf32, #tpu.memory_space<vmem>>
    tpu.wait_dma2 semaphore(%dma_wait3A_792 : memref<!tpu.dma_semaphore, #tpu.memory_space<semaphore_mem>>) src(%dma_wait3A_799 : memref<16x2048xf32, #tpu.memory_space<vmem>>) dst(%dma_wait3A_795 : memref<16x2048xf32, #tpu.memory_space<hbm>>)
    %dma_wait3A_800 = arith.constant 1 : i32
    %dma_wait3A_801 = arith.constant 1 : i32
    %dma_wait3A_802 = arith.constant 1 : i32
    %dma_wait3A_803 = arith.constant 0 : i32
    %dma_wait3A_804 = arith.constant 0 : i32
    %dma_wait3A_805 = tpu.memref_slice %arg4[%dma_wait3A_800, %dma_wait3A_803, %dma_wait3A_804] : memref<2x16x2048xf32, #tpu.memory_space<vmem>> -> memref<1x16x2048xf32, #tpu.memory_space<vmem>>
    %dma_wait3A_806 = tpu.memref_squeeze %dma_wait3A_805 : memref<1x16x2048xf32, #tpu.memory_space<vmem>> -> memref<16x2048xf32, #tpu.memory_space<vmem>>
    %dma_wait3A_807 = arith.constant 0 : i32
    %dma_wait3A_808 = tpu.memref_slice %arg3[%dma_wait3A_801, %add3A_408, %dma_wait3A_807] : memref<4x4096x2048xf32, #tpu.memory_space<hbm>> -> memref<1x16x2048xf32, #tpu.memory_space<hbm>>
    %dma_wait3A_809 = tpu.memref_squeeze %dma_wait3A_808 : memref<1x16x2048xf32, #tpu.memory_space<hbm>> -> memref<16x2048xf32, #tpu.memory_space<hbm>>
    %dma_wait3A_810 = tpu.memref_slice %arg6[%dma_wait3A_802] : memref<2x!tpu.dma_semaphore, #tpu.memory_space<semaphore_mem>> -> memref<1x!tpu.dma_semaphore, #tpu.memory_space<semaphore_mem>>
    %dma_wait3A_811 = tpu.memref_squeeze %dma_wait3A_810 : memref<1x!tpu.dma_semaphore, #tpu.memory_space<semaphore_mem>> -> memref<!tpu.dma_semaphore, #tpu.memory_space<semaphore_mem>>
    %dma_wait3A_812 = arith.constant 0 : i32
    %dma_wait3A_813 = tpu.memref_slice %arg3[%dma_wait3A_801, %add3A_408, %dma_wait3A_812] : memref<4x4096x2048xf32, #tpu.memory_space<hbm>> -> memref<1x16x2048xf32, #tpu.memory_space<hbm>>
    %dma_wait3A_814 = tpu.memref_squeeze %dma_wait3A_813 : memref<1x16x2048xf32, #tpu.memory_space<hbm>> -> memref<16x2048xf32, #tpu.memory_space<hbm>>
    %dma_wait3A_815 = arith.constant 0 : i32
    %dma_wait3A_816 = arith.constant 0 : i32
    %dma_wait3A_817 = tpu.memref_slice %arg4[%dma_wait3A_800, %dma_wait3A_815, %dma_wait3A_816] : memref<2x16x2048xf32, #tpu.memory_space<vmem>> -> memref<1x16x2048xf32, #tpu.memory_space<vmem>>
    %dma_wait3A_818 = tpu.memref_squeeze %dma_wait3A_817 : memref<1x16x2048xf32, #tpu.memory_space<vmem>> -> memref<16x2048xf32, #tpu.memory_space<vmem>>
    tpu.wait_dma2 semaphore(%dma_wait3A_811 : memref<!tpu.dma_semaphore, #tpu.memory_space<semaphore_mem>>) src(%dma_wait3A_818 : memref<16x2048xf32, #tpu.memory_space<vmem>>) dst(%dma_wait3A_814 : memref<16x2048xf32, #tpu.memory_space<hbm>>)
    %dma_wait3A_819 = arith.constant 1 : i32
    %dma_wait3A_820 = arith.constant 2 : i32
    %dma_wait3A_821 = arith.constant 1 : i32
    %dma_wait3A_822 = arith.constant 0 : i32
    %dma_wait3A_823 = arith.constant 0 : i32
    %dma_wait3A_824 = tpu.memref_slice %arg4[%dma_wait3A_819, %dma_wait3A_822, %dma_wait3A_823] : memref<2x16x2048xf32, #tpu.memory_space<vmem>> -> memref<1x16x2048xf32, #tpu.memory_space<vmem>>
    %dma_wait3A_825 = tpu.memref_squeeze %dma_wait3A_824 : memref<1x16x2048xf32, #tpu.memory_space<vmem>> -> memref<16x2048xf32, #tpu.memory_space<vmem>>
    %dma_wait3A_826 = arith.constant 0 : i32
    %dma_wait3A_827 = tpu.memref_slice %arg3[%dma_wait3A_820, %add3A_408, %dma_wait3A_826] : memref<4x4096x2048xf32, #tpu.memory_space<hbm>> -> memref<1x16x2048xf32, #tpu.memory_space<hbm>>
    %dma_wait3A_828 = tpu.memref_squeeze %dma_wait3A_827 : memref<1x16x2048xf32, #tpu.memory_space<hbm>> -> memref<16x2048xf32, #tpu.memory_space<hbm>>
    %dma_wait3A_829 = tpu.memref_slice %arg6[%dma_wait3A_821] : memref<2x!tpu.dma_semaphore, #tpu.memory_space<semaphore_mem>> -> memref<1x!tpu.dma_semaphore, #tpu.memory_space<semaphore_mem>>
    %dma_wait3A_830 = tpu.memref_squeeze %dma_wait3A_829 : memref<1x!tpu.dma_semaphore, #tpu.memory_space<semaphore_mem>> -> memref<!tpu.dma_semaphore, #tpu.memory_space<semaphore_mem>>
    %dma_wait3A_831 = arith.constant 0 : i32
    %dma_wait3A_832 = tpu.memref_slice %arg3[%dma_wait3A_820, %add3A_408, %dma_wait3A_831] : memref<4x4096x2048xf32, #tpu.memory_space<hbm>> -> memref<1x16x2048xf32, #tpu.memory_space<hbm>>
    %dma_wait3A_833 = tpu.memref_squeeze %dma_wait3A_832 : memref<1x16x2048xf32, #tpu.memory_space<hbm>> -> memref<16x2048xf32, #tpu.memory_space<hbm>>
    %dma_wait3A_834 = arith.constant 0 : i32
    %dma_wait3A_835 = arith.constant 0 : i32
    %dma_wait3A_836 = tpu.memref_slice %arg4[%dma_wait3A_819, %dma_wait3A_834, %dma_wait3A_835] : memref<2x16x2048xf32, #tpu.memory_space<vmem>> -> memref<1x16x2048xf32, #tpu.memory_space<vmem>>
    %dma_wait3A_837 = tpu.memref_squeeze %dma_wait3A_836 : memref<1x16x2048xf32, #tpu.memory_space<vmem>> -> memref<16x2048xf32, #tpu.memory_space<vmem>>
    tpu.wait_dma2 semaphore(%dma_wait3A_830 : memref<!tpu.dma_semaphore, #tpu.memory_space<semaphore_mem>>) src(%dma_wait3A_837 : memref<16x2048xf32, #tpu.memory_space<vmem>>) dst(%dma_wait3A_833 : memref<16x2048xf32, #tpu.memory_space<hbm>>)
    %dma_wait3A_838 = arith.constant 1 : i32
    %dma_wait3A_839 = arith.constant 3 : i32
    %dma_wait3A_840 = arith.constant 1 : i32
    %dma_wait3A_841 = arith.constant 0 : i32
    %dma_wait3A_842 = arith.constant 0 : i32
    %dma_wait3A_843 = tpu.memref_slice %arg4[%dma_wait3A_838, %dma_wait3A_841, %dma_wait3A_842] : memref<2x16x2048xf32, #tpu.memory_space<vmem>> -> memref<1x16x2048xf32, #tpu.memory_space<vmem>>
    %dma_wait3A_844 = tpu.memref_squeeze %dma_wait3A_843 : memref<1x16x2048xf32, #tpu.memory_space<vmem>> -> memref<16x2048xf32, #tpu.memory_space<vmem>>
    %dma_wait3A_845 = arith.constant 0 : i32
    %dma_wait3A_846 = tpu.memref_slice %arg3[%dma_wait3A_839, %add3A_408, %dma_wait3A_845] : memref<4x4096x2048xf32, #tpu.memory_space<hbm>> -> memref<1x16x2048xf32, #tpu.memory_space<hbm>>
    %dma_wait3A_847 = tpu.memref_squeeze %dma_wait3A_846 : memref<1x16x2048xf32, #tpu.memory_space<hbm>> -> memref<16x2048xf32, #tpu.memory_space<hbm>>
    %dma_wait3A_848 = tpu.memref_slice %arg6[%dma_wait3A_840] : memref<2x!tpu.dma_semaphore, #tpu.memory_space<semaphore_mem>> -> memref<1x!tpu.dma_semaphore, #tpu.memory_space<semaphore_mem>>
    %dma_wait3A_849 = tpu.memref_squeeze %dma_wait3A_848 : memref<1x!tpu.dma_semaphore, #tpu.memory_space<semaphore_mem>> -> memref<!tpu.dma_semaphore, #tpu.memory_space<semaphore_mem>>
    %dma_wait3A_850 = arith.constant 0 : i32
    %dma_wait3A_851 = tpu.memref_slice %arg3[%dma_wait3A_839, %add3A_408, %dma_wait3A_850] : memref<4x4096x2048xf32, #tpu.memory_space<hbm>> -> memref<1x16x2048xf32, #tpu.memory_space<hbm>>
    %dma_wait3A_852 = tpu.memref_squeeze %dma_wait3A_851 : memref<1x16x2048xf32, #tpu.memory_space<hbm>> -> memref<16x2048xf32, #tpu.memory_space<hbm>>
    %dma_wait3A_853 = arith.constant 0 : i32
    %dma_wait3A_854 = arith.constant 0 : i32
    %dma_wait3A_855 = tpu.memref_slice %arg4[%dma_wait3A_838, %dma_wait3A_853, %dma_wait3A_854] : memref<2x16x2048xf32, #tpu.memory_space<vmem>> -> memref<1x16x2048xf32, #tpu.memory_space<vmem>>
    %dma_wait3A_856 = tpu.memref_squeeze %dma_wait3A_855 : memref<1x16x2048xf32, #tpu.memory_space<vmem>> -> memref<16x2048xf32, #tpu.memory_space<vmem>>
    tpu.wait_dma2 semaphore(%dma_wait3A_849 : memref<!tpu.dma_semaphore, #tpu.memory_space<semaphore_mem>>) src(%dma_wait3A_856 : memref<16x2048xf32, #tpu.memory_space<vmem>>) dst(%dma_wait3A_852 : memref<16x2048xf32, #tpu.memory_space<hbm>>)
    %dma_start3A_857 = arith.constant 1 : i32
    %dma_start3A_858 = arith.constant 1 : i32
    %dma_start3A_859 = arith.constant 0 : i32
    %dma_start3A_860 = arith.constant 0 : i32
    %dma_start3A_861 = tpu.memref_slice %arg4[%dma_start3A_857, %dma_start3A_859, %dma_start3A_860] : memref<2x16x2048xf32, #tpu.memory_space<vmem>> -> memref<1x16x2048xf32, #tpu.memory_space<vmem>>
    %dma_start3A_862 = tpu.memref_squeeze %dma_start3A_861 : memref<1x16x2048xf32, #tpu.memory_space<vmem>> -> memref<16x2048xf32, #tpu.memory_space<vmem>>
    %dma_start3A_863 = arith.constant 0 : i32
    %dma_start3A_864 = tpu.memref_slice %arg2[%add3A_780, %dma_start3A_863] : memref<8192x2048xf32, #tpu.memory_space<hbm>> -> memref<16x2048xf32, #tpu.memory_space<hbm>>
    %dma_start3A_865 = tpu.memref_slice %arg5[%dma_start3A_858] : memref<2x!tpu.dma_semaphore, #tpu.memory_space<semaphore_mem>> -> memref<1x!tpu.dma_semaphore, #tpu.memory_space<semaphore_mem>>
    %dma_start3A_866 = tpu.memref_squeeze %dma_start3A_865 : memref<1x!tpu.dma_semaphore, #tpu.memory_space<semaphore_mem>> -> memref<!tpu.dma_semaphore, #tpu.memory_space<semaphore_mem>>
    %dma_start3A_867 = arith.constant 0 : i32
    %dma_start3A_868 = arith.constant 0 : i32
    %dma_start3A_869 = tpu.memref_slice %arg4[%dma_start3A_857, %dma_start3A_867, %dma_start3A_868] : memref<2x16x2048xf32, #tpu.memory_space<vmem>> -> memref<1x16x2048xf32, #tpu.memory_space<vmem>>
    %dma_start3A_870 = tpu.memref_squeeze %dma_start3A_869 : memref<1x16x2048xf32, #tpu.memory_space<vmem>> -> memref<16x2048xf32, #tpu.memory_space<vmem>>
    %dma_start3A_871 = arith.constant 0 : i32
    %dma_start3A_872 = tpu.memref_slice %arg2[%add3A_780, %dma_start3A_871] : memref<8192x2048xf32, #tpu.memory_space<hbm>> -> memref<16x2048xf32, #tpu.memory_space<hbm>>
    tpu.enqueue_dma source(%dma_start3A_872 : memref<16x2048xf32, #tpu.memory_space<hbm>>) target(%dma_start3A_870 : memref<16x2048xf32, #tpu.memory_space<vmem>>) target_semaphore(%dma_start3A_866 : memref<!tpu.dma_semaphore, #tpu.memory_space<semaphore_mem>>)
    %dma_wait3A_873 = arith.constant 1 : i32
    %dma_wait3A_874 = arith.constant 1 : i32
    %dma_wait3A_875 = arith.constant 0 : i32
    %dma_wait3A_876 = arith.constant 0 : i32
    %dma_wait3A_877 = tpu.memref_slice %arg4[%dma_wait3A_873, %dma_wait3A_875, %dma_wait3A_876] : memref<2x16x2048xf32, #tpu.memory_space<vmem>> -> memref<1x16x2048xf32, #tpu.memory_space<vmem>>
    %dma_wait3A_878 = tpu.memref_squeeze %dma_wait3A_877 : memref<1x16x2048xf32, #tpu.memory_space<vmem>> -> memref<16x2048xf32, #tpu.memory_space<vmem>>
    %dma_wait3A_879 = arith.constant 0 : i32
    %dma_wait3A_880 = tpu.memref_slice %arg2[%add3A_780, %dma_wait3A_879] : memref<8192x2048xf32, #tpu.memory_space<hbm>> -> memref<16x2048xf32, #tpu.memory_space<hbm>>
    %dma_wait3A_881 = tpu.memref_slice %arg5[%dma_wait3A_874] : memref<2x!tpu.dma_semaphore, #tpu.memory_space<semaphore_mem>> -> memref<1x!tpu.dma_semaphore, #tpu.memory_space<semaphore_mem>>
    %dma_wait3A_882 = tpu.memref_squeeze %dma_wait3A_881 : memref<1x!tpu.dma_semaphore, #tpu.memory_space<semaphore_mem>> -> memref<!tpu.dma_semaphore, #tpu.memory_space<semaphore_mem>>
    %dma_wait3A_883 = arith.constant 0 : i32
    %dma_wait3A_884 = arith.constant 0 : i32
    %dma_wait3A_885 = tpu.memref_slice %arg4[%dma_wait3A_873, %dma_wait3A_883, %dma_wait3A_884] : memref<2x16x2048xf32, #tpu.memory_space<vmem>> -> memref<1x16x2048xf32, #tpu.memory_space<vmem>>
    %dma_wait3A_886 = tpu.memref_squeeze %dma_wait3A_885 : memref<1x16x2048xf32, #tpu.memory_space<vmem>> -> memref<16x2048xf32, #tpu.memory_space<vmem>>
    %dma_wait3A_887 = arith.constant 0 : i32
    %dma_wait3A_888 = tpu.memref_slice %arg2[%add3A_780, %dma_wait3A_887] : memref<8192x2048xf32, #tpu.memory_space<hbm>> -> memref<16x2048xf32, #tpu.memory_space<hbm>>
    tpu.wait_dma2 semaphore(%dma_wait3A_882 : memref<!tpu.dma_semaphore, #tpu.memory_space<semaphore_mem>>) src(%dma_wait3A_888 : memref<16x2048xf32, #tpu.memory_space<hbm>>) dst(%dma_wait3A_886 : memref<16x2048xf32, #tpu.memory_space<vmem>>)
    %dma_start3A_889 = arith.constant 1 : i32
    %dma_start3A_890 = arith.constant 0 : i32
    %dma_start3A_891 = arith.constant 1 : i32
    %dma_start3A_892 = arith.constant 0 : i32
    %dma_start3A_893 = arith.constant 0 : i32
    %dma_start3A_894 = tpu.memref_slice %arg4[%dma_start3A_889, %dma_start3A_892, %dma_start3A_893] : memref<2x16x2048xf32, #tpu.memory_space<vmem>> -> memref<1x16x2048xf32, #tpu.memory_space<vmem>>
    %dma_start3A_895 = tpu.memref_squeeze %dma_start3A_894 : memref<1x16x2048xf32, #tpu.memory_space<vmem>> -> memref<16x2048xf32, #tpu.memory_space<vmem>>
    %dma_start3A_896 = arith.constant 0 : i32
    %dma_start3A_897 = tpu.memref_slice %arg3[%dma_start3A_890, %add3A_780, %dma_start3A_896] : memref<4x4096x2048xf32, #tpu.memory_space<hbm>> -> memref<1x16x2048xf32, #tpu.memory_space<hbm>>
    %dma_start3A_898 = tpu.memref_squeeze %dma_start3A_897 : memref<1x16x2048xf32, #tpu.memory_space<hbm>> -> memref<16x2048xf32, #tpu.memory_space<hbm>>
    %dma_start3A_899 = tpu.memref_slice %arg6[%dma_start3A_891] : memref<2x!tpu.dma_semaphore, #tpu.memory_space<semaphore_mem>> -> memref<1x!tpu.dma_semaphore, #tpu.memory_space<semaphore_mem>>
    %dma_start3A_900 = tpu.memref_squeeze %dma_start3A_899 : memref<1x!tpu.dma_semaphore, #tpu.memory_space<semaphore_mem>> -> memref<!tpu.dma_semaphore, #tpu.memory_space<semaphore_mem>>
    %dma_start3A_901 = arith.constant 0 : i32
    %dma_start3A_902 = tpu.memref_slice %arg3[%dma_start3A_890, %add3A_780, %dma_start3A_901] : memref<4x4096x2048xf32, #tpu.memory_space<hbm>> -> memref<1x16x2048xf32, #tpu.memory_space<hbm>>
    %dma_start3A_903 = tpu.memref_squeeze %dma_start3A_902 : memref<1x16x2048xf32, #tpu.memory_space<hbm>> -> memref<16x2048xf32, #tpu.memory_space<hbm>>
    %dma_start3A_904 = arith.constant 0 : i32
    %dma_start3A_905 = arith.constant 0 : i32
    %dma_start3A_906 = tpu.memref_slice %arg4[%dma_start3A_889, %dma_start3A_904, %dma_start3A_905] : memref<2x16x2048xf32, #tpu.memory_space<vmem>> -> memref<1x16x2048xf32, #tpu.memory_space<vmem>>
    %dma_start3A_907 = tpu.memref_squeeze %dma_start3A_906 : memref<1x16x2048xf32, #tpu.memory_space<vmem>> -> memref<16x2048xf32, #tpu.memory_space<vmem>>
    tpu.enqueue_dma source(%dma_start3A_907 : memref<16x2048xf32, #tpu.memory_space<vmem>>) target(%dma_start3A_903 : memref<16x2048xf32, #tpu.memory_space<hbm>>) target_semaphore(%dma_start3A_900 : memref<!tpu.dma_semaphore, #tpu.memory_space<semaphore_mem>>)
    %dma_start3A_908 = arith.constant 1 : i32
    %dma_start3A_909 = arith.constant 1 : i32
    %dma_start3A_910 = arith.constant 1 : i32
    %dma_start3A_911 = arith.constant 0 : i32
    %dma_start3A_912 = arith.constant 0 : i32
    %dma_start3A_913 = tpu.memref_slice %arg4[%dma_start3A_908, %dma_start3A_911, %dma_start3A_912] : memref<2x16x2048xf32, #tpu.memory_space<vmem>> -> memref<1x16x2048xf32, #tpu.memory_space<vmem>>
    %dma_start3A_914 = tpu.memref_squeeze %dma_start3A_913 : memref<1x16x2048xf32, #tpu.memory_space<vmem>> -> memref<16x2048xf32, #tpu.memory_space<vmem>>
    %dma_start3A_915 = arith.constant 0 : i32
    %dma_start3A_916 = tpu.memref_slice %arg3[%dma_start3A_909, %add3A_780, %dma_start3A_915] : memref<4x4096x2048xf32, #tpu.memory_space<hbm>> -> memref<1x16x2048xf32, #tpu.memory_space<hbm>>
    %dma_start3A_917 = tpu.memref_squeeze %dma_start3A_916 : memref<1x16x2048xf32, #tpu.memory_space<hbm>> -> memref<16x2048xf32, #tpu.memory_space<hbm>>
    %dma_start3A_918 = tpu.memref_slice %arg6[%dma_start3A_910] : memref<2x!tpu.dma_semaphore, #tpu.memory_space<semaphore_mem>> -> memref<1x!tpu.dma_semaphore, #tpu.memory_space<semaphore_mem>>
    %dma_start3A_919 = tpu.memref_squeeze %dma_start3A_918 : memref<1x!tpu.dma_semaphore, #tpu.memory_space<semaphore_mem>> -> memref<!tpu.dma_semaphore, #tpu.memory_space<semaphore_mem>>
    %dma_start3A_920 = arith.constant 0 : i32
    %dma_start3A_921 = tpu.memref_slice %arg3[%dma_start3A_909, %add3A_780, %dma_start3A_920] : memref<4x4096x2048xf32, #tpu.memory_space<hbm>> -> memref<1x16x2048xf32, #tpu.memory_space<hbm>>
    %dma_start3A_922 = tpu.memref_squeeze %dma_start3A_921 : memref<1x16x2048xf32, #tpu.memory_space<hbm>> -> memref<16x2048xf32, #tpu.memory_space<hbm>>
    %dma_start3A_923 = arith.constant 0 : i32
    %dma_start3A_924 = arith.constant 0 : i32
    %dma_start3A_925 = tpu.memref_slice %arg4[%dma_start3A_908, %dma_start3A_923, %dma_start3A_924] : memref<2x16x2048xf32, #tpu.memory_space<vmem>> -> memref<1x16x2048xf32, #tpu.memory_space<vmem>>
    %dma_start3A_926 = tpu.memref_squeeze %dma_start3A_925 : memref<1x16x2048xf32, #tpu.memory_space<vmem>> -> memref<16x2048xf32, #tpu.memory_space<vmem>>
    tpu.enqueue_dma source(%dma_start3A_926 : memref<16x2048xf32, #tpu.memory_space<vmem>>) target(%dma_start3A_922 : memref<16x2048xf32, #tpu.memory_space<hbm>>) target_semaphore(%dma_start3A_919 : memref<!tpu.dma_semaphore, #tpu.memory_space<semaphore_mem>>)
    %dma_start3A_927 = arith.constant 1 : i32
    %dma_start3A_928 = arith.constant 2 : i32
    %dma_start3A_929 = arith.constant 1 : i32
    %dma_start3A_930 = arith.constant 0 : i32
    %dma_start3A_931 = arith.constant 0 : i32
    %dma_start3A_932 = tpu.memref_slice %arg4[%dma_start3A_927, %dma_start3A_930, %dma_start3A_931] : memref<2x16x2048xf32, #tpu.memory_space<vmem>> -> memref<1x16x2048xf32, #tpu.memory_space<vmem>>
    %dma_start3A_933 = tpu.memref_squeeze %dma_start3A_932 : memref<1x16x2048xf32, #tpu.memory_space<vmem>> -> memref<16x2048xf32, #tpu.memory_space<vmem>>
    %dma_start3A_934 = arith.constant 0 : i32
    %dma_start3A_935 = tpu.memref_slice %arg3[%dma_start3A_928, %add3A_780, %dma_start3A_934] : memref<4x4096x2048xf32, #tpu.memory_space<hbm>> -> memref<1x16x2048xf32, #tpu.memory_space<hbm>>
    %dma_start3A_936 = tpu.memref_squeeze %dma_start3A_935 : memref<1x16x2048xf32, #tpu.memory_space<hbm>> -> memref<16x2048xf32, #tpu.memory_space<hbm>>
    %dma_start3A_937 = tpu.memref_slice %arg6[%dma_start3A_929] : memref<2x!tpu.dma_semaphore, #tpu.memory_space<semaphore_mem>> -> memref<1x!tpu.dma_semaphore, #tpu.memory_space<semaphore_mem>>
    %dma_start3A_938 = tpu.memref_squeeze %dma_start3A_937 : memref<1x!tpu.dma_semaphore, #tpu.memory_space<semaphore_mem>> -> memref<!tpu.dma_semaphore, #tpu.memory_space<semaphore_mem>>
    %dma_start3A_939 = arith.constant 0 : i32
    %dma_start3A_940 = tpu.memref_slice %arg3[%dma_start3A_928, %add3A_780, %dma_start3A_939] : memref<4x4096x2048xf32, #tpu.memory_space<hbm>> -> memref<1x16x2048xf32, #tpu.memory_space<hbm>>
    %dma_start3A_941 = tpu.memref_squeeze %dma_start3A_940 : memref<1x16x2048xf32, #tpu.memory_space<hbm>> -> memref<16x2048xf32, #tpu.memory_space<hbm>>
    %dma_start3A_942 = arith.constant 0 : i32
    %dma_start3A_943 = arith.constant 0 : i32
    %dma_start3A_944 = tpu.memref_slice %arg4[%dma_start3A_927, %dma_start3A_942, %dma_start3A_943] : memref<2x16x2048xf32, #tpu.memory_space<vmem>> -> memref<1x16x2048xf32, #tpu.memory_space<vmem>>
    %dma_start3A_945 = tpu.memref_squeeze %dma_start3A_944 : memref<1x16x2048xf32, #tpu.memory_space<vmem>> -> memref<16x2048xf32, #tpu.memory_space<vmem>>
    tpu.enqueue_dma source(%dma_start3A_945 : memref<16x2048xf32, #tpu.memory_space<vmem>>) target(%dma_start3A_941 : memref<16x2048xf32, #tpu.memory_space<hbm>>) target_semaphore(%dma_start3A_938 : memref<!tpu.dma_semaphore, #tpu.memory_space<semaphore_mem>>)
    %dma_start3A_946 = arith.constant 1 : i32
    %dma_start3A_947 = arith.constant 3 : i32
    %dma_start3A_948 = arith.constant 1 : i32
    %dma_start3A_949 = arith.constant 0 : i32
    %dma_start3A_950 = arith.constant 0 : i32
    %dma_start3A_951 = tpu.memref_slice %arg4[%dma_start3A_946, %dma_start3A_949, %dma_start3A_950] : memref<2x16x2048xf32, #tpu.memory_space<vmem>> -> memref<1x16x2048xf32, #tpu.memory_space<vmem>>
    %dma_start3A_952 = tpu.memref_squeeze %dma_start3A_951 : memref<1x16x2048xf32, #tpu.memory_space<vmem>> -> memref<16x2048xf32, #tpu.memory_space<vmem>>
    %dma_start3A_953 = arith.constant 0 : i32
    %dma_start3A_954 = tpu.memref_slice %arg3[%dma_start3A_947, %add3A_780, %dma_start3A_953] : memref<4x4096x2048xf32, #tpu.memory_space<hbm>> -> memref<1x16x2048xf32, #tpu.memory_space<hbm>>
    %dma_start3A_955 = tpu.memref_squeeze %dma_start3A_954 : memref<1x16x2048xf32, #tpu.memory_space<hbm>> -> memref<16x2048xf32, #tpu.memory_space<hbm>>
    %dma_start3A_956 = tpu.memref_slice %arg6[%dma_start3A_948] : memref<2x!tpu.dma_semaphore, #tpu.memory_space<semaphore_mem>> -> memref<1x!tpu.dma_semaphore, #tpu.memory_space<semaphore_mem>>
    %dma_start3A_957 = tpu.memref_squeeze %dma_start3A_956 : memref<1x!tpu.dma_semaphore, #tpu.memory_space<semaphore_mem>> -> memref<!tpu.dma_semaphore, #tpu.memory_space<semaphore_mem>>
    %dma_start3A_958 = arith.constant 0 : i32
    %dma_start3A_959 = tpu.memref_slice %arg3[%dma_start3A_947, %add3A_780, %dma_start3A_958] : memref<4x4096x2048xf32, #tpu.memory_space<hbm>> -> memref<1x16x2048xf32, #tpu.memory_space<hbm>>
    %dma_start3A_960 = tpu.memref_squeeze %dma_start3A_959 : memref<1x16x2048xf32, #tpu.memory_space<hbm>> -> memref<16x2048xf32, #tpu.memory_space<hbm>>
    %dma_start3A_961 = arith.constant 0 : i32
    %dma_start3A_962 = arith.constant 0 : i32
    %dma_start3A_963 = tpu.memref_slice %arg4[%dma_start3A_946, %dma_start3A_961, %dma_start3A_962] : memref<2x16x2048xf32, #tpu.memory_space<vmem>> -> memref<1x16x2048xf32, #tpu.memory_space<vmem>>
    %dma_start3A_964 = tpu.memref_squeeze %dma_start3A_963 : memref<1x16x2048xf32, #tpu.memory_space<vmem>> -> memref<16x2048xf32, #tpu.memory_space<vmem>>
    tpu.enqueue_dma source(%dma_start3A_964 : memref<16x2048xf32, #tpu.memory_space<vmem>>) target(%dma_start3A_960 : memref<16x2048xf32, #tpu.memory_space<hbm>>) target_semaphore(%dma_start3A_957 : memref<!tpu.dma_semaphore, #tpu.memory_space<semaphore_mem>>)
    %add3A_965 = arith.constant 96 : i32
    %add3A_966 = arith.addi %mul3A_2, %add3A_965 : i32
    %dma_wait3A_967 = arith.constant 0 : i32
    %dma_wait3A_968 = arith.constant 0 : i32
    %dma_wait3A_969 = arith.constant 0 : i32
    %dma_wait3A_970 = arith.constant 0 : i32
    %dma_wait3A_971 = arith.constant 0 : i32
    %dma_wait3A_972 = tpu.memref_slice %arg4[%dma_wait3A_967, %dma_wait3A_970, %dma_wait3A_971] : memref<2x16x2048xf32, #tpu.memory_space<vmem>> -> memref<1x16x2048xf32, #tpu.memory_space<vmem>>
    %dma_wait3A_973 = tpu.memref_squeeze %dma_wait3A_972 : memref<1x16x2048xf32, #tpu.memory_space<vmem>> -> memref<16x2048xf32, #tpu.memory_space<vmem>>
    %dma_wait3A_974 = arith.constant 0 : i32
    %dma_wait3A_975 = tpu.memref_slice %arg3[%dma_wait3A_968, %add3A_594, %dma_wait3A_974] : memref<4x4096x2048xf32, #tpu.memory_space<hbm>> -> memref<1x16x2048xf32, #tpu.memory_space<hbm>>
    %dma_wait3A_976 = tpu.memref_squeeze %dma_wait3A_975 : memref<1x16x2048xf32, #tpu.memory_space<hbm>> -> memref<16x2048xf32, #tpu.memory_space<hbm>>
    %dma_wait3A_977 = tpu.memref_slice %arg6[%dma_wait3A_969] : memref<2x!tpu.dma_semaphore, #tpu.memory_space<semaphore_mem>> -> memref<1x!tpu.dma_semaphore, #tpu.memory_space<semaphore_mem>>
    %dma_wait3A_978 = tpu.memref_squeeze %dma_wait3A_977 : memref<1x!tpu.dma_semaphore, #tpu.memory_space<semaphore_mem>> -> memref<!tpu.dma_semaphore, #tpu.memory_space<semaphore_mem>>
    %dma_wait3A_979 = arith.constant 0 : i32
    %dma_wait3A_980 = tpu.memref_slice %arg3[%dma_wait3A_968, %add3A_594, %dma_wait3A_979] : memref<4x4096x2048xf32, #tpu.memory_space<hbm>> -> memref<1x16x2048xf32, #tpu.memory_space<hbm>>
    %dma_wait3A_981 = tpu.memref_squeeze %dma_wait3A_980 : memref<1x16x2048xf32, #tpu.memory_space<hbm>> -> memref<16x2048xf32, #tpu.memory_space<hbm>>
    %dma_wait3A_982 = arith.constant 0 : i32
    %dma_wait3A_983 = arith.constant 0 : i32
    %dma_wait3A_984 = tpu.memref_slice %arg4[%dma_wait3A_967, %dma_wait3A_982, %dma_wait3A_983] : memref<2x16x2048xf32, #tpu.memory_space<vmem>> -> memref<1x16x2048xf32, #tpu.memory_space<vmem>>
    %dma_wait3A_985 = tpu.memref_squeeze %dma_wait3A_984 : memref<1x16x2048xf32, #tpu.memory_space<vmem>> -> memref<16x2048xf32, #tpu.memory_space<vmem>>
    tpu.wait_dma2 semaphore(%dma_wait3A_978 : memref<!tpu.dma_semaphore, #tpu.memory_space<semaphore_mem>>) src(%dma_wait3A_985 : memref<16x2048xf32, #tpu.memory_space<vmem>>) dst(%dma_wait3A_981 : memref<16x2048xf32, #tpu.memory_space<hbm>>)
    %dma_wait3A_986 = arith.constant 0 : i32
    %dma_wait3A_987 = arith.constant 1 : i32
    %dma_wait3A_988 = arith.constant 0 : i32
    %dma_wait3A_989 = arith.constant 0 : i32
    %dma_wait3A_990 = arith.constant 0 : i32
    %dma_wait3A_991 = tpu.memref_slice %arg4[%dma_wait3A_986, %dma_wait3A_989, %dma_wait3A_990] : memref<2x16x2048xf32, #tpu.memory_space<vmem>> -> memref<1x16x2048xf32, #tpu.memory_space<vmem>>
    %dma_wait3A_992 = tpu.memref_squeeze %dma_wait3A_991 : memref<1x16x2048xf32, #tpu.memory_space<vmem>> -> memref<16x2048xf32, #tpu.memory_space<vmem>>
    %dma_wait3A_993 = arith.constant 0 : i32
    %dma_wait3A_994 = tpu.memref_slice %arg3[%dma_wait3A_987, %add3A_594, %dma_wait3A_993] : memref<4x4096x2048xf32, #tpu.memory_space<hbm>> -> memref<1x16x2048xf32, #tpu.memory_space<hbm>>
    %dma_wait3A_995 = tpu.memref_squeeze %dma_wait3A_994 : memref<1x16x2048xf32, #tpu.memory_space<hbm>> -> memref<16x2048xf32, #tpu.memory_space<hbm>>
    %dma_wait3A_996 = tpu.memref_slice %arg6[%dma_wait3A_988] : memref<2x!tpu.dma_semaphore, #tpu.memory_space<semaphore_mem>> -> memref<1x!tpu.dma_semaphore, #tpu.memory_space<semaphore_mem>>
    %dma_wait3A_997 = tpu.memref_squeeze %dma_wait3A_996 : memref<1x!tpu.dma_semaphore, #tpu.memory_space<semaphore_mem>> -> memref<!tpu.dma_semaphore, #tpu.memory_space<semaphore_mem>>
    %dma_wait3A_998 = arith.constant 0 : i32
    %dma_wait3A_999 = tpu.memref_slice %arg3[%dma_wait3A_987, %add3A_594, %dma_wait3A_998] : memref<4x4096x2048xf32, #tpu.memory_space<hbm>> -> memref<1x16x2048xf32, #tpu.memory_space<hbm>>
    %dma_wait3A_1000 = tpu.memref_squeeze %dma_wait3A_999 : memref<1x16x2048xf32, #tpu.memory_space<hbm>> -> memref<16x2048xf32, #tpu.memory_space<hbm>>
    %dma_wait3A_1001 = arith.constant 0 : i32
    %dma_wait3A_1002 = arith.constant 0 : i32
    %dma_wait3A_1003 = tpu.memref_slice %arg4[%dma_wait3A_986, %dma_wait3A_1001, %dma_wait3A_1002] : memref<2x16x2048xf32, #tpu.memory_space<vmem>> -> memref<1x16x2048xf32, #tpu.memory_space<vmem>>
    %dma_wait3A_1004 = tpu.memref_squeeze %dma_wait3A_1003 : memref<1x16x2048xf32, #tpu.memory_space<vmem>> -> memref<16x2048xf32, #tpu.memory_space<vmem>>
    tpu.wait_dma2 semaphore(%dma_wait3A_997 : memref<!tpu.dma_semaphore, #tpu.memory_space<semaphore_mem>>) src(%dma_wait3A_1004 : memref<16x2048xf32, #tpu.memory_space<vmem>>) dst(%dma_wait3A_1000 : memref<16x2048xf32, #tpu.memory_space<hbm>>)
    %dma_wait3A_1005 = arith.constant 0 : i32
    %dma_wait3A_1006 = arith.constant 2 : i32
    %dma_wait3A_1007 = arith.constant 0 : i32
    %dma_wait3A_1008 = arith.constant 0 : i32
    %dma_wait3A_1009 = arith.constant 0 : i32
    %dma_wait3A_1010 = tpu.memref_slice %arg4[%dma_wait3A_1005, %dma_wait3A_1008, %dma_wait3A_1009] : memref<2x16x2048xf32, #tpu.memory_space<vmem>> -> memref<1x16x2048xf32, #tpu.memory_space<vmem>>
    %dma_wait3A_1011 = tpu.memref_squeeze %dma_wait3A_1010 : memref<1x16x2048xf32, #tpu.memory_space<vmem>> -> memref<16x2048xf32, #tpu.memory_space<vmem>>
    %dma_wait3A_1012 = arith.constant 0 : i32
    %dma_wait3A_1013 = tpu.memref_slice %arg3[%dma_wait3A_1006, %add3A_594, %dma_wait3A_1012] : memref<4x4096x2048xf32, #tpu.memory_space<hbm>> -> memref<1x16x2048xf32, #tpu.memory_space<hbm>>
    %dma_wait3A_1014 = tpu.memref_squeeze %dma_wait3A_1013 : memref<1x16x2048xf32, #tpu.memory_space<hbm>> -> memref<16x2048xf32, #tpu.memory_space<hbm>>
    %dma_wait3A_1015 = tpu.memref_slice %arg6[%dma_wait3A_1007] : memref<2x!tpu.dma_semaphore, #tpu.memory_space<semaphore_mem>> -> memref<1x!tpu.dma_semaphore, #tpu.memory_space<semaphore_mem>>
    %dma_wait3A_1016 = tpu.memref_squeeze %dma_wait3A_1015 : memref<1x!tpu.dma_semaphore, #tpu.memory_space<semaphore_mem>> -> memref<!tpu.dma_semaphore, #tpu.memory_space<semaphore_mem>>
    %dma_wait3A_1017 = arith.constant 0 : i32
    %dma_wait3A_1018 = tpu.memref_slice %arg3[%dma_wait3A_1006, %add3A_594, %dma_wait3A_1017] : memref<4x4096x2048xf32, #tpu.memory_space<hbm>> -> memref<1x16x2048xf32, #tpu.memory_space<hbm>>
    %dma_wait3A_1019 = tpu.memref_squeeze %dma_wait3A_1018 : memref<1x16x2048xf32, #tpu.memory_space<hbm>> -> memref<16x2048xf32, #tpu.memory_space<hbm>>
    %dma_wait3A_1020 = arith.constant 0 : i32
    %dma_wait3A_1021 = arith.constant 0 : i32
    %dma_wait3A_1022 = tpu.memref_slice %arg4[%dma_wait3A_1005, %dma_wait3A_1020, %dma_wait3A_1021] : memref<2x16x2048xf32, #tpu.memory_space<vmem>> -> memref<1x16x2048xf32, #tpu.memory_space<vmem>>
    %dma_wait3A_1023 = tpu.memref_squeeze %dma_wait3A_1022 : memref<1x16x2048xf32, #tpu.memory_space<vmem>> -> memref<16x2048xf32, #tpu.memory_space<vmem>>
    tpu.wait_dma2 semaphore(%dma_wait3A_1016 : memref<!tpu.dma_semaphore, #tpu.memory_space<semaphore_mem>>) src(%dma_wait3A_1023 : memref<16x2048xf32, #tpu.memory_space<vmem>>) dst(%dma_wait3A_1019 : memref<16x2048xf32, #tpu.memory_space<hbm>>)
    %dma_wait3A_1024 = arith.constant 0 : i32
    %dma_wait3A_1025 = arith.constant 3 : i32
    %dma_wait3A_1026 = arith.constant 0 : i32
    %dma_wait3A_1027 = arith.constant 0 : i32
    %dma_wait3A_1028 = arith.constant 0 : i32
    %dma_wait3A_1029 = tpu.memref_slice %arg4[%dma_wait3A_1024, %dma_wait3A_1027, %dma_wait3A_1028] : memref<2x16x2048xf32, #tpu.memory_space<vmem>> -> memref<1x16x2048xf32, #tpu.memory_space<vmem>>
    %dma_wait3A_1030 = tpu.memref_squeeze %dma_wait3A_1029 : memref<1x16x2048xf32, #tpu.memory_space<vmem>> -> memref<16x2048xf32, #tpu.memory_space<vmem>>
    %dma_wait3A_1031 = arith.constant 0 : i32
    %dma_wait3A_1032 = tpu.memref_slice %arg3[%dma_wait3A_1025, %add3A_594, %dma_wait3A_1031] : memref<4x4096x2048xf32, #tpu.memory_space<hbm>> -> memref<1x16x2048xf32, #tpu.memory_space<hbm>>
    %dma_wait3A_1033 = tpu.memref_squeeze %dma_wait3A_1032 : memref<1x16x2048xf32, #tpu.memory_space<hbm>> -> memref<16x2048xf32, #tpu.memory_space<hbm>>
    %dma_wait3A_1034 = tpu.memref_slice %arg6[%dma_wait3A_1026] : memref<2x!tpu.dma_semaphore, #tpu.memory_space<semaphore_mem>> -> memref<1x!tpu.dma_semaphore, #tpu.memory_space<semaphore_mem>>
    %dma_wait3A_1035 = tpu.memref_squeeze %dma_wait3A_1034 : memref<1x!tpu.dma_semaphore, #tpu.memory_space<semaphore_mem>> -> memref<!tpu.dma_semaphore, #tpu.memory_space<semaphore_mem>>
    %dma_wait3A_1036 = arith.constant 0 : i32
    %dma_wait3A_1037 = tpu.memref_slice %arg3[%dma_wait3A_1025, %add3A_594, %dma_wait3A_1036] : memref<4x4096x2048xf32, #tpu.memory_space<hbm>> -> memref<1x16x2048xf32, #tpu.memory_space<hbm>>
    %dma_wait3A_1038 = tpu.memref_squeeze %dma_wait3A_1037 : memref<1x16x2048xf32, #tpu.memory_space<hbm>> -> memref<16x2048xf32, #tpu.memory_space<hbm>>
    %dma_wait3A_1039 = arith.constant 0 : i32
    %dma_wait3A_1040 = arith.constant 0 : i32
    %dma_wait3A_1041 = tpu.memref_slice %arg4[%dma_wait3A_1024, %dma_wait3A_1039, %dma_wait3A_1040] : memref<2x16x2048xf32, #tpu.memory_space<vmem>> -> memref<1x16x2048xf32, #tpu.memory_space<vmem>>
    %dma_wait3A_1042 = tpu.memref_squeeze %dma_wait3A_1041 : memref<1x16x2048xf32, #tpu.memory_space<vmem>> -> memref<16x2048xf32, #tpu.memory_space<vmem>>
    tpu.wait_dma2 semaphore(%dma_wait3A_1035 : memref<!tpu.dma_semaphore, #tpu.memory_space<semaphore_mem>>) src(%dma_wait3A_1042 : memref<16x2048xf32, #tpu.memory_space<vmem>>) dst(%dma_wait3A_1038 : memref<16x2048xf32, #tpu.memory_space<hbm>>)
    %dma_start3A_1043 = arith.constant 0 : i32
    %dma_start3A_1044 = arith.constant 0 : i32
    %dma_start3A_1045 = arith.constant 0 : i32
    %dma_start3A_1046 = arith.constant 0 : i32
    %dma_start3A_1047 = tpu.memref_slice %arg4[%dma_start3A_1043, %dma_start3A_1045, %dma_start3A_1046] : memref<2x16x2048xf32, #tpu.memory_space<vmem>> -> memref<1x16x2048xf32, #tpu.memory_space<vmem>>
    %dma_start3A_1048 = tpu.memref_squeeze %dma_start3A_1047 : memref<1x16x2048xf32, #tpu.memory_space<vmem>> -> memref<16x2048xf32, #tpu.memory_space<vmem>>
    %dma_start3A_1049 = arith.constant 0 : i32
    %dma_start3A_1050 = tpu.memref_slice %arg2[%add3A_966, %dma_start3A_1049] : memref<8192x2048xf32, #tpu.memory_space<hbm>> -> memref<16x2048xf32, #tpu.memory_space<hbm>>
    %dma_start3A_1051 = tpu.memref_slice %arg5[%dma_start3A_1044] : memref<2x!tpu.dma_semaphore, #tpu.memory_space<semaphore_mem>> -> memref<1x!tpu.dma_semaphore, #tpu.memory_space<semaphore_mem>>
    %dma_start3A_1052 = tpu.memref_squeeze %dma_start3A_1051 : memref<1x!tpu.dma_semaphore, #tpu.memory_space<semaphore_mem>> -> memref<!tpu.dma_semaphore, #tpu.memory_space<semaphore_mem>>
    %dma_start3A_1053 = arith.constant 0 : i32
    %dma_start3A_1054 = arith.constant 0 : i32
    %dma_start3A_1055 = tpu.memref_slice %arg4[%dma_start3A_1043, %dma_start3A_1053, %dma_start3A_1054] : memref<2x16x2048xf32, #tpu.memory_space<vmem>> -> memref<1x16x2048xf32, #tpu.memory_space<vmem>>
    %dma_start3A_1056 = tpu.memref_squeeze %dma_start3A_1055 : memref<1x16x2048xf32, #tpu.memory_space<vmem>> -> memref<16x2048xf32, #tpu.memory_space<vmem>>
    %dma_start3A_1057 = arith.constant 0 : i32
    %dma_start3A_1058 = tpu.memref_slice %arg2[%add3A_966, %dma_start3A_1057] : memref<8192x2048xf32, #tpu.memory_space<hbm>> -> memref<16x2048xf32, #tpu.memory_space<hbm>>
    tpu.enqueue_dma source(%dma_start3A_1058 : memref<16x2048xf32, #tpu.memory_space<hbm>>) target(%dma_start3A_1056 : memref<16x2048xf32, #tpu.memory_space<vmem>>) target_semaphore(%dma_start3A_1052 : memref<!tpu.dma_semaphore, #tpu.memory_space<semaphore_mem>>)
    %dma_wait3A_1059 = arith.constant 0 : i32
    %dma_wait3A_1060 = arith.constant 0 : i32
    %dma_wait3A_1061 = arith.constant 0 : i32
    %dma_wait3A_1062 = arith.constant 0 : i32
    %dma_wait3A_1063 = tpu.memref_slice %arg4[%dma_wait3A_1059, %dma_wait3A_1061, %dma_wait3A_1062] : memref<2x16x2048xf32, #tpu.memory_space<vmem>> -> memref<1x16x2048xf32, #tpu.memory_space<vmem>>
    %dma_wait3A_1064 = tpu.memref_squeeze %dma_wait3A_1063 : memref<1x16x2048xf32, #tpu.memory_space<vmem>> -> memref<16x2048xf32, #tpu.memory_space<vmem>>
    %dma_wait3A_1065 = arith.constant 0 : i32
    %dma_wait3A_1066 = tpu.memref_slice %arg2[%add3A_966, %dma_wait3A_1065] : memref<8192x2048xf32, #tpu.memory_space<hbm>> -> memref<16x2048xf32, #tpu.memory_space<hbm>>
    %dma_wait3A_1067 = tpu.memref_slice %arg5[%dma_wait3A_1060] : memref<2x!tpu.dma_semaphore, #tpu.memory_space<semaphore_mem>> -> memref<1x!tpu.dma_semaphore, #tpu.memory_space<semaphore_mem>>
    %dma_wait3A_1068 = tpu.memref_squeeze %dma_wait3A_1067 : memref<1x!tpu.dma_semaphore, #tpu.memory_space<semaphore_mem>> -> memref<!tpu.dma_semaphore, #tpu.memory_space<semaphore_mem>>
    %dma_wait3A_1069 = arith.constant 0 : i32
    %dma_wait3A_1070 = arith.constant 0 : i32
    %dma_wait3A_1071 = tpu.memref_slice %arg4[%dma_wait3A_1059, %dma_wait3A_1069, %dma_wait3A_1070] : memref<2x16x2048xf32, #tpu.memory_space<vmem>> -> memref<1x16x2048xf32, #tpu.memory_space<vmem>>
    %dma_wait3A_1072 = tpu.memref_squeeze %dma_wait3A_1071 : memref<1x16x2048xf32, #tpu.memory_space<vmem>> -> memref<16x2048xf32, #tpu.memory_space<vmem>>
    %dma_wait3A_1073 = arith.constant 0 : i32
    %dma_wait3A_1074 = tpu.memref_slice %arg2[%add3A_966, %dma_wait3A_1073] : memref<8192x2048xf32, #tpu.memory_space<hbm>> -> memref<16x2048xf32, #tpu.memory_space<hbm>>
    tpu.wait_dma2 semaphore(%dma_wait3A_1068 : memref<!tpu.dma_semaphore, #tpu.memory_space<semaphore_mem>>) src(%dma_wait3A_1074 : memref<16x2048xf32, #tpu.memory_space<hbm>>) dst(%dma_wait3A_1072 : memref<16x2048xf32, #tpu.memory_space<vmem>>)
    %dma_start3A_1075 = arith.constant 0 : i32
    %dma_start3A_1076 = arith.constant 0 : i32
    %dma_start3A_1077 = arith.constant 0 : i32
    %dma_start3A_1078 = arith.constant 0 : i32
    %dma_start3A_1079 = arith.constant 0 : i32
    %dma_start3A_1080 = tpu.memref_slice %arg4[%dma_start3A_1075, %dma_start3A_1078, %dma_start3A_1079] : memref<2x16x2048xf32, #tpu.memory_space<vmem>> -> memref<1x16x2048xf32, #tpu.memory_space<vmem>>
    %dma_start3A_1081 = tpu.memref_squeeze %dma_start3A_1080 : memref<1x16x2048xf32, #tpu.memory_space<vmem>> -> memref<16x2048xf32, #tpu.memory_space<vmem>>
    %dma_start3A_1082 = arith.constant 0 : i32
    %dma_start3A_1083 = tpu.memref_slice %arg3[%dma_start3A_1076, %add3A_966, %dma_start3A_1082] : memref<4x4096x2048xf32, #tpu.memory_space<hbm>> -> memref<1x16x2048xf32, #tpu.memory_space<hbm>>
    %dma_start3A_1084 = tpu.memref_squeeze %dma_start3A_1083 : memref<1x16x2048xf32, #tpu.memory_space<hbm>> -> memref<16x2048xf32, #tpu.memory_space<hbm>>
    %dma_start3A_1085 = tpu.memref_slice %arg6[%dma_start3A_1077] : memref<2x!tpu.dma_semaphore, #tpu.memory_space<semaphore_mem>> -> memref<1x!tpu.dma_semaphore, #tpu.memory_space<semaphore_mem>>
    %dma_start3A_1086 = tpu.memref_squeeze %dma_start3A_1085 : memref<1x!tpu.dma_semaphore, #tpu.memory_space<semaphore_mem>> -> memref<!tpu.dma_semaphore, #tpu.memory_space<semaphore_mem>>
    %dma_start3A_1087 = arith.constant 0 : i32
    %dma_start3A_1088 = tpu.memref_slice %arg3[%dma_start3A_1076, %add3A_966, %dma_start3A_1087] : memref<4x4096x2048xf32, #tpu.memory_space<hbm>> -> memref<1x16x2048xf32, #tpu.memory_space<hbm>>
    %dma_start3A_1089 = tpu.memref_squeeze %dma_start3A_1088 : memref<1x16x2048xf32, #tpu.memory_space<hbm>> -> memref<16x2048xf32, #tpu.memory_space<hbm>>
    %dma_start3A_1090 = arith.constant 0 : i32
    %dma_start3A_1091 = arith.constant 0 : i32
    %dma_start3A_1092 = tpu.memref_slice %arg4[%dma_start3A_1075, %dma_start3A_1090, %dma_start3A_1091] : memref<2x16x2048xf32, #tpu.memory_space<vmem>> -> memref<1x16x2048xf32, #tpu.memory_space<vmem>>
    %dma_start3A_1093 = tpu.memref_squeeze %dma_start3A_1092 : memref<1x16x2048xf32, #tpu.memory_space<vmem>> -> memref<16x2048xf32, #tpu.memory_space<vmem>>
    tpu.enqueue_dma source(%dma_start3A_1093 : memref<16x2048xf32, #tpu.memory_space<vmem>>) target(%dma_start3A_1089 : memref<16x2048xf32, #tpu.memory_space<hbm>>) target_semaphore(%dma_start3A_1086 : memref<!tpu.dma_semaphore, #tpu.memory_space<semaphore_mem>>)
    %dma_start3A_1094 = arith.constant 0 : i32
    %dma_start3A_1095 = arith.constant 1 : i32
    %dma_start3A_1096 = arith.constant 0 : i32
    %dma_start3A_1097 = arith.constant 0 : i32
    %dma_start3A_1098 = arith.constant 0 : i32
    %dma_start3A_1099 = tpu.memref_slice %arg4[%dma_start3A_1094, %dma_start3A_1097, %dma_start3A_1098] : memref<2x16x2048xf32, #tpu.memory_space<vmem>> -> memref<1x16x2048xf32, #tpu.memory_space<vmem>>
    %dma_start3A_1100 = tpu.memref_squeeze %dma_start3A_1099 : memref<1x16x2048xf32, #tpu.memory_space<vmem>> -> memref<16x2048xf32, #tpu.memory_space<vmem>>
    %dma_start3A_1101 = arith.constant 0 : i32
    %dma_start3A_1102 = tpu.memref_slice %arg3[%dma_start3A_1095, %add3A_966, %dma_start3A_1101] : memref<4x4096x2048xf32, #tpu.memory_space<hbm>> -> memref<1x16x2048xf32, #tpu.memory_space<hbm>>
    %dma_start3A_1103 = tpu.memref_squeeze %dma_start3A_1102 : memref<1x16x2048xf32, #tpu.memory_space<hbm>> -> memref<16x2048xf32, #tpu.memory_space<hbm>>
    %dma_start3A_1104 = tpu.memref_slice %arg6[%dma_start3A_1096] : memref<2x!tpu.dma_semaphore, #tpu.memory_space<semaphore_mem>> -> memref<1x!tpu.dma_semaphore, #tpu.memory_space<semaphore_mem>>
    %dma_start3A_1105 = tpu.memref_squeeze %dma_start3A_1104 : memref<1x!tpu.dma_semaphore, #tpu.memory_space<semaphore_mem>> -> memref<!tpu.dma_semaphore, #tpu.memory_space<semaphore_mem>>
    %dma_start3A_1106 = arith.constant 0 : i32
    %dma_start3A_1107 = tpu.memref_slice %arg3[%dma_start3A_1095, %add3A_966, %dma_start3A_1106] : memref<4x4096x2048xf32, #tpu.memory_space<hbm>> -> memref<1x16x2048xf32, #tpu.memory_space<hbm>>
    %dma_start3A_1108 = tpu.memref_squeeze %dma_start3A_1107 : memref<1x16x2048xf32, #tpu.memory_space<hbm>> -> memref<16x2048xf32, #tpu.memory_space<hbm>>
    %dma_start3A_1109 = arith.constant 0 : i32
    %dma_start3A_1110 = arith.constant 0 : i32
    %dma_start3A_1111 = tpu.memref_slice %arg4[%dma_start3A_1094, %dma_start3A_1109, %dma_start3A_1110] : memref<2x16x2048xf32, #tpu.memory_space<vmem>> -> memref<1x16x2048xf32, #tpu.memory_space<vmem>>
    %dma_start3A_1112 = tpu.memref_squeeze %dma_start3A_1111 : memref<1x16x2048xf32, #tpu.memory_space<vmem>> -> memref<16x2048xf32, #tpu.memory_space<vmem>>
    tpu.enqueue_dma source(%dma_start3A_1112 : memref<16x2048xf32, #tpu.memory_space<vmem>>) target(%dma_start3A_1108 : memref<16x2048xf32, #tpu.memory_space<hbm>>) target_semaphore(%dma_start3A_1105 : memref<!tpu.dma_semaphore, #tpu.memory_space<semaphore_mem>>)
    %dma_start3A_1113 = arith.constant 0 : i32
    %dma_start3A_1114 = arith.constant 2 : i32
    %dma_start3A_1115 = arith.constant 0 : i32
    %dma_start3A_1116 = arith.constant 0 : i32
    %dma_start3A_1117 = arith.constant 0 : i32
    %dma_start3A_1118 = tpu.memref_slice %arg4[%dma_start3A_1113, %dma_start3A_1116, %dma_start3A_1117] : memref<2x16x2048xf32, #tpu.memory_space<vmem>> -> memref<1x16x2048xf32, #tpu.memory_space<vmem>>
    %dma_start3A_1119 = tpu.memref_squeeze %dma_start3A_1118 : memref<1x16x2048xf32, #tpu.memory_space<vmem>> -> memref<16x2048xf32, #tpu.memory_space<vmem>>
    %dma_start3A_1120 = arith.constant 0 : i32
    %dma_start3A_1121 = tpu.memref_slice %arg3[%dma_start3A_1114, %add3A_966, %dma_start3A_1120] : memref<4x4096x2048xf32, #tpu.memory_space<hbm>> -> memref<1x16x2048xf32, #tpu.memory_space<hbm>>
    %dma_start3A_1122 = tpu.memref_squeeze %dma_start3A_1121 : memref<1x16x2048xf32, #tpu.memory_space<hbm>> -> memref<16x2048xf32, #tpu.memory_space<hbm>>
    %dma_start3A_1123 = tpu.memref_slice %arg6[%dma_start3A_1115] : memref<2x!tpu.dma_semaphore, #tpu.memory_space<semaphore_mem>> -> memref<1x!tpu.dma_semaphore, #tpu.memory_space<semaphore_mem>>
    %dma_start3A_1124 = tpu.memref_squeeze %dma_start3A_1123 : memref<1x!tpu.dma_semaphore, #tpu.memory_space<semaphore_mem>> -> memref<!tpu.dma_semaphore, #tpu.memory_space<semaphore_mem>>
    %dma_start3A_1125 = arith.constant 0 : i32
    %dma_start3A_1126 = tpu.memref_slice %arg3[%dma_start3A_1114, %add3A_966, %dma_start3A_1125] : memref<4x4096x2048xf32, #tpu.memory_space<hbm>> -> memref<1x16x2048xf32, #tpu.memory_space<hbm>>
    %dma_start3A_1127 = tpu.memref_squeeze %dma_start3A_1126 : memref<1x16x2048xf32, #tpu.memory_space<hbm>> -> memref<16x2048xf32, #tpu.memory_space<hbm>>
    %dma_start3A_1128 = arith.constant 0 : i32
    %dma_start3A_1129 = arith.constant 0 : i32
    %dma_start3A_1130 = tpu.memref_slice %arg4[%dma_start3A_1113, %dma_start3A_1128, %dma_start3A_1129] : memref<2x16x2048xf32, #tpu.memory_space<vmem>> -> memref<1x16x2048xf32, #tpu.memory_space<vmem>>
    %dma_start3A_1131 = tpu.memref_squeeze %dma_start3A_1130 : memref<1x16x2048xf32, #tpu.memory_space<vmem>> -> memref<16x2048xf32, #tpu.memory_space<vmem>>
    tpu.enqueue_dma source(%dma_start3A_1131 : memref<16x2048xf32, #tpu.memory_space<vmem>>) target(%dma_start3A_1127 : memref<16x2048xf32, #tpu.memory_space<hbm>>) target_semaphore(%dma_start3A_1124 : memref<!tpu.dma_semaphore, #tpu.memory_space<semaphore_mem>>)
    %dma_start3A_1132 = arith.constant 0 : i32
    %dma_start3A_1133 = arith.constant 3 : i32
    %dma_start3A_1134 = arith.constant 0 : i32
    %dma_start3A_1135 = arith.constant 0 : i32
    %dma_start3A_1136 = arith.constant 0 : i32
    %dma_start3A_1137 = tpu.memref_slice %arg4[%dma_start3A_1132, %dma_start3A_1135, %dma_start3A_1136] : memref<2x16x2048xf32, #tpu.memory_space<vmem>> -> memref<1x16x2048xf32, #tpu.memory_space<vmem>>
    %dma_start3A_1138 = tpu.memref_squeeze %dma_start3A_1137 : memref<1x16x2048xf32, #tpu.memory_space<vmem>> -> memref<16x2048xf32, #tpu.memory_space<vmem>>
    %dma_start3A_1139 = arith.constant 0 : i32
    %dma_start3A_1140 = tpu.memref_slice %arg3[%dma_start3A_1133, %add3A_966, %dma_start3A_1139] : memref<4x4096x2048xf32, #tpu.memory_space<hbm>> -> memref<1x16x2048xf32, #tpu.memory_space<hbm>>
    %dma_start3A_1141 = tpu.memref_squeeze %dma_start3A_1140 : memref<1x16x2048xf32, #tpu.memory_space<hbm>> -> memref<16x2048xf32, #tpu.memory_space<hbm>>
    %dma_start3A_1142 = tpu.memref_slice %arg6[%dma_start3A_1134] : memref<2x!tpu.dma_semaphore, #tpu.memory_space<semaphore_mem>> -> memref<1x!tpu.dma_semaphore, #tpu.memory_space<semaphore_mem>>
    %dma_start3A_1143 = tpu.memref_squeeze %dma_start3A_1142 : memref<1x!tpu.dma_semaphore, #tpu.memory_space<semaphore_mem>> -> memref<!tpu.dma_semaphore, #tpu.memory_space<semaphore_mem>>
    %dma_start3A_1144 = arith.constant 0 : i32
    %dma_start3A_1145 = tpu.memref_slice %arg3[%dma_start3A_1133, %add3A_966, %dma_start3A_1144] : memref<4x4096x2048xf32, #tpu.memory_space<hbm>> -> memref<1x16x2048xf32, #tpu.memory_space<hbm>>
    %dma_start3A_1146 = tpu.memref_squeeze %dma_start3A_1145 : memref<1x16x2048xf32, #tpu.memory_space<hbm>> -> memref<16x2048xf32, #tpu.memory_space<hbm>>
    %dma_start3A_1147 = arith.constant 0 : i32
    %dma_start3A_1148 = arith.constant 0 : i32
    %dma_start3A_1149 = tpu.memref_slice %arg4[%dma_start3A_1132, %dma_start3A_1147, %dma_start3A_1148] : memref<2x16x2048xf32, #tpu.memory_space<vmem>> -> memref<1x16x2048xf32, #tpu.memory_space<vmem>>
    %dma_start3A_1150 = tpu.memref_squeeze %dma_start3A_1149 : memref<1x16x2048xf32, #tpu.memory_space<vmem>> -> memref<16x2048xf32, #tpu.memory_space<vmem>>
    tpu.enqueue_dma source(%dma_start3A_1150 : memref<16x2048xf32, #tpu.memory_space<vmem>>) target(%dma_start3A_1146 : memref<16x2048xf32, #tpu.memory_space<hbm>>) target_semaphore(%dma_start3A_1143 : memref<!tpu.dma_semaphore, #tpu.memory_space<semaphore_mem>>)
    %add3A_1151 = arith.constant 112 : i32
    %add3A_1152 = arith.addi %mul3A_2, %add3A_1151 : i32
    %dma_wait3A_1153 = arith.constant 1 : i32
    %dma_wait3A_1154 = arith.constant 0 : i32
    %dma_wait3A_1155 = arith.constant 1 : i32
    %dma_wait3A_1156 = arith.constant 0 : i32
    %dma_wait3A_1157 = arith.constant 0 : i32
    %dma_wait3A_1158 = tpu.memref_slice %arg4[%dma_wait3A_1153, %dma_wait3A_1156, %dma_wait3A_1157] : memref<2x16x2048xf32, #tpu.memory_space<vmem>> -> memref<1x16x2048xf32, #tpu.memory_space<vmem>>
    %dma_wait3A_1159 = tpu.memref_squeeze %dma_wait3A_1158 : memref<1x16x2048xf32, #tpu.memory_space<vmem>> -> memref<16x2048xf32, #tpu.memory_space<vmem>>
    %dma_wait3A_1160 = arith.constant 0 : i32
    %dma_wait3A_1161 = tpu.memref_slice %arg3[%dma_wait3A_1154, %add3A_780, %dma_wait3A_1160] : memref<4x4096x2048xf32, #tpu.memory_space<hbm>> -> memref<1x16x2048xf32, #tpu.memory_space<hbm>>
    %dma_wait3A_1162 = tpu.memref_squeeze %dma_wait3A_1161 : memref<1x16x2048xf32, #tpu.memory_space<hbm>> -> memref<16x2048xf32, #tpu.memory_space<hbm>>
    %dma_wait3A_1163 = tpu.memref_slice %arg6[%dma_wait3A_1155] : memref<2x!tpu.dma_semaphore, #tpu.memory_space<semaphore_mem>> -> memref<1x!tpu.dma_semaphore, #tpu.memory_space<semaphore_mem>>
    %dma_wait3A_1164 = tpu.memref_squeeze %dma_wait3A_1163 : memref<1x!tpu.dma_semaphore, #tpu.memory_space<semaphore_mem>> -> memref<!tpu.dma_semaphore, #tpu.memory_space<semaphore_mem>>
    %dma_wait3A_1165 = arith.constant 0 : i32
    %dma_wait3A_1166 = tpu.memref_slice %arg3[%dma_wait3A_1154, %add3A_780, %dma_wait3A_1165] : memref<4x4096x2048xf32, #tpu.memory_space<hbm>> -> memref<1x16x2048xf32, #tpu.memory_space<hbm>>
    %dma_wait3A_1167 = tpu.memref_squeeze %dma_wait3A_1166 : memref<1x16x2048xf32, #tpu.memory_space<hbm>> -> memref<16x2048xf32, #tpu.memory_space<hbm>>
    %dma_wait3A_1168 = arith.constant 0 : i32
    %dma_wait3A_1169 = arith.constant 0 : i32
    %dma_wait3A_1170 = tpu.memref_slice %arg4[%dma_wait3A_1153, %dma_wait3A_1168, %dma_wait3A_1169] : memref<2x16x2048xf32, #tpu.memory_space<vmem>> -> memref<1x16x2048xf32, #tpu.memory_space<vmem>>
    %dma_wait3A_1171 = tpu.memref_squeeze %dma_wait3A_1170 : memref<1x16x2048xf32, #tpu.memory_space<vmem>> -> memref<16x2048xf32, #tpu.memory_space<vmem>>
    tpu.wait_dma2 semaphore(%dma_wait3A_1164 : memref<!tpu.dma_semaphore, #tpu.memory_space<semaphore_mem>>) src(%dma_wait3A_1171 : memref<16x2048xf32, #tpu.memory_space<vmem>>) dst(%dma_wait3A_1167 : memref<16x2048xf32, #tpu.memory_space<hbm>>)
    %dma_wait3A_1172 = arith.constant 1 : i32
    %dma_wait3A_1173 = arith.constant 1 : i32
    %dma_wait3A_1174 = arith.constant 1 : i32
    %dma_wait3A_1175 = arith.constant 0 : i32
    %dma_wait3A_1176 = arith.constant 0 : i32
    %dma_wait3A_1177 = tpu.memref_slice %arg4[%dma_wait3A_1172, %dma_wait3A_1175, %dma_wait3A_1176] : memref<2x16x2048xf32, #tpu.memory_space<vmem>> -> memref<1x16x2048xf32, #tpu.memory_space<vmem>>
    %dma_wait3A_1178 = tpu.memref_squeeze %dma_wait3A_1177 : memref<1x16x2048xf32, #tpu.memory_space<vmem>> -> memref<16x2048xf32, #tpu.memory_space<vmem>>
    %dma_wait3A_1179 = arith.constant 0 : i32
    %dma_wait3A_1180 = tpu.memref_slice %arg3[%dma_wait3A_1173, %add3A_780, %dma_wait3A_1179] : memref<4x4096x2048xf32, #tpu.memory_space<hbm>> -> memref<1x16x2048xf32, #tpu.memory_space<hbm>>
    %dma_wait3A_1181 = tpu.memref_squeeze %dma_wait3A_1180 : memref<1x16x2048xf32, #tpu.memory_space<hbm>> -> memref<16x2048xf32, #tpu.memory_space<hbm>>
    %dma_wait3A_1182 = tpu.memref_slice %arg6[%dma_wait3A_1174] : memref<2x!tpu.dma_semaphore, #tpu.memory_space<semaphore_mem>> -> memref<1x!tpu.dma_semaphore, #tpu.memory_space<semaphore_mem>>
    %dma_wait3A_1183 = tpu.memref_squeeze %dma_wait3A_1182 : memref<1x!tpu.dma_semaphore, #tpu.memory_space<semaphore_mem>> -> memref<!tpu.dma_semaphore, #tpu.memory_space<semaphore_mem>>
    %dma_wait3A_1184 = arith.constant 0 : i32
    %dma_wait3A_1185 = tpu.memref_slice %arg3[%dma_wait3A_1173, %add3A_780, %dma_wait3A_1184] : memref<4x4096x2048xf32, #tpu.memory_space<hbm>> -> memref<1x16x2048xf32, #tpu.memory_space<hbm>>
    %dma_wait3A_1186 = tpu.memref_squeeze %dma_wait3A_1185 : memref<1x16x2048xf32, #tpu.memory_space<hbm>> -> memref<16x2048xf32, #tpu.memory_space<hbm>>
    %dma_wait3A_1187 = arith.constant 0 : i32
    %dma_wait3A_1188 = arith.constant 0 : i32
    %dma_wait3A_1189 = tpu.memref_slice %arg4[%dma_wait3A_1172, %dma_wait3A_1187, %dma_wait3A_1188] : memref<2x16x2048xf32, #tpu.memory_space<vmem>> -> memref<1x16x2048xf32, #tpu.memory_space<vmem>>
    %dma_wait3A_1190 = tpu.memref_squeeze %dma_wait3A_1189 : memref<1x16x2048xf32, #tpu.memory_space<vmem>> -> memref<16x2048xf32, #tpu.memory_space<vmem>>
    tpu.wait_dma2 semaphore(%dma_wait3A_1183 : memref<!tpu.dma_semaphore, #tpu.memory_space<semaphore_mem>>) src(%dma_wait3A_1190 : memref<16x2048xf32, #tpu.memory_space<vmem>>) dst(%dma_wait3A_1186 : memref<16x2048xf32, #tpu.memory_space<hbm>>)
    %dma_wait3A_1191 = arith.constant 1 : i32
    %dma_wait3A_1192 = arith.constant 2 : i32
    %dma_wait3A_1193 = arith.constant 1 : i32
    %dma_wait3A_1194 = arith.constant 0 : i32
    %dma_wait3A_1195 = arith.constant 0 : i32
    %dma_wait3A_1196 = tpu.memref_slice %arg4[%dma_wait3A_1191, %dma_wait3A_1194, %dma_wait3A_1195] : memref<2x16x2048xf32, #tpu.memory_space<vmem>> -> memref<1x16x2048xf32, #tpu.memory_space<vmem>>
    %dma_wait3A_1197 = tpu.memref_squeeze %dma_wait3A_1196 : memref<1x16x2048xf32, #tpu.memory_space<vmem>> -> memref<16x2048xf32, #tpu.memory_space<vmem>>
    %dma_wait3A_1198 = arith.constant 0 : i32
    %dma_wait3A_1199 = tpu.memref_slice %arg3[%dma_wait3A_1192, %add3A_780, %dma_wait3A_1198] : memref<4x4096x2048xf32, #tpu.memory_space<hbm>> -> memref<1x16x2048xf32, #tpu.memory_space<hbm>>
    %dma_wait3A_1200 = tpu.memref_squeeze %dma_wait3A_1199 : memref<1x16x2048xf32, #tpu.memory_space<hbm>> -> memref<16x2048xf32, #tpu.memory_space<hbm>>
    %dma_wait3A_1201 = tpu.memref_slice %arg6[%dma_wait3A_1193] : memref<2x!tpu.dma_semaphore, #tpu.memory_space<semaphore_mem>> -> memref<1x!tpu.dma_semaphore, #tpu.memory_space<semaphore_mem>>
    %dma_wait3A_1202 = tpu.memref_squeeze %dma_wait3A_1201 : memref<1x!tpu.dma_semaphore, #tpu.memory_space<semaphore_mem>> -> memref<!tpu.dma_semaphore, #tpu.memory_space<semaphore_mem>>
    %dma_wait3A_1203 = arith.constant 0 : i32
    %dma_wait3A_1204 = tpu.memref_slice %arg3[%dma_wait3A_1192, %add3A_780, %dma_wait3A_1203] : memref<4x4096x2048xf32, #tpu.memory_space<hbm>> -> memref<1x16x2048xf32, #tpu.memory_space<hbm>>
    %dma_wait3A_1205 = tpu.memref_squeeze %dma_wait3A_1204 : memref<1x16x2048xf32, #tpu.memory_space<hbm>> -> memref<16x2048xf32, #tpu.memory_space<hbm>>
    %dma_wait3A_1206 = arith.constant 0 : i32
    %dma_wait3A_1207 = arith.constant 0 : i32
    %dma_wait3A_1208 = tpu.memref_slice %arg4[%dma_wait3A_1191, %dma_wait3A_1206, %dma_wait3A_1207] : memref<2x16x2048xf32, #tpu.memory_space<vmem>> -> memref<1x16x2048xf32, #tpu.memory_space<vmem>>
    %dma_wait3A_1209 = tpu.memref_squeeze %dma_wait3A_1208 : memref<1x16x2048xf32, #tpu.memory_space<vmem>> -> memref<16x2048xf32, #tpu.memory_space<vmem>>
    tpu.wait_dma2 semaphore(%dma_wait3A_1202 : memref<!tpu.dma_semaphore, #tpu.memory_space<semaphore_mem>>) src(%dma_wait3A_1209 : memref<16x2048xf32, #tpu.memory_space<vmem>>) dst(%dma_wait3A_1205 : memref<16x2048xf32, #tpu.memory_space<hbm>>)
    %dma_wait3A_1210 = arith.constant 1 : i32
    %dma_wait3A_1211 = arith.constant 3 : i32
    %dma_wait3A_1212 = arith.constant 1 : i32
    %dma_wait3A_1213 = arith.constant 0 : i32
    %dma_wait3A_1214 = arith.constant 0 : i32
    %dma_wait3A_1215 = tpu.memref_slice %arg4[%dma_wait3A_1210, %dma_wait3A_1213, %dma_wait3A_1214] : memref<2x16x2048xf32, #tpu.memory_space<vmem>> -> memref<1x16x2048xf32, #tpu.memory_space<vmem>>
    %dma_wait3A_1216 = tpu.memref_squeeze %dma_wait3A_1215 : memref<1x16x2048xf32, #tpu.memory_space<vmem>> -> memref<16x2048xf32, #tpu.memory_space<vmem>>
    %dma_wait3A_1217 = arith.constant 0 : i32
    %dma_wait3A_1218 = tpu.memref_slice %arg3[%dma_wait3A_1211, %add3A_780, %dma_wait3A_1217] : memref<4x4096x2048xf32, #tpu.memory_space<hbm>> -> memref<1x16x2048xf32, #tpu.memory_space<hbm>>
    %dma_wait3A_1219 = tpu.memref_squeeze %dma_wait3A_1218 : memref<1x16x2048xf32, #tpu.memory_space<hbm>> -> memref<16x2048xf32, #tpu.memory_space<hbm>>
    %dma_wait3A_1220 = tpu.memref_slice %arg6[%dma_wait3A_1212] : memref<2x!tpu.dma_semaphore, #tpu.memory_space<semaphore_mem>> -> memref<1x!tpu.dma_semaphore, #tpu.memory_space<semaphore_mem>>
    %dma_wait3A_1221 = tpu.memref_squeeze %dma_wait3A_1220 : memref<1x!tpu.dma_semaphore, #tpu.memory_space<semaphore_mem>> -> memref<!tpu.dma_semaphore, #tpu.memory_space<semaphore_mem>>
    %dma_wait3A_1222 = arith.constant 0 : i32
    %dma_wait3A_1223 = tpu.memref_slice %arg3[%dma_wait3A_1211, %add3A_780, %dma_wait3A_1222] : memref<4x4096x2048xf32, #tpu.memory_space<hbm>> -> memref<1x16x2048xf32, #tpu.memory_space<hbm>>
    %dma_wait3A_1224 = tpu.memref_squeeze %dma_wait3A_1223 : memref<1x16x2048xf32, #tpu.memory_space<hbm>> -> memref<16x2048xf32, #tpu.memory_space<hbm>>
    %dma_wait3A_1225 = arith.constant 0 : i32
    %dma_wait3A_1226 = arith.constant 0 : i32
    %dma_wait3A_1227 = tpu.memref_slice %arg4[%dma_wait3A_1210, %dma_wait3A_1225, %dma_wait3A_1226] : memref<2x16x2048xf32, #tpu.memory_space<vmem>> -> memref<1x16x2048xf32, #tpu.memory_space<vmem>>
    %dma_wait3A_1228 = tpu.memref_squeeze %dma_wait3A_1227 : memref<1x16x2048xf32, #tpu.memory_space<vmem>> -> memref<16x2048xf32, #tpu.memory_space<vmem>>
    tpu.wait_dma2 semaphore(%dma_wait3A_1221 : memref<!tpu.dma_semaphore, #tpu.memory_space<semaphore_mem>>) src(%dma_wait3A_1228 : memref<16x2048xf32, #tpu.memory_space<vmem>>) dst(%dma_wait3A_1224 : memref<16x2048xf32, #tpu.memory_space<hbm>>)
    %dma_start3A_1229 = arith.constant 1 : i32
    %dma_start3A_1230 = arith.constant 1 : i32
    %dma_start3A_1231 = arith.constant 0 : i32
    %dma_start3A_1232 = arith.constant 0 : i32
    %dma_start3A_1233 = tpu.memref_slice %arg4[%dma_start3A_1229, %dma_start3A_1231, %dma_start3A_1232] : memref<2x16x2048xf32, #tpu.memory_space<vmem>> -> memref<1x16x2048xf32, #tpu.memory_space<vmem>>
    %dma_start3A_1234 = tpu.memref_squeeze %dma_start3A_1233 : memref<1x16x2048xf32, #tpu.memory_space<vmem>> -> memref<16x2048xf32, #tpu.memory_space<vmem>>
    %dma_start3A_1235 = arith.constant 0 : i32
    %dma_start3A_1236 = tpu.memref_slice %arg2[%add3A_1152, %dma_start3A_1235] : memref<8192x2048xf32, #tpu.memory_space<hbm>> -> memref<16x2048xf32, #tpu.memory_space<hbm>>
    %dma_start3A_1237 = tpu.memref_slice %arg5[%dma_start3A_1230] : memref<2x!tpu.dma_semaphore, #tpu.memory_space<semaphore_mem>> -> memref<1x!tpu.dma_semaphore, #tpu.memory_space<semaphore_mem>>
    %dma_start3A_1238 = tpu.memref_squeeze %dma_start3A_1237 : memref<1x!tpu.dma_semaphore, #tpu.memory_space<semaphore_mem>> -> memref<!tpu.dma_semaphore, #tpu.memory_space<semaphore_mem>>
    %dma_start3A_1239 = arith.constant 0 : i32
    %dma_start3A_1240 = arith.constant 0 : i32
    %dma_start3A_1241 = tpu.memref_slice %arg4[%dma_start3A_1229, %dma_start3A_1239, %dma_start3A_1240] : memref<2x16x2048xf32, #tpu.memory_space<vmem>> -> memref<1x16x2048xf32, #tpu.memory_space<vmem>>
    %dma_start3A_1242 = tpu.memref_squeeze %dma_start3A_1241 : memref<1x16x2048xf32, #tpu.memory_space<vmem>> -> memref<16x2048xf32, #tpu.memory_space<vmem>>
    %dma_start3A_1243 = arith.constant 0 : i32
    %dma_start3A_1244 = tpu.memref_slice %arg2[%add3A_1152, %dma_start3A_1243] : memref<8192x2048xf32, #tpu.memory_space<hbm>> -> memref<16x2048xf32, #tpu.memory_space<hbm>>
    tpu.enqueue_dma source(%dma_start3A_1244 : memref<16x2048xf32, #tpu.memory_space<hbm>>) target(%dma_start3A_1242 : memref<16x2048xf32, #tpu.memory_space<vmem>>) target_semaphore(%dma_start3A_1238 : memref<!tpu.dma_semaphore, #tpu.memory_space<semaphore_mem>>)
    %dma_wait3A_1245 = arith.constant 1 : i32
    %dma_wait3A_1246 = arith.constant 1 : i32
    %dma_wait3A_1247 = arith.constant 0 : i32
    %dma_wait3A_1248 = arith.constant 0 : i32
    %dma_wait3A_1249 = tpu.memref_slice %arg4[%dma_wait3A_1245, %dma_wait3A_1247, %dma_wait3A_1248] : memref<2x16x2048xf32, #tpu.memory_space<vmem>> -> memref<1x16x2048xf32, #tpu.memory_space<vmem>>
    %dma_wait3A_1250 = tpu.memref_squeeze %dma_wait3A_1249 : memref<1x16x2048xf32, #tpu.memory_space<vmem>> -> memref<16x2048xf32, #tpu.memory_space<vmem>>
    %dma_wait3A_1251 = arith.constant 0 : i32
    %dma_wait3A_1252 = tpu.memref_slice %arg2[%add3A_1152, %dma_wait3A_1251] : memref<8192x2048xf32, #tpu.memory_space<hbm>> -> memref<16x2048xf32, #tpu.memory_space<hbm>>
    %dma_wait3A_1253 = tpu.memref_slice %arg5[%dma_wait3A_1246] : memref<2x!tpu.dma_semaphore, #tpu.memory_space<semaphore_mem>> -> memref<1x!tpu.dma_semaphore, #tpu.memory_space<semaphore_mem>>
    %dma_wait3A_1254 = tpu.memref_squeeze %dma_wait3A_1253 : memref<1x!tpu.dma_semaphore, #tpu.memory_space<semaphore_mem>> -> memref<!tpu.dma_semaphore, #tpu.memory_space<semaphore_mem>>
    %dma_wait3A_1255 = arith.constant 0 : i32
    %dma_wait3A_1256 = arith.constant 0 : i32
    %dma_wait3A_1257 = tpu.memref_slice %arg4[%dma_wait3A_1245, %dma_wait3A_1255, %dma_wait3A_1256] : memref<2x16x2048xf32, #tpu.memory_space<vmem>> -> memref<1x16x2048xf32, #tpu.memory_space<vmem>>
    %dma_wait3A_1258 = tpu.memref_squeeze %dma_wait3A_1257 : memref<1x16x2048xf32, #tpu.memory_space<vmem>> -> memref<16x2048xf32, #tpu.memory_space<vmem>>
    %dma_wait3A_1259 = arith.constant 0 : i32
    %dma_wait3A_1260 = tpu.memref_slice %arg2[%add3A_1152, %dma_wait3A_1259] : memref<8192x2048xf32, #tpu.memory_space<hbm>> -> memref<16x2048xf32, #tpu.memory_space<hbm>>
    tpu.wait_dma2 semaphore(%dma_wait3A_1254 : memref<!tpu.dma_semaphore, #tpu.memory_space<semaphore_mem>>) src(%dma_wait3A_1260 : memref<16x2048xf32, #tpu.memory_space<hbm>>) dst(%dma_wait3A_1258 : memref<16x2048xf32, #tpu.memory_space<vmem>>)
    %dma_start3A_1261 = arith.constant 1 : i32
    %dma_start3A_1262 = arith.constant 0 : i32
    %dma_start3A_1263 = arith.constant 1 : i32
    %dma_start3A_1264 = arith.constant 0 : i32
    %dma_start3A_1265 = arith.constant 0 : i32
    %dma_start3A_1266 = tpu.memref_slice %arg4[%dma_start3A_1261, %dma_start3A_1264, %dma_start3A_1265] : memref<2x16x2048xf32, #tpu.memory_space<vmem>> -> memref<1x16x2048xf32, #tpu.memory_space<vmem>>
    %dma_start3A_1267 = tpu.memref_squeeze %dma_start3A_1266 : memref<1x16x2048xf32, #tpu.memory_space<vmem>> -> memref<16x2048xf32, #tpu.memory_space<vmem>>
    %dma_start3A_1268 = arith.constant 0 : i32
    %dma_start3A_1269 = tpu.memref_slice %arg3[%dma_start3A_1262, %add3A_1152, %dma_start3A_1268] : memref<4x4096x2048xf32, #tpu.memory_space<hbm>> -> memref<1x16x2048xf32, #tpu.memory_space<hbm>>
    %dma_start3A_1270 = tpu.memref_squeeze %dma_start3A_1269 : memref<1x16x2048xf32, #tpu.memory_space<hbm>> -> memref<16x2048xf32, #tpu.memory_space<hbm>>
    %dma_start3A_1271 = tpu.memref_slice %arg6[%dma_start3A_1263] : memref<2x!tpu.dma_semaphore, #tpu.memory_space<semaphore_mem>> -> memref<1x!tpu.dma_semaphore, #tpu.memory_space<semaphore_mem>>
    %dma_start3A_1272 = tpu.memref_squeeze %dma_start3A_1271 : memref<1x!tpu.dma_semaphore, #tpu.memory_space<semaphore_mem>> -> memref<!tpu.dma_semaphore, #tpu.memory_space<semaphore_mem>>
    %dma_start3A_1273 = arith.constant 0 : i32
    %dma_start3A_1274 = tpu.memref_slice %arg3[%dma_start3A_1262, %add3A_1152, %dma_start3A_1273] : memref<4x4096x2048xf32, #tpu.memory_space<hbm>> -> memref<1x16x2048xf32, #tpu.memory_space<hbm>>
    %dma_start3A_1275 = tpu.memref_squeeze %dma_start3A_1274 : memref<1x16x2048xf32, #tpu.memory_space<hbm>> -> memref<16x2048xf32, #tpu.memory_space<hbm>>
    %dma_start3A_1276 = arith.constant 0 : i32
    %dma_start3A_1277 = arith.constant 0 : i32
    %dma_start3A_1278 = tpu.memref_slice %arg4[%dma_start3A_1261, %dma_start3A_1276, %dma_start3A_1277] : memref<2x16x2048xf32, #tpu.memory_space<vmem>> -> memref<1x16x2048xf32, #tpu.memory_space<vmem>>
    %dma_start3A_1279 = tpu.memref_squeeze %dma_start3A_1278 : memref<1x16x2048xf32, #tpu.memory_space<vmem>> -> memref<16x2048xf32, #tpu.memory_space<vmem>>
    tpu.enqueue_dma source(%dma_start3A_1279 : memref<16x2048xf32, #tpu.memory_space<vmem>>) target(%dma_start3A_1275 : memref<16x2048xf32, #tpu.memory_space<hbm>>) target_semaphore(%dma_start3A_1272 : memref<!tpu.dma_semaphore, #tpu.memory_space<semaphore_mem>>)
    %dma_start3A_1280 = arith.constant 1 : i32
    %dma_start3A_1281 = arith.constant 1 : i32
    %dma_start3A_1282 = arith.constant 1 : i32
    %dma_start3A_1283 = arith.constant 0 : i32
    %dma_start3A_1284 = arith.constant 0 : i32
    %dma_start3A_1285 = tpu.memref_slice %arg4[%dma_start3A_1280, %dma_start3A_1283, %dma_start3A_1284] : memref<2x16x2048xf32, #tpu.memory_space<vmem>> -> memref<1x16x2048xf32, #tpu.memory_space<vmem>>
    %dma_start3A_1286 = tpu.memref_squeeze %dma_start3A_1285 : memref<1x16x2048xf32, #tpu.memory_space<vmem>> -> memref<16x2048xf32, #tpu.memory_space<vmem>>
    %dma_start3A_1287 = arith.constant 0 : i32
    %dma_start3A_1288 = tpu.memref_slice %arg3[%dma_start3A_1281, %add3A_1152, %dma_start3A_1287] : memref<4x4096x2048xf32, #tpu.memory_space<hbm>> -> memref<1x16x2048xf32, #tpu.memory_space<hbm>>
    %dma_start3A_1289 = tpu.memref_squeeze %dma_start3A_1288 : memref<1x16x2048xf32, #tpu.memory_space<hbm>> -> memref<16x2048xf32, #tpu.memory_space<hbm>>
    %dma_start3A_1290 = tpu.memref_slice %arg6[%dma_start3A_1282] : memref<2x!tpu.dma_semaphore, #tpu.memory_space<semaphore_mem>> -> memref<1x!tpu.dma_semaphore, #tpu.memory_space<semaphore_mem>>
    %dma_start3A_1291 = tpu.memref_squeeze %dma_start3A_1290 : memref<1x!tpu.dma_semaphore, #tpu.memory_space<semaphore_mem>> -> memref<!tpu.dma_semaphore, #tpu.memory_space<semaphore_mem>>
    %dma_start3A_1292 = arith.constant 0 : i32
    %dma_start3A_1293 = tpu.memref_slice %arg3[%dma_start3A_1281, %add3A_1152, %dma_start3A_1292] : memref<4x4096x2048xf32, #tpu.memory_space<hbm>> -> memref<1x16x2048xf32, #tpu.memory_space<hbm>>
    %dma_start3A_1294 = tpu.memref_squeeze %dma_start3A_1293 : memref<1x16x2048xf32, #tpu.memory_space<hbm>> -> memref<16x2048xf32, #tpu.memory_space<hbm>>
    %dma_start3A_1295 = arith.constant 0 : i32
    %dma_start3A_1296 = arith.constant 0 : i32
    %dma_start3A_1297 = tpu.memref_slice %arg4[%dma_start3A_1280, %dma_start3A_1295, %dma_start3A_1296] : memref<2x16x2048xf32, #tpu.memory_space<vmem>> -> memref<1x16x2048xf32, #tpu.memory_space<vmem>>
    %dma_start3A_1298 = tpu.memref_squeeze %dma_start3A_1297 : memref<1x16x2048xf32, #tpu.memory_space<vmem>> -> memref<16x2048xf32, #tpu.memory_space<vmem>>
    tpu.enqueue_dma source(%dma_start3A_1298 : memref<16x2048xf32, #tpu.memory_space<vmem>>) target(%dma_start3A_1294 : memref<16x2048xf32, #tpu.memory_space<hbm>>) target_semaphore(%dma_start3A_1291 : memref<!tpu.dma_semaphore, #tpu.memory_space<semaphore_mem>>)
    %dma_start3A_1299 = arith.constant 1 : i32
    %dma_start3A_1300 = arith.constant 2 : i32
    %dma_start3A_1301 = arith.constant 1 : i32
    %dma_start3A_1302 = arith.constant 0 : i32
    %dma_start3A_1303 = arith.constant 0 : i32
    %dma_start3A_1304 = tpu.memref_slice %arg4[%dma_start3A_1299, %dma_start3A_1302, %dma_start3A_1303] : memref<2x16x2048xf32, #tpu.memory_space<vmem>> -> memref<1x16x2048xf32, #tpu.memory_space<vmem>>
    %dma_start3A_1305 = tpu.memref_squeeze %dma_start3A_1304 : memref<1x16x2048xf32, #tpu.memory_space<vmem>> -> memref<16x2048xf32, #tpu.memory_space<vmem>>
    %dma_start3A_1306 = arith.constant 0 : i32
    %dma_start3A_1307 = tpu.memref_slice %arg3[%dma_start3A_1300, %add3A_1152, %dma_start3A_1306] : memref<4x4096x2048xf32, #tpu.memory_space<hbm>> -> memref<1x16x2048xf32, #tpu.memory_space<hbm>>
    %dma_start3A_1308 = tpu.memref_squeeze %dma_start3A_1307 : memref<1x16x2048xf32, #tpu.memory_space<hbm>> -> memref<16x2048xf32, #tpu.memory_space<hbm>>
    %dma_start3A_1309 = tpu.memref_slice %arg6[%dma_start3A_1301] : memref<2x!tpu.dma_semaphore, #tpu.memory_space<semaphore_mem>> -> memref<1x!tpu.dma_semaphore, #tpu.memory_space<semaphore_mem>>
    %dma_start3A_1310 = tpu.memref_squeeze %dma_start3A_1309 : memref<1x!tpu.dma_semaphore, #tpu.memory_space<semaphore_mem>> -> memref<!tpu.dma_semaphore, #tpu.memory_space<semaphore_mem>>
    %dma_start3A_1311 = arith.constant 0 : i32
    %dma_start3A_1312 = tpu.memref_slice %arg3[%dma_start3A_1300, %add3A_1152, %dma_start3A_1311] : memref<4x4096x2048xf32, #tpu.memory_space<hbm>> -> memref<1x16x2048xf32, #tpu.memory_space<hbm>>
    %dma_start3A_1313 = tpu.memref_squeeze %dma_start3A_1312 : memref<1x16x2048xf32, #tpu.memory_space<hbm>> -> memref<16x2048xf32, #tpu.memory_space<hbm>>
    %dma_start3A_1314 = arith.constant 0 : i32
    %dma_start3A_1315 = arith.constant 0 : i32
    %dma_start3A_1316 = tpu.memref_slice %arg4[%dma_start3A_1299, %dma_start3A_1314, %dma_start3A_1315] : memref<2x16x2048xf32, #tpu.memory_space<vmem>> -> memref<1x16x2048xf32, #tpu.memory_space<vmem>>
    %dma_start3A_1317 = tpu.memref_squeeze %dma_start3A_1316 : memref<1x16x2048xf32, #tpu.memory_space<vmem>> -> memref<16x2048xf32, #tpu.memory_space<vmem>>
    tpu.enqueue_dma source(%dma_start3A_1317 : memref<16x2048xf32, #tpu.memory_space<vmem>>) target(%dma_start3A_1313 : memref<16x2048xf32, #tpu.memory_space<hbm>>) target_semaphore(%dma_start3A_1310 : memref<!tpu.dma_semaphore, #tpu.memory_space<semaphore_mem>>)
    %dma_start3A_1318 = arith.constant 1 : i32
    %dma_start3A_1319 = arith.constant 3 : i32
    %dma_start3A_1320 = arith.constant 1 : i32
    %dma_start3A_1321 = arith.constant 0 : i32
    %dma_start3A_1322 = arith.constant 0 : i32
    %dma_start3A_1323 = tpu.memref_slice %arg4[%dma_start3A_1318, %dma_start3A_1321, %dma_start3A_1322] : memref<2x16x2048xf32, #tpu.memory_space<vmem>> -> memref<1x16x2048xf32, #tpu.memory_space<vmem>>
    %dma_start3A_1324 = tpu.memref_squeeze %dma_start3A_1323 : memref<1x16x2048xf32, #tpu.memory_space<vmem>> -> memref<16x2048xf32, #tpu.memory_space<vmem>>
    %dma_start3A_1325 = arith.constant 0 : i32
    %dma_start3A_1326 = tpu.memref_slice %arg3[%dma_start3A_1319, %add3A_1152, %dma_start3A_1325] : memref<4x4096x2048xf32, #tpu.memory_space<hbm>> -> memref<1x16x2048xf32, #tpu.memory_space<hbm>>
    %dma_start3A_1327 = tpu.memref_squeeze %dma_start3A_1326 : memref<1x16x2048xf32, #tpu.memory_space<hbm>> -> memref<16x2048xf32, #tpu.memory_space<hbm>>
    %dma_start3A_1328 = tpu.memref_slice %arg6[%dma_start3A_1320] : memref<2x!tpu.dma_semaphore, #tpu.memory_space<semaphore_mem>> -> memref<1x!tpu.dma_semaphore, #tpu.memory_space<semaphore_mem>>
    %dma_start3A_1329 = tpu.memref_squeeze %dma_start3A_1328 : memref<1x!tpu.dma_semaphore, #tpu.memory_space<semaphore_mem>> -> memref<!tpu.dma_semaphore, #tpu.memory_space<semaphore_mem>>
    %dma_start3A_1330 = arith.constant 0 : i32
    %dma_start3A_1331 = tpu.memref_slice %arg3[%dma_start3A_1319, %add3A_1152, %dma_start3A_1330] : memref<4x4096x2048xf32, #tpu.memory_space<hbm>> -> memref<1x16x2048xf32, #tpu.memory_space<hbm>>
    %dma_start3A_1332 = tpu.memref_squeeze %dma_start3A_1331 : memref<1x16x2048xf32, #tpu.memory_space<hbm>> -> memref<16x2048xf32, #tpu.memory_space<hbm>>
    %dma_start3A_1333 = arith.constant 0 : i32
    %dma_start3A_1334 = arith.constant 0 : i32
    %dma_start3A_1335 = tpu.memref_slice %arg4[%dma_start3A_1318, %dma_start3A_1333, %dma_start3A_1334] : memref<2x16x2048xf32, #tpu.memory_space<vmem>> -> memref<1x16x2048xf32, #tpu.memory_space<vmem>>
    %dma_start3A_1336 = tpu.memref_squeeze %dma_start3A_1335 : memref<1x16x2048xf32, #tpu.memory_space<vmem>> -> memref<16x2048xf32, #tpu.memory_space<vmem>>
    tpu.enqueue_dma source(%dma_start3A_1336 : memref<16x2048xf32, #tpu.memory_space<vmem>>) target(%dma_start3A_1332 : memref<16x2048xf32, #tpu.memory_space<hbm>>) target_semaphore(%dma_start3A_1329 : memref<!tpu.dma_semaphore, #tpu.memory_space<semaphore_mem>>)
    %dma_wait3A_1337 = arith.constant 0 : i32
    %dma_wait3A_1338 = arith.constant 0 : i32
    %dma_wait3A_1339 = arith.constant 0 : i32
    %dma_wait3A_1340 = arith.constant 0 : i32
    %dma_wait3A_1341 = arith.constant 0 : i32
    %dma_wait3A_1342 = tpu.memref_slice %arg4[%dma_wait3A_1337, %dma_wait3A_1340, %dma_wait3A_1341] : memref<2x16x2048xf32, #tpu.memory_space<vmem>> -> memref<1x16x2048xf32, #tpu.memory_space<vmem>>
    %dma_wait3A_1343 = tpu.memref_squeeze %dma_wait3A_1342 : memref<1x16x2048xf32, #tpu.memory_space<vmem>> -> memref<16x2048xf32, #tpu.memory_space<vmem>>
    %dma_wait3A_1344 = arith.constant 0 : i32
    %dma_wait3A_1345 = tpu.memref_slice %arg3[%dma_wait3A_1338, %add3A_966, %dma_wait3A_1344] : memref<4x4096x2048xf32, #tpu.memory_space<hbm>> -> memref<1x16x2048xf32, #tpu.memory_space<hbm>>
    %dma_wait3A_1346 = tpu.memref_squeeze %dma_wait3A_1345 : memref<1x16x2048xf32, #tpu.memory_space<hbm>> -> memref<16x2048xf32, #tpu.memory_space<hbm>>
    %dma_wait3A_1347 = tpu.memref_slice %arg6[%dma_wait3A_1339] : memref<2x!tpu.dma_semaphore, #tpu.memory_space<semaphore_mem>> -> memref<1x!tpu.dma_semaphore, #tpu.memory_space<semaphore_mem>>
    %dma_wait3A_1348 = tpu.memref_squeeze %dma_wait3A_1347 : memref<1x!tpu.dma_semaphore, #tpu.memory_space<semaphore_mem>> -> memref<!tpu.dma_semaphore, #tpu.memory_space<semaphore_mem>>
    %dma_wait3A_1349 = arith.constant 0 : i32
    %dma_wait3A_1350 = tpu.memref_slice %arg3[%dma_wait3A_1338, %add3A_966, %dma_wait3A_1349] : memref<4x4096x2048xf32, #tpu.memory_space<hbm>> -> memref<1x16x2048xf32, #tpu.memory_space<hbm>>
    %dma_wait3A_1351 = tpu.memref_squeeze %dma_wait3A_1350 : memref<1x16x2048xf32, #tpu.memory_space<hbm>> -> memref<16x2048xf32, #tpu.memory_space<hbm>>
    %dma_wait3A_1352 = arith.constant 0 : i32
    %dma_wait3A_1353 = arith.constant 0 : i32
    %dma_wait3A_1354 = tpu.memref_slice %arg4[%dma_wait3A_1337, %dma_wait3A_1352, %dma_wait3A_1353] : memref<2x16x2048xf32, #tpu.memory_space<vmem>> -> memref<1x16x2048xf32, #tpu.memory_space<vmem>>
    %dma_wait3A_1355 = tpu.memref_squeeze %dma_wait3A_1354 : memref<1x16x2048xf32, #tpu.memory_space<vmem>> -> memref<16x2048xf32, #tpu.memory_space<vmem>>
    tpu.wait_dma2 semaphore(%dma_wait3A_1348 : memref<!tpu.dma_semaphore, #tpu.memory_space<semaphore_mem>>) src(%dma_wait3A_1355 : memref<16x2048xf32, #tpu.memory_space<vmem>>) dst(%dma_wait3A_1351 : memref<16x2048xf32, #tpu.memory_space<hbm>>)
    %dma_wait3A_1356 = arith.constant 0 : i32
    %dma_wait3A_1357 = arith.constant 1 : i32
    %dma_wait3A_1358 = arith.constant 0 : i32
    %dma_wait3A_1359 = arith.constant 0 : i32
    %dma_wait3A_1360 = arith.constant 0 : i32
    %dma_wait3A_1361 = tpu.memref_slice %arg4[%dma_wait3A_1356, %dma_wait3A_1359, %dma_wait3A_1360] : memref<2x16x2048xf32, #tpu.memory_space<vmem>> -> memref<1x16x2048xf32, #tpu.memory_space<vmem>>
    %dma_wait3A_1362 = tpu.memref_squeeze %dma_wait3A_1361 : memref<1x16x2048xf32, #tpu.memory_space<vmem>> -> memref<16x2048xf32, #tpu.memory_space<vmem>>
    %dma_wait3A_1363 = arith.constant 0 : i32
    %dma_wait3A_1364 = tpu.memref_slice %arg3[%dma_wait3A_1357, %add3A_966, %dma_wait3A_1363] : memref<4x4096x2048xf32, #tpu.memory_space<hbm>> -> memref<1x16x2048xf32, #tpu.memory_space<hbm>>
    %dma_wait3A_1365 = tpu.memref_squeeze %dma_wait3A_1364 : memref<1x16x2048xf32, #tpu.memory_space<hbm>> -> memref<16x2048xf32, #tpu.memory_space<hbm>>
    %dma_wait3A_1366 = tpu.memref_slice %arg6[%dma_wait3A_1358] : memref<2x!tpu.dma_semaphore, #tpu.memory_space<semaphore_mem>> -> memref<1x!tpu.dma_semaphore, #tpu.memory_space<semaphore_mem>>
    %dma_wait3A_1367 = tpu.memref_squeeze %dma_wait3A_1366 : memref<1x!tpu.dma_semaphore, #tpu.memory_space<semaphore_mem>> -> memref<!tpu.dma_semaphore, #tpu.memory_space<semaphore_mem>>
    %dma_wait3A_1368 = arith.constant 0 : i32
    %dma_wait3A_1369 = tpu.memref_slice %arg3[%dma_wait3A_1357, %add3A_966, %dma_wait3A_1368] : memref<4x4096x2048xf32, #tpu.memory_space<hbm>> -> memref<1x16x2048xf32, #tpu.memory_space<hbm>>
    %dma_wait3A_1370 = tpu.memref_squeeze %dma_wait3A_1369 : memref<1x16x2048xf32, #tpu.memory_space<hbm>> -> memref<16x2048xf32, #tpu.memory_space<hbm>>
    %dma_wait3A_1371 = arith.constant 0 : i32
    %dma_wait3A_1372 = arith.constant 0 : i32
    %dma_wait3A_1373 = tpu.memref_slice %arg4[%dma_wait3A_1356, %dma_wait3A_1371, %dma_wait3A_1372] : memref<2x16x2048xf32, #tpu.memory_space<vmem>> -> memref<1x16x2048xf32, #tpu.memory_space<vmem>>
    %dma_wait3A_1374 = tpu.memref_squeeze %dma_wait3A_1373 : memref<1x16x2048xf32, #tpu.memory_space<vmem>> -> memref<16x2048xf32, #tpu.memory_space<vmem>>
    tpu.wait_dma2 semaphore(%dma_wait3A_1367 : memref<!tpu.dma_semaphore, #tpu.memory_space<semaphore_mem>>) src(%dma_wait3A_1374 : memref<16x2048xf32, #tpu.memory_space<vmem>>) dst(%dma_wait3A_1370 : memref<16x2048xf32, #tpu.memory_space<hbm>>)
    %dma_wait3A_1375 = arith.constant 0 : i32
    %dma_wait3A_1376 = arith.constant 2 : i32
    %dma_wait3A_1377 = arith.constant 0 : i32
    %dma_wait3A_1378 = arith.constant 0 : i32
    %dma_wait3A_1379 = arith.constant 0 : i32
    %dma_wait3A_1380 = tpu.memref_slice %arg4[%dma_wait3A_1375, %dma_wait3A_1378, %dma_wait3A_1379] : memref<2x16x2048xf32, #tpu.memory_space<vmem>> -> memref<1x16x2048xf32, #tpu.memory_space<vmem>>
    %dma_wait3A_1381 = tpu.memref_squeeze %dma_wait3A_1380 : memref<1x16x2048xf32, #tpu.memory_space<vmem>> -> memref<16x2048xf32, #tpu.memory_space<vmem>>
    %dma_wait3A_1382 = arith.constant 0 : i32
    %dma_wait3A_1383 = tpu.memref_slice %arg3[%dma_wait3A_1376, %add3A_966, %dma_wait3A_1382] : memref<4x4096x2048xf32, #tpu.memory_space<hbm>> -> memref<1x16x2048xf32, #tpu.memory_space<hbm>>
    %dma_wait3A_1384 = tpu.memref_squeeze %dma_wait3A_1383 : memref<1x16x2048xf32, #tpu.memory_space<hbm>> -> memref<16x2048xf32, #tpu.memory_space<hbm>>
    %dma_wait3A_1385 = tpu.memref_slice %arg6[%dma_wait3A_1377] : memref<2x!tpu.dma_semaphore, #tpu.memory_space<semaphore_mem>> -> memref<1x!tpu.dma_semaphore, #tpu.memory_space<semaphore_mem>>
    %dma_wait3A_1386 = tpu.memref_squeeze %dma_wait3A_1385 : memref<1x!tpu.dma_semaphore, #tpu.memory_space<semaphore_mem>> -> memref<!tpu.dma_semaphore, #tpu.memory_space<semaphore_mem>>
    %dma_wait3A_1387 = arith.constant 0 : i32
    %dma_wait3A_1388 = tpu.memref_slice %arg3[%dma_wait3A_1376, %add3A_966, %dma_wait3A_1387] : memref<4x4096x2048xf32, #tpu.memory_space<hbm>> -> memref<1x16x2048xf32, #tpu.memory_space<hbm>>
    %dma_wait3A_1389 = tpu.memref_squeeze %dma_wait3A_1388 : memref<1x16x2048xf32, #tpu.memory_space<hbm>> -> memref<16x2048xf32, #tpu.memory_space<hbm>>
    %dma_wait3A_1390 = arith.constant 0 : i32
    %dma_wait3A_1391 = arith.constant 0 : i32
    %dma_wait3A_1392 = tpu.memref_slice %arg4[%dma_wait3A_1375, %dma_wait3A_1390, %dma_wait3A_1391] : memref<2x16x2048xf32, #tpu.memory_space<vmem>> -> memref<1x16x2048xf32, #tpu.memory_space<vmem>>
    %dma_wait3A_1393 = tpu.memref_squeeze %dma_wait3A_1392 : memref<1x16x2048xf32, #tpu.memory_space<vmem>> -> memref<16x2048xf32, #tpu.memory_space<vmem>>
    tpu.wait_dma2 semaphore(%dma_wait3A_1386 : memref<!tpu.dma_semaphore, #tpu.memory_space<semaphore_mem>>) src(%dma_wait3A_1393 : memref<16x2048xf32, #tpu.memory_space<vmem>>) dst(%dma_wait3A_1389 : memref<16x2048xf32, #tpu.memory_space<hbm>>)
    %dma_wait3A_1394 = arith.constant 0 : i32
    %dma_wait3A_1395 = arith.constant 3 : i32
    %dma_wait3A_1396 = arith.constant 0 : i32
    %dma_wait3A_1397 = arith.constant 0 : i32
    %dma_wait3A_1398 = arith.constant 0 : i32
    %dma_wait3A_1399 = tpu.memref_slice %arg4[%dma_wait3A_1394, %dma_wait3A_1397, %dma_wait3A_1398] : memref<2x16x2048xf32, #tpu.memory_space<vmem>> -> memref<1x16x2048xf32, #tpu.memory_space<vmem>>
    %dma_wait3A_1400 = tpu.memref_squeeze %dma_wait3A_1399 : memref<1x16x2048xf32, #tpu.memory_space<vmem>> -> memref<16x2048xf32, #tpu.memory_space<vmem>>
    %dma_wait3A_1401 = arith.constant 0 : i32
    %dma_wait3A_1402 = tpu.memref_slice %arg3[%dma_wait3A_1395, %add3A_966, %dma_wait3A_1401] : memref<4x4096x2048xf32, #tpu.memory_space<hbm>> -> memref<1x16x2048xf32, #tpu.memory_space<hbm>>
    %dma_wait3A_1403 = tpu.memref_squeeze %dma_wait3A_1402 : memref<1x16x2048xf32, #tpu.memory_space<hbm>> -> memref<16x2048xf32, #tpu.memory_space<hbm>>
    %dma_wait3A_1404 = tpu.memref_slice %arg6[%dma_wait3A_1396] : memref<2x!tpu.dma_semaphore, #tpu.memory_space<semaphore_mem>> -> memref<1x!tpu.dma_semaphore, #tpu.memory_space<semaphore_mem>>
    %dma_wait3A_1405 = tpu.memref_squeeze %dma_wait3A_1404 : memref<1x!tpu.dma_semaphore, #tpu.memory_space<semaphore_mem>> -> memref<!tpu.dma_semaphore, #tpu.memory_space<semaphore_mem>>
    %dma_wait3A_1406 = arith.constant 0 : i32
    %dma_wait3A_1407 = tpu.memref_slice %arg3[%dma_wait3A_1395, %add3A_966, %dma_wait3A_1406] : memref<4x4096x2048xf32, #tpu.memory_space<hbm>> -> memref<1x16x2048xf32, #tpu.memory_space<hbm>>
    %dma_wait3A_1408 = tpu.memref_squeeze %dma_wait3A_1407 : memref<1x16x2048xf32, #tpu.memory_space<hbm>> -> memref<16x2048xf32, #tpu.memory_space<hbm>>
    %dma_wait3A_1409 = arith.constant 0 : i32
    %dma_wait3A_1410 = arith.constant 0 : i32
    %dma_wait3A_1411 = tpu.memref_slice %arg4[%dma_wait3A_1394, %dma_wait3A_1409, %dma_wait3A_1410] : memref<2x16x2048xf32, #tpu.memory_space<vmem>> -> memref<1x16x2048xf32, #tpu.memory_space<vmem>>
    %dma_wait3A_1412 = tpu.memref_squeeze %dma_wait3A_1411 : memref<1x16x2048xf32, #tpu.memory_space<vmem>> -> memref<16x2048xf32, #tpu.memory_space<vmem>>
    tpu.wait_dma2 semaphore(%dma_wait3A_1405 : memref<!tpu.dma_semaphore, #tpu.memory_space<semaphore_mem>>) src(%dma_wait3A_1412 : memref<16x2048xf32, #tpu.memory_space<vmem>>) dst(%dma_wait3A_1408 : memref<16x2048xf32, #tpu.memory_space<hbm>>)
    %dma_wait3A_1413 = arith.constant 1 : i32
    %dma_wait3A_1414 = arith.constant 0 : i32
    %dma_wait3A_1415 = arith.constant 1 : i32
    %dma_wait3A_1416 = arith.constant 0 : i32
    %dma_wait3A_1417 = arith.constant 0 : i32
    %dma_wait3A_1418 = tpu.memref_slice %arg4[%dma_wait3A_1413, %dma_wait3A_1416, %dma_wait3A_1417] : memref<2x16x2048xf32, #tpu.memory_space<vmem>> -> memref<1x16x2048xf32, #tpu.memory_space<vmem>>
    %dma_wait3A_1419 = tpu.memref_squeeze %dma_wait3A_1418 : memref<1x16x2048xf32, #tpu.memory_space<vmem>> -> memref<16x2048xf32, #tpu.memory_space<vmem>>
    %dma_wait3A_1420 = arith.constant 0 : i32
    %dma_wait3A_1421 = tpu.memref_slice %arg3[%dma_wait3A_1414, %add3A_1152, %dma_wait3A_1420] : memref<4x4096x2048xf32, #tpu.memory_space<hbm>> -> memref<1x16x2048xf32, #tpu.memory_space<hbm>>
    %dma_wait3A_1422 = tpu.memref_squeeze %dma_wait3A_1421 : memref<1x16x2048xf32, #tpu.memory_space<hbm>> -> memref<16x2048xf32, #tpu.memory_space<hbm>>
    %dma_wait3A_1423 = tpu.memref_slice %arg6[%dma_wait3A_1415] : memref<2x!tpu.dma_semaphore, #tpu.memory_space<semaphore_mem>> -> memref<1x!tpu.dma_semaphore, #tpu.memory_space<semaphore_mem>>
    %dma_wait3A_1424 = tpu.memref_squeeze %dma_wait3A_1423 : memref<1x!tpu.dma_semaphore, #tpu.memory_space<semaphore_mem>> -> memref<!tpu.dma_semaphore, #tpu.memory_space<semaphore_mem>>
    %dma_wait3A_1425 = arith.constant 0 : i32
    %dma_wait3A_1426 = tpu.memref_slice %arg3[%dma_wait3A_1414, %add3A_1152, %dma_wait3A_1425] : memref<4x4096x2048xf32, #tpu.memory_space<hbm>> -> memref<1x16x2048xf32, #tpu.memory_space<hbm>>
    %dma_wait3A_1427 = tpu.memref_squeeze %dma_wait3A_1426 : memref<1x16x2048xf32, #tpu.memory_space<hbm>> -> memref<16x2048xf32, #tpu.memory_space<hbm>>
    %dma_wait3A_1428 = arith.constant 0 : i32
    %dma_wait3A_1429 = arith.constant 0 : i32
    %dma_wait3A_1430 = tpu.memref_slice %arg4[%dma_wait3A_1413, %dma_wait3A_1428, %dma_wait3A_1429] : memref<2x16x2048xf32, #tpu.memory_space<vmem>> -> memref<1x16x2048xf32, #tpu.memory_space<vmem>>
    %dma_wait3A_1431 = tpu.memref_squeeze %dma_wait3A_1430 : memref<1x16x2048xf32, #tpu.memory_space<vmem>> -> memref<16x2048xf32, #tpu.memory_space<vmem>>
    tpu.wait_dma2 semaphore(%dma_wait3A_1424 : memref<!tpu.dma_semaphore, #tpu.memory_space<semaphore_mem>>) src(%dma_wait3A_1431 : memref<16x2048xf32, #tpu.memory_space<vmem>>) dst(%dma_wait3A_1427 : memref<16x2048xf32, #tpu.memory_space<hbm>>)
    %dma_wait3A_1432 = arith.constant 1 : i32
    %dma_wait3A_1433 = arith.constant 1 : i32
    %dma_wait3A_1434 = arith.constant 1 : i32
    %dma_wait3A_1435 = arith.constant 0 : i32
    %dma_wait3A_1436 = arith.constant 0 : i32
    %dma_wait3A_1437 = tpu.memref_slice %arg4[%dma_wait3A_1432, %dma_wait3A_1435, %dma_wait3A_1436] : memref<2x16x2048xf32, #tpu.memory_space<vmem>> -> memref<1x16x2048xf32, #tpu.memory_space<vmem>>
    %dma_wait3A_1438 = tpu.memref_squeeze %dma_wait3A_1437 : memref<1x16x2048xf32, #tpu.memory_space<vmem>> -> memref<16x2048xf32, #tpu.memory_space<vmem>>
    %dma_wait3A_1439 = arith.constant 0 : i32
    %dma_wait3A_1440 = tpu.memref_slice %arg3[%dma_wait3A_1433, %add3A_1152, %dma_wait3A_1439] : memref<4x4096x2048xf32, #tpu.memory_space<hbm>> -> memref<1x16x2048xf32, #tpu.memory_space<hbm>>
    %dma_wait3A_1441 = tpu.memref_squeeze %dma_wait3A_1440 : memref<1x16x2048xf32, #tpu.memory_space<hbm>> -> memref<16x2048xf32, #tpu.memory_space<hbm>>
    %dma_wait3A_1442 = tpu.memref_slice %arg6[%dma_wait3A_1434] : memref<2x!tpu.dma_semaphore, #tpu.memory_space<semaphore_mem>> -> memref<1x!tpu.dma_semaphore, #tpu.memory_space<semaphore_mem>>
    %dma_wait3A_1443 = tpu.memref_squeeze %dma_wait3A_1442 : memref<1x!tpu.dma_semaphore, #tpu.memory_space<semaphore_mem>> -> memref<!tpu.dma_semaphore, #tpu.memory_space<semaphore_mem>>
    %dma_wait3A_1444 = arith.constant 0 : i32
    %dma_wait3A_1445 = tpu.memref_slice %arg3[%dma_wait3A_1433, %add3A_1152, %dma_wait3A_1444] : memref<4x4096x2048xf32, #tpu.memory_space<hbm>> -> memref<1x16x2048xf32, #tpu.memory_space<hbm>>
    %dma_wait3A_1446 = tpu.memref_squeeze %dma_wait3A_1445 : memref<1x16x2048xf32, #tpu.memory_space<hbm>> -> memref<16x2048xf32, #tpu.memory_space<hbm>>
    %dma_wait3A_1447 = arith.constant 0 : i32
    %dma_wait3A_1448 = arith.constant 0 : i32
    %dma_wait3A_1449 = tpu.memref_slice %arg4[%dma_wait3A_1432, %dma_wait3A_1447, %dma_wait3A_1448] : memref<2x16x2048xf32, #tpu.memory_space<vmem>> -> memref<1x16x2048xf32, #tpu.memory_space<vmem>>
    %dma_wait3A_1450 = tpu.memref_squeeze %dma_wait3A_1449 : memref<1x16x2048xf32, #tpu.memory_space<vmem>> -> memref<16x2048xf32, #tpu.memory_space<vmem>>
    tpu.wait_dma2 semaphore(%dma_wait3A_1443 : memref<!tpu.dma_semaphore, #tpu.memory_space<semaphore_mem>>) src(%dma_wait3A_1450 : memref<16x2048xf32, #tpu.memory_space<vmem>>) dst(%dma_wait3A_1446 : memref<16x2048xf32, #tpu.memory_space<hbm>>)
    %dma_wait3A_1451 = arith.constant 1 : i32
    %dma_wait3A_1452 = arith.constant 2 : i32
    %dma_wait3A_1453 = arith.constant 1 : i32
    %dma_wait3A_1454 = arith.constant 0 : i32
    %dma_wait3A_1455 = arith.constant 0 : i32
    %dma_wait3A_1456 = tpu.memref_slice %arg4[%dma_wait3A_1451, %dma_wait3A_1454, %dma_wait3A_1455] : memref<2x16x2048xf32, #tpu.memory_space<vmem>> -> memref<1x16x2048xf32, #tpu.memory_space<vmem>>
    %dma_wait3A_1457 = tpu.memref_squeeze %dma_wait3A_1456 : memref<1x16x2048xf32, #tpu.memory_space<vmem>> -> memref<16x2048xf32, #tpu.memory_space<vmem>>
    %dma_wait3A_1458 = arith.constant 0 : i32
    %dma_wait3A_1459 = tpu.memref_slice %arg3[%dma_wait3A_1452, %add3A_1152, %dma_wait3A_1458] : memref<4x4096x2048xf32, #tpu.memory_space<hbm>> -> memref<1x16x2048xf32, #tpu.memory_space<hbm>>
    %dma_wait3A_1460 = tpu.memref_squeeze %dma_wait3A_1459 : memref<1x16x2048xf32, #tpu.memory_space<hbm>> -> memref<16x2048xf32, #tpu.memory_space<hbm>>
    %dma_wait3A_1461 = tpu.memref_slice %arg6[%dma_wait3A_1453] : memref<2x!tpu.dma_semaphore, #tpu.memory_space<semaphore_mem>> -> memref<1x!tpu.dma_semaphore, #tpu.memory_space<semaphore_mem>>
    %dma_wait3A_1462 = tpu.memref_squeeze %dma_wait3A_1461 : memref<1x!tpu.dma_semaphore, #tpu.memory_space<semaphore_mem>> -> memref<!tpu.dma_semaphore, #tpu.memory_space<semaphore_mem>>
    %dma_wait3A_1463 = arith.constant 0 : i32
    %dma_wait3A_1464 = tpu.memref_slice %arg3[%dma_wait3A_1452, %add3A_1152, %dma_wait3A_1463] : memref<4x4096x2048xf32, #tpu.memory_space<hbm>> -> memref<1x16x2048xf32, #tpu.memory_space<hbm>>
    %dma_wait3A_1465 = tpu.memref_squeeze %dma_wait3A_1464 : memref<1x16x2048xf32, #tpu.memory_space<hbm>> -> memref<16x2048xf32, #tpu.memory_space<hbm>>
    %dma_wait3A_1466 = arith.constant 0 : i32
    %dma_wait3A_1467 = arith.constant 0 : i32
    %dma_wait3A_1468 = tpu.memref_slice %arg4[%dma_wait3A_1451, %dma_wait3A_1466, %dma_wait3A_1467] : memref<2x16x2048xf32, #tpu.memory_space<vmem>> -> memref<1x16x2048xf32, #tpu.memory_space<vmem>>
    %dma_wait3A_1469 = tpu.memref_squeeze %dma_wait3A_1468 : memref<1x16x2048xf32, #tpu.memory_space<vmem>> -> memref<16x2048xf32, #tpu.memory_space<vmem>>
    tpu.wait_dma2 semaphore(%dma_wait3A_1462 : memref<!tpu.dma_semaphore, #tpu.memory_space<semaphore_mem>>) src(%dma_wait3A_1469 : memref<16x2048xf32, #tpu.memory_space<vmem>>) dst(%dma_wait3A_1465 : memref<16x2048xf32, #tpu.memory_space<hbm>>)
    %dma_wait3A_1470 = arith.constant 1 : i32
    %dma_wait3A_1471 = arith.constant 3 : i32
    %dma_wait3A_1472 = arith.constant 1 : i32
    %dma_wait3A_1473 = arith.constant 0 : i32
    %dma_wait3A_1474 = arith.constant 0 : i32
    %dma_wait3A_1475 = tpu.memref_slice %arg4[%dma_wait3A_1470, %dma_wait3A_1473, %dma_wait3A_1474] : memref<2x16x2048xf32, #tpu.memory_space<vmem>> -> memref<1x16x2048xf32, #tpu.memory_space<vmem>>
    %dma_wait3A_1476 = tpu.memref_squeeze %dma_wait3A_1475 : memref<1x16x2048xf32, #tpu.memory_space<vmem>> -> memref<16x2048xf32, #tpu.memory_space<vmem>>
    %dma_wait3A_1477 = arith.constant 0 : i32
    %dma_wait3A_1478 = tpu.memref_slice %arg3[%dma_wait3A_1471, %add3A_1152, %dma_wait3A_1477] : memref<4x4096x2048xf32, #tpu.memory_space<hbm>> -> memref<1x16x2048xf32, #tpu.memory_space<hbm>>
    %dma_wait3A_1479 = tpu.memref_squeeze %dma_wait3A_1478 : memref<1x16x2048xf32, #tpu.memory_space<hbm>> -> memref<16x2048xf32, #tpu.memory_space<hbm>>
    %dma_wait3A_1480 = tpu.memref_slice %arg6[%dma_wait3A_1472] : memref<2x!tpu.dma_semaphore, #tpu.memory_space<semaphore_mem>> -> memref<1x!tpu.dma_semaphore, #tpu.memory_space<semaphore_mem>>
    %dma_wait3A_1481 = tpu.memref_squeeze %dma_wait3A_1480 : memref<1x!tpu.dma_semaphore, #tpu.memory_space<semaphore_mem>> -> memref<!tpu.dma_semaphore, #tpu.memory_space<semaphore_mem>>
    %dma_wait3A_1482 = arith.constant 0 : i32
    %dma_wait3A_1483 = tpu.memref_slice %arg3[%dma_wait3A_1471, %add3A_1152, %dma_wait3A_1482] : memref<4x4096x2048xf32, #tpu.memory_space<hbm>> -> memref<1x16x2048xf32, #tpu.memory_space<hbm>>
    %dma_wait3A_1484 = tpu.memref_squeeze %dma_wait3A_1483 : memref<1x16x2048xf32, #tpu.memory_space<hbm>> -> memref<16x2048xf32, #tpu.memory_space<hbm>>
    %dma_wait3A_1485 = arith.constant 0 : i32
    %dma_wait3A_1486 = arith.constant 0 : i32
    %dma_wait3A_1487 = tpu.memref_slice %arg4[%dma_wait3A_1470, %dma_wait3A_1485, %dma_wait3A_1486] : memref<2x16x2048xf32, #tpu.memory_space<vmem>> -> memref<1x16x2048xf32, #tpu.memory_space<vmem>>
    %dma_wait3A_1488 = tpu.memref_squeeze %dma_wait3A_1487 : memref<1x16x2048xf32, #tpu.memory_space<vmem>> -> memref<16x2048xf32, #tpu.memory_space<vmem>>
    tpu.wait_dma2 semaphore(%dma_wait3A_1481 : memref<!tpu.dma_semaphore, #tpu.memory_space<semaphore_mem>>) src(%dma_wait3A_1488 : memref<16x2048xf32, #tpu.memory_space<vmem>>) dst(%dma_wait3A_1484 : memref<16x2048xf32, #tpu.memory_space<hbm>>)
    return
  }
}

</mosaic_0001>

<sc_bundles>
// kernel: kernel.3.cloned.1.call-start
scs
__scs_entry_jumppad:
0x0: {  	(pc) =	sbr.rel $0x88, $3  }
0x1: {  	(tag) =	ssettag $0x0;
	lr =	simm.s32 $0x1  }
0x2: {  	[smem:$0x3FA0] =	sst lr;
	_ =	strace $0xD0000000  }
0x3: {  	_ = 	snop  }
0x4: {  	_ = 	snop  }
0x5: {  	_ = 	snop  }
0x6: {  	_ = 	snop  }
0x7: {  	_ = 	snop  }
__scs_overlays_trampoline_lowered:
0x8: {  	[smem:$0x3FAF] =	sst s0  }
0x9: {  	[smem:$0x3FB0] =	sst s1  }
0xa: {  	[smem:$0x3FB1] =	sst s2  }
0xb: {  	[smem:$0x3FB2] =	sst s3  }
0xc: {  	[smem:$0x3FB3] =	sst s4  }
0xd: {  	[smem:$0x3FB4] =	sst s5  }
0xe: {  	[smem:$0x3FB5] =	sst s6  }
0xf: {  	[smem:$0x3FB6] =	sst s7  }
0x10: {  	[smem:$0x3FB7] =	sst s8  }
0x11: {  	[smem:$0x3FB8] =	sst s9;
	s0 =	simm.s32 @!p0 $0x0  }
0x12: {  	s1 =	sld [smem:$0x3F9E];
	s0 =	simm.s32 @p0 $0x1  }
0x13: {  	[smem:$0x3FB9] =	sst s0;
	s0 =	simm.s32 @!p1 $0x0  }
0x14: {  	s2 =	sld [smem:$0x3F9D];
	s0 =	simm.s32 @p1 $0x1  }
0x15: {  	[smem:$0x3FBA] =	sst s0;
	s0 =	simm.s32 @!p2 $0x0  }
0x16: {  	s3 =	sld [smem:$0x3FDB];
	s0 =	simm.s32 @p2 $0x1  }
0x17: {  	s4 =	simm.s32 $0x1BF5;
	[smem:$0x3FBC] =	sst s0  }
0x18: {  	s0 =	sld [smem:$0x3F9F];
	_ =	swait.ge [sflag:s4], $0x0  }
0x19: {  	s7 =	sld [smem:$0x3FA0]  }
0x1a: {  	s8 =	sadd.s32 $0xFFFFE003, lr  }
0x1b: {  	s9 =	sadd.s32 $0xFFFFFEF7, lr;
	s5 =	simm.s32 $0xFFFFFFFF;
	p2 =	slt.u32 s8, $0xFFFFF086  }
0x1c: {  	p1 =	slt.u32 s9, $0xF7A;
	s5 =	simm.s32 @!p2 $0x0  }
0x1d: {  	s5 =	simm.s32 @p1 $0x1;
	p0 =	seq.s32 s7, s2  }
0x1e: {  	s7 =	smul.u32 @!p0 $0xF7A, s2;
	p2 =	seq.s32 @!p0 s5, $0x0  }
0x1f: {  	s9 =	smul.u32 $0xF7A, s1;
	s8 =	simm.s32 @!p0 $0x1BF5;
	p2 =	por !p2, p0  }
0x20: {  	[sflag:s8] =	ssyncset.s32 @!p0 $0xFFFFF086;
	s6 =	sadd.s32 @!p0 s3, s7;
	s7 =	simm.s32 @!p0 $0x108  }
0x21: {  	s3 =	sadd.s32 s3, s9;
	s6 =	sadd.s32 @!p0 $0x88, s6;
	s7 =	simm.s32 @p2 $0x1082  }
0x22: {  	[simem:s7], [sflag:s8] =	dma.local @!p0 [hbm:s6], $0xF7A  }
0x23: {  	s9 =	sor.u32 $0xD0000000, s2;
	s6 =	simm.s32 $0x108;
	_ =	swait.ge @!p0 [sflag:s8], $0x0  }
0x24: {  	s3 =	sadd.s32 $0x88, s3;
	s6 =	simm.s32 @!p1 $0x1082;
	[sflag:s4] =	ssyncset.s32 $0xFFFFF086  }
0x25: {  	[simem:s6], [sflag:s4] =	dma.local [hbm:s3], $0xF7A  }
0x26: {  	[smem:$0x3FA0] =	sst s1;
	(tag) =	ssettag s2;
	_ =	strace s9  }
0x27: {  	s1 =	sld [smem:$0x3FB0]  }
0x28: {  	s2 =	sld [smem:$0x3FB1]  }
0x29: {  	s4 =	sld [smem:$0x3FB3]  }
0x2a: {  	p0 =	seq.s32 s5, $0x0;
	s5 =	sld [smem:$0x3FB4]  }
0x2b: {  	s6 =	sld [smem:$0x3FB5]  }
0x2c: {  	s7 =	sld [smem:$0x3FB6]  }
0x2d: {  	s3 =	simm.s32 $0x108;
	s8 =	sld [smem:$0x3FB7]  }
0x2e: {  	s3 =	simm.s32 @!p0 $0x1082;
	s9 =	sld [smem:$0x3FB8]  }
0x2f: {  	lr =	sadd.s32 s0, s3;
	s0 =	sld [smem:$0x3FAF]  }
0x30: {  	s3 =	sld [smem:$0x3FB2]  }
0x31: {  	[smem:$0x3FBB] =	sst s10  }
0x32: {  	s10 =	sld [smem:$0x3FB9];
	_ =	sdelay $0x3  }
0x33: {  	p0 =	seq.s32 s10, $0x1;
	s10 =	sld [smem:$0x3FBB];
	_ =	sdelay $0x3  }
0x34: {  	[smem:$0x3FBB] =	sst s10  }
0x35: {  	s10 =	sld [smem:$0x3FBA];
	_ =	sdelay $0x3  }
0x36: {  	p1 =	seq.s32 s10, $0x1;
	s10 =	sld [smem:$0x3FBB];
	_ =	sdelay $0x3  }
0x37: {  	[smem:$0x3FBB] =	sst s10  }
0x38: {  	s10 =	sld [smem:$0x3FBC]  }
0x39: {  	_ = 	snop;
	(pc) =	sbr.ind lr, $3  }
0x3a: {  	_ = 	snop  }
0x3b: {  	_ = 	snop  }
0x3c: {  	p2 =	seq.s32 s10, $0x1;
	s10 =	sld [smem:$0x3FBB]  }
0x3d: {  	_ =	shalt  }
0x3e: {  	_ =	shalt  }
0x3f: {  	_ =	shalt  }
0x40: {  	_ =	shalt  }
0x41: {  	_ =	shalt  }
0x42: {  	_ =	shalt  }
0x43: {  	_ =	shalt  }
0x44: {  	_ =	shalt  }
0x45: {  	_ =	shalt  }
0x46: {  	_ =	shalt  }
0x47: {  	_ =	shalt  }
0x48: {  	_ =	shalt  }
0x49: {  	_ =	shalt  }
0x4a: {  	_ =	shalt  }
0x4b: {  	_ =	shalt  }
0x4c: {  	_ =	shalt  }
0x4d: {  	_ =	shalt  }
0x4e: {  	_ =	shalt  }
0x4f: {  	_ =	shalt  }
0x50: {  	_ =	shalt  }
0x51: {  	_ =	shalt  }
0x52: {  	_ =	shalt  }
0x53: {  	_ =	shalt  }
0x54: {  	_ =	shalt  }
0x55: {  	_ =	shalt  }
0x56: {  	_ =	shalt  }
0x57: {  	_ =	shalt  }
0x58: {  	_ =	shalt  }
0x59: {  	_ =	shalt  }
0x5a: {  	_ =	shalt  }
0x5b: {  	_ =	shalt  }
0x5c: {  	_ =	shalt  }
0x5d: {  	_ =	shalt  }
0x5e: {  	_ =	shalt  }
0x5f: {  	_ =	shalt  }
0x60: {  	_ =	shalt  }
0x61: {  	_ =	shalt  }
0x62: {  	_ =	shalt  }
0x63: {  	_ =	shalt  }
0x64: {  	_ =	shalt  }
0x65: {  	_ =	shalt  }
0x66: {  	_ =	shalt  }
0x67: {  	_ =	shalt  }
0x68: {  	_ =	shalt  }
0x69: {  	_ =	shalt  }
0x6a: {  	_ =	shalt  }
0x6b: {  	_ =	shalt  }
0x6c: {  	_ =	shalt  }
0x6d: {  	_ =	shalt  }
0x6e: {  	_ =	shalt  }
0x6f: {  	_ =	shalt  }
0x70: {  	_ =	shalt  }
0x71: {  	_ =	shalt  }
0x72: {  	_ =	shalt  }
0x73: {  	_ =	shalt  }
0x74: {  	_ =	shalt  }
0x75: {  	_ =	shalt  }
0x76: {  	_ =	shalt  }
0x77: {  	_ =	shalt  }
0x78: {  	_ =	shalt  }
0x79: {  	_ =	shalt  }
0x7a: {  	_ =	shalt  }
0x7b: {  	_ =	shalt  }
0x7c: {  	_ =	shalt  }
0x7d: {  	_ =	shalt  }
0x7e: {  	_ =	shalt  }
0x7f: {  	_ =	shalt  }
0x80: {  	_ =	shalt  }
0x81: {  	_ =	shalt  }
0x82: {  	_ =	shalt  }
0x83: {  	_ =	shalt  }
0x84: {  	_ =	shalt  }
0x85: {  	_ =	shalt  }
0x86: {  	_ =	shalt  }
0x87: {  	_ =	shalt  }
.Lfunc_end0:
.L_simem_size_0:
called_computation_lowered:
.L_overlay_start_0:
0x88: {  	s2 =	sld [smem:$0x3FD9]  }
0x89: {  	s3 =	sld [smem:$0x3FFE];
	_ =	sdelay $0x1  }
0x8a: {  	s1 =	srdreg.scid  }
0x8b: {  	s0 =	sand.u32 $0x1, s1  }
0x8c: {  	s18 =	sshll.u32 s0, $0xA;
	s2 =	sadd.s32 s3, s2  }
0x8d: {  	s2 =	sadd.s32 s2, s18  }
0x8e: {  	[smem:$0x3FC7] =	sst s2  }
0x8f: {  	_ = 	snop  }
0x90: {  	s2 =	sld [smem:$0x3FC9]  }
0x91: {  	s19 =	sld [smem:$0x3FD0];
	(tm) =	ssettm $0x1  }
0x92: {  	s4 =	sld [smem:$0x3FFB];
	_ =	sdelay $0x3  }
0x93: {  	_ =	strace s4  }
0x94: {  	s4 =	sld [smem:$0x3FFC];
	_ =	sdelay $0x3  }
0x95: {  	_ =	strace s4  }
0x96: {  	s4 =	sld [smem:$0x3FFD];
	_ =	sdelay $0x3  }
0x97: {  	_ =	strace s4  }
0x98: {  	_ =	strace $0x8FFFFFFF  }
0x99: {  	s20 =	sld [smem:$0x3FDB];
	_ =	sdelay $0x1  }
0x9a: {  	s5 =	simm.s32 $_scs_section_size  }
0x9b: {  	s6 =	simm.s32 $_size__tile_overlayer_lowered;
	s7 =	simm.s32 $_tile_overlayer_lowered  }
0x9c: {  	s23 =	simm.s32 $0x1BFF;
	s22 =	sshll.u32 s7, $0x1;
	s4 =	sadd.s32 s5, s20  }
0x9d: {  	s8 =	simm.s32 $0x0;
	s21 =	sshll.u32 s6, $0x1;
	s6 =	sadd.s32 s22, s4  }
0x9e: {  	[timem:s8], [sflag:s23] =	dma.local [hbm:s6], s21  }
0x9f: {  	_ =	swait.ge [sflag:s23], s21  }
0xa0: {  	s5 =	ssub.s32 $0x0, s21;
	[sflag:s23] =	ssyncset.done $0x0  }
0xa1: {  	[sflag:s23] =	ssyncadd.s32 s5;
	_ =	sdelay $0x1  }
0xa2: {  	s24 =	simm.s32 $0x1B8B  }
0xa3: {  	_ =	swait.ge [sflag:s24], $0x1  }
0xa4: {  	[sflag:s24] =	ssyncset.done $0x0  }
0xa5: {  	s25 =	simm.s32 $0x1B8E;
	[sflag:s24] =	ssyncadd.s32 $0xFFFFFFFF  }
0xa6: {  	s26 =	simm.s32 $execute0_lowered;
	[smem:$0x3FD2] =	sst s25  }
0xa7: {  	s5 =	sshll.u32 s26, $0x1;
	_ =	strace $0x80000046;
	[dreg:$0x1] =	wrdreg $0xFFFFFFFF  }
0xa8: {  	s28 =	simm.s32 $_size_execute0_lowered;
	s4 =	sadd.s32 s4, s5;
	[dreg:$0x0] =	wrdreg $0x0  }
0xa9: {  	s5 =	sshll.u32 s28, $0x1;
	[dreg:$0x2] =	wrdreg s4  }
0xaa: {  	[dreg:$0x3] =	wrdreg s5  }
0xab: {  	[dreg:$0x4] =	wrdreg $0xC0  }
0xac: {  	_ =	task [dreg:s8], $0x5FFFF  }
0xad: {  	[dreg:$0x1] =	wrdreg $0xFFFFFFFF  }
0xae: {  	[dreg:$0x0] =	wrdreg $0x60  }
0xaf: {  	[dreg:$0x2] =	wrdreg s2  }
0xb0: {  	[dreg:$0x3] =	wrdreg s19  }
0xb1: {  	[dreg:$0x4] =	wrdreg $0x9  }
0xb2: {  	_ =	task.clear_ibuf [dreg:s8], $0x5FFFF;
	_ =	strace $0x90000046  }
0xb3: {  	s29 =	simm.s32 $0x9;
	_ =	strace $0x80000048  }
0xb4: {  	_ =	swait.ge [sflag:s29], $0x1  }
0xb5: {  	[sflag:s29] =	ssyncadd.s32 $0xFFFFFFFF  }
0xb6: {  	_ =	strace $0x90000048  }
0xb7: {  	_ =	sfence  }
0xb8: {  	s30 =	sld [smem:$0x0];
	_ =	sdelay $0x2  }
0xb9: {  	s31 =	sshll.u32 s1, $0xD;
	s1 =	sshrl.u32 s1, $0x2  }
0xba: {  	s3 =	sand.u32 $0x4000, s31;
	s1 =	sadd.s32 s1, s30  }
0xbb: {  	s0 =	sor.u32 s3, s0;
	s1 =	sshll.u32 s1, $0x11  }
0xbc: {  	s0 =	sor.u32 s1, s0  }
0xbd: {  	s0 =	sadd.s32 $0x8F2B, s0  }
0xbe: {  	[sflag:s0] =	ssyncadd.remote.s32 $0x1  }
0xbf: {  	_ =	sfence.sel $0xFFFF  }
0xc0: {  	[dreg:$0x0] =	wrdreg $0xFFFFFFFF;
	(pc) =	sbr.abs _section_cstart, $3  }
0xc1: {  	[dreg:$0x1] =	wrdreg $0xFFFFFFFF  }
0xc2: {  	_ =	task.clear_ibuf [dreg:s8], $0x2FFFF;
	_ =	strace $0x9FFFFFFF  }
0xc3: {  	(tm) =	ssettm $0x7FFFFFFF  }
tec
execute0_lowered:
.L_overlay_start_1:
0x0: {  	(tag) =	ssettag $0x1  }
0x1: {  	s1 =	srdreg.scid  }
0x2: {  	s4 =	stileid.u32;
	s1 =	sand.u32 $0x1, s1  }
0x3: {  	s0 =	rddreg [dreg:$0x0];
	s4 =	sshll.u32 s4, $0x10;
	s5 =	sshll.u32 s1, $0xF  }
0x4: {  	s3 =	rddreg [dreg:$0x1];
	s2 =	simm.s32 $0x0;
	s4 =	sor.u32 s5, s4  }
0x5: {  	[smem:$0x7FF] =	sst s2;
	s5 =	sadd.s32 s0, s4;
	s6 =	sadd.s32 s3, s4  }
0x6: {  	_ =	strace $0x80000047;
	[dreg:$0x3] =	wrdreg s5;
	s12 =	sadd.s32 $0x100000, s6  }
0x7: {  	s13 =	sadd.s32 $0x200000, s6;
	[dreg:$0x4] =	wrdreg s12  }
0x8: {  	s7 =	sor.u32 $0x1000, s4;
	s14 =	sadd.s32 $0x300000, s6;
	[dreg:$0x5] =	wrdreg s13  }
0x9: {  	s15 =	sadd.s32 s0, s7;
	[dreg:$0x6] =	wrdreg s14  }
0xa: {  	p0 =	por $0x0, $0x0;
	s16 =	sadd.s32 s3, s7;
	[dreg:$0x7] =	wrdreg s15  }
0xb: {  	s31 =	simm.s32 $0x8000;
	s17 =	sadd.s32 $0x101000, s6;
	[dreg:$0x8] =	wrdreg s16  }
0xc: {  	s1 =	ssub.s32 $0x2, s1;
	s18 =	sadd.s32 $0x201000, s6;
	[dreg:$0x9] =	wrdreg s17  }
0xd: {  	s20 =	sor.u32 $0x2000, s4;
	s19 =	sadd.s32 $0x301000, s6;
	[dreg:$0xa] =	wrdreg s18  }
0xe: {  	s10 =	sshrl.u32 s1, $0x1;
	s21 =	sadd.s32 s0, s20;
	[dreg:$0xb] =	wrdreg s19  }
0xf: {  	s26 =	sor.u32 $0x3000, s4;
	s22 =	sadd.s32 s3, s20;
	[dreg:$0xc] =	wrdreg s21  }
0x10: {  	s1 =	ssub.s32 s1, s10;
	s23 =	sadd.s32 $0x102000, s6;
	[dreg:$0xd] =	wrdreg s22  }
0x11: {  	s24 =	sadd.s32 $0x202000, s6;
	s25 =	sadd.s32 $0x302000, s6;
	[dreg:$0xe] =	wrdreg s23  }
0x12: {  	s8 =	sadd.s32 s0, s26;
	s9 =	sadd.s32 s3, s26;
	[dreg:$0xf] =	wrdreg s24  }
0x13: {  	s11 =	sadd.s32 $0x103000, s6;
	s29 =	sadd.s32 $0x203000, s6;
	[dreg:$0x10] =	wrdreg s25  }
0x14: {  	s30 =	sadd.s32 $0x303000, s6;
	s26 =	sadd.s32 $0x304000, s6;
	[dreg:$0x11] =	wrdreg s8  }
0x15: {  	s20 =	sadd.s32 $0x305000, s6;
	s7 =	sadd.s32 $0x107000, s6;
	[dreg:$0x12] =	wrdreg s9  }
0x16: {  	[dreg:$0x13] =	wrdreg s11;
	s12 =	sor.u32 $0x4000, s4;
	s24 =	sadd.s32 $0x104000, s6  }
0x17: {  	s25 =	sadd.s32 $0x204000, s6;
	s13 =	sor.u32 $0x5000, s4;
	s18 =	sadd.s32 $0x105000, s6  }
0x18: {  	s19 =	sadd.s32 $0x205000, s6;
	s14 =	sor.u32 $0x6000, s4;
	s15 =	sadd.s32 $0x106000, s6  }
0x19: {  	s4 =	sor.u32 $0x7000, s4;
	s21 =	smax.u32 s1, $0x1;
	s8 =	sadd.s32 $0x307000, s6  }
0x1a: {  	s11 =	simm.s32 $0x2;
	s1 =	rddreg [dreg:$0x3];
	s28 =	sadd.s32 s0, s12  }
0x1b: {  	s23 =	sadd.s32 s3, s12;
	s22 =	sadd.s32 s0, s13;
	p1 =	sne.s32 s21, $0x1  }
.Ltmp0:
0x1c: {  	s17 =	sadd.s32 s3, s13;
	s16 =	sadd.s32 s0, s14;
	(pc) =	sbr.rel @!p1 .LBB2_3-.Ltmp0, $4  }
0x1d: {  	s5 =	sadd.s32 s3, s14;
	[dreg:$0x16] =	wrdreg s15;
	s14 =	sadd.s32 $0x206000, s6  }
0x1e: {  	s15 =	sadd.s32 $0x306000, s6;
	s9 =	sadd.s32 s0, s4;
	s13 =	sadd.s32 $0x207000, s6  }
0x1f: {  	s10 =	sadd.s32 $0xFFFFFFFF, s21;
	s21 =	simm.s32 $0x1;
	[dreg:$0x15] =	wrdreg s5  }
0x20: {  	s5 =	sadd.s32 s3, s4;
	s4 =	simm.s32 $0x3;
	s3 =	simm.s32 $0x4  }
0x21: {  	[tilespmem:s2], [sflag:$0x1] =	stream.linear.gather [hbm4b:s1+s2], $0x8000, $0x38;
	[tilespmem:$0x10000] =	vst v63  }
0x22: {  	_ =	swait.ge [sflag:s21], $0x8000  }
0x23: {  	[sflag:s21] =	ssyncset.done $0x0  }
0x24: {  	[sflag:s21] =	ssyncadd.s32 $0xFFFF8000  }
0x25: {  	[hbm4b:s6+s2] =	stream.linear.scatter [tilespmem:s2], [sflag:$0x3], $0x8000, $0x38;
	[tilespmem:$0x10000] =	vst v63  }
0x26: {  	s12 =	rddreg [dreg:$0x4]  }
0x27: {  	[hbm4b:s12+s2] =	stream.linear.scatter [tilespmem:s2], [sflag:$0x3], $0x8000, $0x38;
	[tilespmem:$0x10000] =	vst v63  }
0x28: {  	s0 =	rddreg [dreg:$0x5]  }
0x29: {  	[hbm4b:s0+s2] =	stream.linear.scatter [tilespmem:s2], [sflag:$0x3], $0x8000, $0x38;
	[tilespmem:$0x10000] =	vst v63  }
0x2a: {  	s1 =	rddreg [dreg:$0x6]  }
0x2b: {  	[hbm4b:s1+s2] =	stream.linear.scatter [tilespmem:s2], [sflag:$0x3], $0x8000, $0x38;
	[tilespmem:$0x10000] =	vst v63  }
0x2c: {  	s12 =	rddreg [dreg:$0x7]  }
0x2d: {  	[tilespmem:s31], [sflag:$0x2] =	stream.linear.gather [hbm4b:s12+s2], $0x8000, $0x38;
	[tilespmem:$0x10000] =	vst v63  }
0x2e: {  	_ =	swait.ge [sflag:s11], $0x8000  }
0x2f: {  	[sflag:s11] =	ssyncset.done $0x0  }
0x30: {  	s1 =	rddreg [dreg:$0x8];
	[sflag:s11] =	ssyncadd.s32 $0xFFFF8000  }
0x31: {  	[hbm4b:s1+s2] =	stream.linear.scatter [tilespmem:s31], [sflag:$0x4], $0x8000, $0x38;
	[tilespmem:$0x10000] =	vst v63  }
0x32: {  	s12 =	rddreg [dreg:$0x9]  }
0x33: {  	[hbm4b:s12+s2] =	stream.linear.scatter [tilespmem:s31], [sflag:$0x4], $0x8000, $0x38;
	[tilespmem:$0x10000] =	vst v63  }
0x34: {  	s0 =	rddreg [dreg:$0xa]  }
0x35: {  	[hbm4b:s0+s2] =	stream.linear.scatter [tilespmem:s31], [sflag:$0x4], $0x8000, $0x38;
	[tilespmem:$0x10000] =	vst v63  }
0x36: {  	s12 =	rddreg [dreg:$0xb]  }
0x37: {  	[hbm4b:s12+s2] =	stream.linear.scatter [tilespmem:s31], [sflag:$0x4], $0x8000, $0x38;
	[tilespmem:$0x10000] =	vst v63  }
0x38: {  	_ =	swait.ge [sflag:s4], $0x8000  }
0x39: {  	[sflag:s4] =	ssyncset.done $0x0  }
0x3a: {  	[sflag:s4] =	ssyncadd.s32 $0xFFFF8000  }
0x3b: {  	_ =	swait.ge [sflag:s4], $0x8000  }
0x3c: {  	[sflag:s4] =	ssyncset.done $0x0  }
0x3d: {  	[sflag:s4] =	ssyncadd.s32 $0xFFFF8000  }
0x3e: {  	_ =	swait.ge [sflag:s4], $0x8000  }
0x3f: {  	[sflag:s4] =	ssyncset.done $0x0  }
0x40: {  	[sflag:s4] =	ssyncadd.s32 $0xFFFF8000  }
0x41: {  	_ =	swait.ge [sflag:s4], $0x8000  }
0x42: {  	[sflag:s4] =	ssyncset.done $0x0  }
0x43: {  	s12 =	rddreg [dreg:$0xc];
	[sflag:s4] =	ssyncadd.s32 $0xFFFF8000  }
0x44: {  	[tilespmem:s2], [sflag:$0x1] =	stream.linear.gather [hbm4b:s12+s2], $0x8000, $0x38;
	[tilespmem:$0x10000] =	vst v63  }
0x45: {  	_ =	swait.ge [sflag:s21], $0x8000  }
0x46: {  	[sflag:s21] =	ssyncset.done $0x0  }
0x47: {  	s1 =	rddreg [dreg:$0xd];
	[sflag:s21] =	ssyncadd.s32 $0xFFFF8000  }
0x48: {  	[hbm4b:s1+s2] =	stream.linear.scatter [tilespmem:s2], [sflag:$0x3], $0x8000, $0x38;
	[tilespmem:$0x10000] =	vst v63  }
0x49: {  	s12 =	rddreg [dreg:$0xe]  }
0x4a: {  	[hbm4b:s12+s2] =	stream.linear.scatter [tilespmem:s2], [sflag:$0x3], $0x8000, $0x38;
	[tilespmem:$0x10000] =	vst v63  }
0x4b: {  	s0 =	rddreg [dreg:$0xf]  }
0x4c: {  	[hbm4b:s0+s2] =	stream.linear.scatter [tilespmem:s2], [sflag:$0x3], $0x8000, $0x38;
	[tilespmem:$0x10000] =	vst v63  }
0x4d: {  	s12 =	rddreg [dreg:$0x10]  }
0x4e: {  	[hbm4b:s12+s2] =	stream.linear.scatter [tilespmem:s2], [sflag:$0x3], $0x8000, $0x38;
	[tilespmem:$0x10000] =	vst v63  }
0x4f: {  	_ =	swait.ge [sflag:s3], $0x8000  }
0x50: {  	[sflag:s3] =	ssyncset.done $0x0  }
0x51: {  	[sflag:s3] =	ssyncadd.s32 $0xFFFF8000  }
0x52: {  	_ =	swait.ge [sflag:s3], $0x8000  }
0x53: {  	[sflag:s3] =	ssyncset.done $0x0  }
0x54: {  	[sflag:s3] =	ssyncadd.s32 $0xFFFF8000  }
0x55: {  	_ =	swait.ge [sflag:s3], $0x8000  }
0x56: {  	[sflag:s3] =	ssyncset.done $0x0  }
0x57: {  	[sflag:s3] =	ssyncadd.s32 $0xFFFF8000  }
0x58: {  	_ =	swait.ge [sflag:s3], $0x8000  }
0x59: {  	[sflag:s3] =	ssyncset.done $0x0  }
0x5a: {  	s12 =	rddreg [dreg:$0x11];
	[sflag:s3] =	ssyncadd.s32 $0xFFFF8000  }
0x5b: {  	[tilespmem:s31], [sflag:$0x2] =	stream.linear.gather [hbm4b:s12+s2], $0x8000, $0x38;
	[tilespmem:$0x10000] =	vst v63  }
0x5c: {  	_ =	swait.ge [sflag:s11], $0x8000  }
0x5d: {  	[sflag:s11] =	ssyncset.done $0x0  }
0x5e: {  	s1 =	rddreg [dreg:$0x12];
	[sflag:s11] =	ssyncadd.s32 $0xFFFF8000  }
0x5f: {  	[hbm4b:s1+s2] =	stream.linear.scatter [tilespmem:s31], [sflag:$0x4], $0x8000, $0x38;
	[tilespmem:$0x10000] =	vst v63  }
0x60: {  	s12 =	rddreg [dreg:$0x13]  }
0x61: {  	[hbm4b:s12+s2] =	stream.linear.scatter [tilespmem:s31], [sflag:$0x4], $0x8000, $0x38;
	[tilespmem:$0x10000] =	vst v63  }
0x62: {  	_ = 	snop  }
0x63: {  	[hbm4b:s29+s2] =	stream.linear.scatter [tilespmem:s31], [sflag:$0x4], $0x8000, $0x38;
	[tilespmem:$0x10000] =	vst v63  }
0x64: {  	_ = 	snop  }
0x65: {  	[hbm4b:s30+s2] =	stream.linear.scatter [tilespmem:s31], [sflag:$0x4], $0x8000, $0x38;
	[tilespmem:$0x10000] =	vst v63  }
0x66: {  	_ =	swait.ge [sflag:s4], $0x8000  }
0x67: {  	[sflag:s4] =	ssyncset.done $0x0  }
0x68: {  	[sflag:s4] =	ssyncadd.s32 $0xFFFF8000  }
0x69: {  	_ =	swait.ge [sflag:s4], $0x8000  }
0x6a: {  	[sflag:s4] =	ssyncset.done $0x0  }
0x6b: {  	[sflag:s4] =	ssyncadd.s32 $0xFFFF8000  }
0x6c: {  	_ =	swait.ge [sflag:s4], $0x8000  }
0x6d: {  	[sflag:s4] =	ssyncset.done $0x0  }
0x6e: {  	[sflag:s4] =	ssyncadd.s32 $0xFFFF8000  }
0x6f: {  	_ =	swait.ge [sflag:s4], $0x8000  }
0x70: {  	[sflag:s4] =	ssyncset.done $0x0  }
0x71: {  	[sflag:s4] =	ssyncadd.s32 $0xFFFF8000  }
0x72: {  	[tilespmem:s2], [sflag:$0x1] =	stream.linear.gather [hbm4b:s28+s2], $0x8000, $0x38;
	[tilespmem:$0x10000] =	vst v63  }
0x73: {  	_ =	swait.ge [sflag:s21], $0x8000  }
0x74: {  	[sflag:s21] =	ssyncset.done $0x0  }
0x75: {  	[sflag:s21] =	ssyncadd.s32 $0xFFFF8000  }
0x76: {  	[hbm4b:s23+s2] =	stream.linear.scatter [tilespmem:s2], [sflag:$0x3], $0x8000, $0x38;
	[tilespmem:$0x10000] =	vst v63  }
0x77: {  	_ = 	snop  }
0x78: {  	[hbm4b:s24+s2] =	stream.linear.scatter [tilespmem:s2], [sflag:$0x3], $0x8000, $0x38;
	[tilespmem:$0x10000] =	vst v63  }
0x79: {  	_ = 	snop  }
0x7a: {  	[hbm4b:s25+s2] =	stream.linear.scatter [tilespmem:s2], [sflag:$0x3], $0x8000, $0x38;
	[tilespmem:$0x10000] =	vst v63  }
0x7b: {  	_ = 	snop  }
0x7c: {  	[hbm4b:s26+s2] =	stream.linear.scatter [tilespmem:s2], [sflag:$0x3], $0x8000, $0x38;
	[tilespmem:$0x10000] =	vst v63  }
0x7d: {  	_ =	swait.ge [sflag:s3], $0x8000  }
0x7e: {  	[sflag:s3] =	ssyncset.done $0x0  }
0x7f: {  	[sflag:s3] =	ssyncadd.s32 $0xFFFF8000  }
0x80: {  	_ =	swait.ge [sflag:s3], $0x8000  }
0x81: {  	[sflag:s3] =	ssyncset.done $0x0  }
0x82: {  	[sflag:s3] =	ssyncadd.s32 $0xFFFF8000  }
0x83: {  	_ =	swait.ge [sflag:s3], $0x8000  }
0x84: {  	[sflag:s3] =	ssyncset.done $0x0  }
0x85: {  	[sflag:s3] =	ssyncadd.s32 $0xFFFF8000  }
0x86: {  	_ =	swait.ge [sflag:s3], $0x8000  }
0x87: {  	[sflag:s3] =	ssyncset.done $0x0  }
0x88: {  	[sflag:s3] =	ssyncadd.s32 $0xFFFF8000  }
0x89: {  	[tilespmem:s31], [sflag:$0x2] =	stream.linear.gather [hbm4b:s22+s2], $0x8000, $0x38;
	[tilespmem:$0x10000] =	vst v63  }
0x8a: {  	_ =	swait.ge [sflag:s11], $0x8000  }
0x8b: {  	[sflag:s11] =	ssyncset.done $0x0  }
0x8c: {  	[sflag:s11] =	ssyncadd.s32 $0xFFFF8000  }
0x8d: {  	[hbm4b:s17+s2] =	stream.linear.scatter [tilespmem:s31], [sflag:$0x4], $0x8000, $0x38;
	[tilespmem:$0x10000] =	vst v63  }
0x8e: {  	_ = 	snop  }
0x8f: {  	[hbm4b:s18+s2] =	stream.linear.scatter [tilespmem:s31], [sflag:$0x4], $0x8000, $0x38;
	[tilespmem:$0x10000] =	vst v63  }
0x90: {  	_ = 	snop  }
0x91: {  	[hbm4b:s19+s2] =	stream.linear.scatter [tilespmem:s31], [sflag:$0x4], $0x8000, $0x38;
	[tilespmem:$0x10000] =	vst v63  }
0x92: {  	_ = 	snop  }
0x93: {  	[hbm4b:s20+s2] =	stream.linear.scatter [tilespmem:s31], [sflag:$0x4], $0x8000, $0x38;
	[tilespmem:$0x10000] =	vst v63  }
0x94: {  	_ =	swait.ge [sflag:s4], $0x8000  }
0x95: {  	[sflag:s4] =	ssyncset.done $0x0  }
0x96: {  	[sflag:s4] =	ssyncadd.s32 $0xFFFF8000  }
0x97: {  	_ =	swait.ge [sflag:s4], $0x8000  }
0x98: {  	[sflag:s4] =	ssyncset.done $0x0  }
0x99: {  	[sflag:s4] =	ssyncadd.s32 $0xFFFF8000  }
0x9a: {  	_ =	swait.ge [sflag:s4], $0x8000  }
0x9b: {  	[sflag:s4] =	ssyncset.done $0x0  }
0x9c: {  	[sflag:s4] =	ssyncadd.s32 $0xFFFF8000  }
0x9d: {  	_ =	swait.ge [sflag:s4], $0x8000  }
0x9e: {  	[sflag:s4] =	ssyncset.done $0x0  }
0x9f: {  	[sflag:s4] =	ssyncadd.s32 $0xFFFF8000  }
0xa0: {  	[tilespmem:s2], [sflag:$0x1] =	stream.linear.gather [hbm4b:s16+s2], $0x8000, $0x38;
	[tilespmem:$0x10000] =	vst v63  }
0xa1: {  	_ =	swait.ge [sflag:s21], $0x8000  }
0xa2: {  	[sflag:s21] =	ssyncset.done $0x0  }
0xa3: {  	s1 =	rddreg [dreg:$0x15];
	[sflag:s21] =	ssyncadd.s32 $0xFFFF8000  }
0xa4: {  	[hbm4b:s1+s2] =	stream.linear.scatter [tilespmem:s2], [sflag:$0x3], $0x8000, $0x38;
	[tilespmem:$0x10000] =	vst v63  }
0xa5: {  	s12 =	rddreg [dreg:$0x16]  }
0xa6: {  	[hbm4b:s12+s2] =	stream.linear.scatter [tilespmem:s2], [sflag:$0x3], $0x8000, $0x38;
	[tilespmem:$0x10000] =	vst v63  }
0xa7: {  	_ = 	snop  }
0xa8: {  	[hbm4b:s14+s2] =	stream.linear.scatter [tilespmem:s2], [sflag:$0x3], $0x8000, $0x38;
	[tilespmem:$0x10000] =	vst v63  }
0xa9: {  	_ = 	snop  }
0xaa: {  	[hbm4b:s15+s2] =	stream.linear.scatter [tilespmem:s2], [sflag:$0x3], $0x8000, $0x38;
	[tilespmem:$0x10000] =	vst v63  }
0xab: {  	_ =	swait.ge [sflag:s3], $0x8000  }
0xac: {  	[sflag:s3] =	ssyncset.done $0x0  }
0xad: {  	[sflag:s3] =	ssyncadd.s32 $0xFFFF8000  }
0xae: {  	_ =	swait.ge [sflag:s3], $0x8000  }
0xaf: {  	[sflag:s3] =	ssyncset.done $0x0  }
0xb0: {  	[sflag:s3] =	ssyncadd.s32 $0xFFFF8000  }
0xb1: {  	_ =	swait.ge [sflag:s3], $0x8000  }
0xb2: {  	[sflag:s3] =	ssyncset.done $0x0  }
0xb3: {  	[sflag:s3] =	ssyncadd.s32 $0xFFFF8000  }
0xb4: {  	_ =	swait.ge [sflag:s3], $0x8000  }
0xb5: {  	[sflag:s3] =	ssyncset.done $0x0  }
0xb6: {  	[sflag:s3] =	ssyncadd.s32 $0xFFFF8000  }
0xb7: {  	[tilespmem:s31], [sflag:$0x2] =	stream.linear.gather [hbm4b:s9+s2], $0x8000, $0x38;
	[tilespmem:$0x10000] =	vst v63  }
0xb8: {  	_ =	swait.ge [sflag:s11], $0x8000  }
0xb9: {  	[sflag:s11] =	ssyncset.done $0x0  }
0xba: {  	[sflag:s11] =	ssyncadd.s32 $0xFFFF8000  }
0xbb: {  	[hbm4b:s5+s2] =	stream.linear.scatter [tilespmem:s31], [sflag:$0x4], $0x8000, $0x38;
	[tilespmem:$0x10000] =	vst v63  }
0xbc: {  	_ = 	snop  }
0xbd: {  	[hbm4b:s7+s2] =	stream.linear.scatter [tilespmem:s31], [sflag:$0x4], $0x8000, $0x38;
	[tilespmem:$0x10000] =	vst v63  }
0xbe: {  	_ = 	snop  }
0xbf: {  	[hbm4b:s13+s2] =	stream.linear.scatter [tilespmem:s31], [sflag:$0x4], $0x8000, $0x38;
	[tilespmem:$0x10000] =	vst v63  }
0xc0: {  	_ = 	snop  }
0xc1: {  	[hbm4b:s8+s2] =	stream.linear.scatter [tilespmem:s31], [sflag:$0x4], $0x8000, $0x38;
	[tilespmem:$0x10000] =	vst v63  }
0xc2: {  	_ =	swait.ge [sflag:s4], $0x8000  }
0xc3: {  	[sflag:s4] =	ssyncset.done $0x0  }
0xc4: {  	[sflag:s4] =	ssyncadd.s32 $0xFFFF8000  }
0xc5: {  	_ =	swait.ge [sflag:s4], $0x8000  }
0xc6: {  	[sflag:s4] =	ssyncset.done $0x0  }
0xc7: {  	[sflag:s4] =	ssyncadd.s32 $0xFFFF8000  }
0xc8: {  	_ =	swait.ge [sflag:s4], $0x8000  }
0xc9: {  	[sflag:s4] =	ssyncset.done $0x0  }
0xca: {  	[sflag:s4] =	ssyncadd.s32 $0xFFFF8000  }
0xcb: {  	_ =	swait.ge [sflag:s4], $0x8000  }
0xcc: {  	[sflag:s4] =	ssyncset.done $0x0  }
0xcd: {  	[sflag:s4] =	ssyncadd.s32 $0xFFFF8000  }
0xce: {  	_ =	swait.ge [sflag:s3], $0x8000  }
0xcf: {  	[sflag:s3] =	ssyncset.done $0x0  }
0xd0: {  	[sflag:s3] =	ssyncadd.s32 $0xFFFF8000  }
0xd1: {  	_ =	swait.ge [sflag:s3], $0x8000  }
0xd2: {  	[sflag:s3] =	ssyncset.done $0x0  }
0xd3: {  	p1 =	sne.s32 s10, $0x1;
	[sflag:s3] =	ssyncadd.s32 $0xFFFF8000  }
.Ltmp1:
0xd4: {  	_ =	swait.ge [sflag:s3], $0x8000;
	(pc) =	sbr.rel @!p1 .LBB2_3-.Ltmp1, $4  }
0xd5: {  	[sflag:s3] =	ssyncset.done $0x0  }
0xd6: {  	[sflag:s3] =	ssyncadd.s32 $0xFFFF8000  }
0xd7: {  	p0 =	por $0x1, $0x1;
	_ =	swait.ge [sflag:s3], $0x8000;
	[dreg:$0x14] =	wrdreg s6  }
0xd8: {  	s0 =	sadd.s32 $0xFFFFFFFF, s10;
	s1 =	rddreg [dreg:$0x3];
	[sflag:s3] =	ssyncset.done $0x0  }
.LBB2_2:
0xd9: {  	[sflag:s3] =	ssyncadd.s32 $0xFFFF8000  }
0xda: {  	s11 =	smov.u32 s30;
	s30 =	smov.u32 s29;
	s29 =	smov.u32 s28  }
0xdb: {  	[tilespmem:s2], [sflag:$0x1] =	stream.linear.gather [hbm4b:s1+s2], $0x8000, $0x38;
	[tilespmem:$0x10000] =	vst v63  }
0xdc: {  	s28 =	smov.u32 s26;
	s26 =	smov.u32 s25;
	_ =	swait.ge [sflag:s21], $0x8000  }
0xdd: {  	s25 =	smov.u32 s24;
	s24 =	smov.u32 s23;
	[sflag:s21] =	ssyncset.done $0x0  }
0xde: {  	s23 =	smov.u32 s22;
	s22 =	smov.u32 s20;
	[sflag:s21] =	ssyncadd.s32 $0xFFFF8000  }
0xdf: {  	[hbm4b:s6+s2] =	stream.linear.scatter [tilespmem:s2], [sflag:$0x3], $0x8000, $0x38;
	[tilespmem:$0x10000] =	vst v63  }
0xe0: {  	s20 =	smov.u32 s19;
	s19 =	smov.u32 s18;
	s12 =	rddreg [dreg:$0x4]  }
0xe1: {  	[hbm4b:s12+s2] =	stream.linear.scatter [tilespmem:s2], [sflag:$0x3], $0x8000, $0x38;
	[tilespmem:$0x10000] =	vst v63  }
0xe2: {  	s18 =	smov.u32 s17;
	s17 =	smov.u32 s16;
	s16 =	rddreg [dreg:$0x5]  }
0xe3: {  	[hbm4b:s16+s2] =	stream.linear.scatter [tilespmem:s2], [sflag:$0x3], $0x8000, $0x38;
	[tilespmem:$0x10000] =	vst v63  }
0xe4: {  	s12 =	rddreg [dreg:$0x6]  }
0xe5: {  	[hbm4b:s12+s2] =	stream.linear.scatter [tilespmem:s2], [sflag:$0x3], $0x8000, $0x38;
	[tilespmem:$0x10000] =	vst v63  }
0xe6: {  	s21 =	simm.s32 $0x2;
	s16 =	rddreg [dreg:$0x7]  }
0xe7: {  	[tilespmem:s31], [sflag:$0x2] =	stream.linear.gather [hbm4b:s16+s2], $0x8000, $0x38;
	[tilespmem:$0x10000] =	vst v63  }
0xe8: {  	_ =	swait.ge [sflag:s21], $0x8000  }
0xe9: {  	[sflag:s21] =	ssyncset.done $0x0  }
0xea: {  	s6 =	smov.u32 s5;
	s5 =	rddreg [dreg:$0x8];
	[sflag:s21] =	ssyncadd.s32 $0xFFFF8000  }
0xeb: {  	[hbm4b:s5+s2] =	stream.linear.scatter [tilespmem:s31], [sflag:$0x4], $0x8000, $0x38;
	[tilespmem:$0x10000] =	vst v63  }
0xec: {  	s12 =	rddreg [dreg:$0x9]  }
0xed: {  	[hbm4b:s12+s2] =	stream.linear.scatter [tilespmem:s31], [sflag:$0x4], $0x8000, $0x38;
	[tilespmem:$0x10000] =	vst v63  }
0xee: {  	s16 =	rddreg [dreg:$0xa]  }
0xef: {  	[hbm4b:s16+s2] =	stream.linear.scatter [tilespmem:s31], [sflag:$0x4], $0x8000, $0x38;
	[tilespmem:$0x10000] =	vst v63  }
0xf0: {  	s12 =	rddreg [dreg:$0xb]  }
0xf1: {  	[hbm4b:s12+s2] =	stream.linear.scatter [tilespmem:s31], [sflag:$0x4], $0x8000, $0x38;
	[tilespmem:$0x10000] =	vst v63  }
0xf2: {  	_ =	swait.ge [sflag:s4], $0x8000  }
0xf3: {  	[sflag:s4] =	ssyncset.done $0x0  }
0xf4: {  	[sflag:s4] =	ssyncadd.s32 $0xFFFF8000  }
0xf5: {  	_ =	swait.ge [sflag:s4], $0x8000  }
0xf6: {  	[sflag:s4] =	ssyncset.done $0x0  }
0xf7: {  	[sflag:s4] =	ssyncadd.s32 $0xFFFF8000  }
0xf8: {  	_ =	swait.ge [sflag:s4], $0x8000  }
0xf9: {  	[sflag:s4] =	ssyncset.done $0x0  }
0xfa: {  	[sflag:s4] =	ssyncadd.s32 $0xFFFF8000  }
0xfb: {  	_ =	swait.ge [sflag:s4], $0x8000  }
0xfc: {  	[sflag:s4] =	ssyncset.done $0x0  }
0xfd: {  	s10 =	simm.s32 $0x1;
	s16 =	rddreg [dreg:$0xc];
	[sflag:s4] =	ssyncadd.s32 $0xFFFF8000  }
0xfe: {  	[tilespmem:s2], [sflag:$0x1] =	stream.linear.gather [hbm4b:s16+s2], $0x8000, $0x38;
	[tilespmem:$0x10000] =	vst v63  }
0xff: {  	_ =	swait.ge [sflag:s10], $0x8000  }
0x100: {  	[sflag:s10] =	ssyncset.done $0x0  }
0x101: {  	s5 =	rddreg [dreg:$0xd];
	[sflag:s10] =	ssyncadd.s32 $0xFFFF8000  }
0x102: {  	[hbm4b:s5+s2] =	stream.linear.scatter [tilespmem:s2], [sflag:$0x3], $0x8000, $0x38;
	[tilespmem:$0x10000] =	vst v63  }
0x103: {  	s10 =	rddreg [dreg:$0xe]  }
0x104: {  	[hbm4b:s10+s2] =	stream.linear.scatter [tilespmem:s2], [sflag:$0x3], $0x8000, $0x38;
	[tilespmem:$0x10000] =	vst v63  }
0x105: {  	s12 =	rddreg [dreg:$0xf]  }
0x106: {  	[hbm4b:s12+s2] =	stream.linear.scatter [tilespmem:s2], [sflag:$0x3], $0x8000, $0x38;
	[tilespmem:$0x10000] =	vst v63  }
0x107: {  	s16 =	rddreg [dreg:$0x10]  }
0x108: {  	[hbm4b:s16+s2] =	stream.linear.scatter [tilespmem:s2], [sflag:$0x3], $0x8000, $0x38;
	[tilespmem:$0x10000] =	vst v63  }
0x109: {  	_ =	swait.ge [sflag:s3], $0x8000  }
0x10a: {  	[sflag:s3] =	ssyncset.done $0x0  }
0x10b: {  	[sflag:s3] =	ssyncadd.s32 $0xFFFF8000  }
0x10c: {  	_ =	swait.ge [sflag:s3], $0x8000  }
0x10d: {  	[sflag:s3] =	ssyncset.done $0x0  }
0x10e: {  	[sflag:s3] =	ssyncadd.s32 $0xFFFF8000  }
0x10f: {  	_ =	swait.ge [sflag:s3], $0x8000  }
0x110: {  	[sflag:s3] =	ssyncset.done $0x0  }
0x111: {  	[sflag:s3] =	ssyncadd.s32 $0xFFFF8000  }
0x112: {  	_ =	swait.ge [sflag:s3], $0x8000  }
0x113: {  	[sflag:s3] =	ssyncset.done $0x0  }
0x114: {  	s10 =	rddreg [dreg:$0x11];
	[sflag:s3] =	ssyncadd.s32 $0xFFFF8000  }
0x115: {  	[tilespmem:s31], [sflag:$0x2] =	stream.linear.gather [hbm4b:s10+s2], $0x8000, $0x38;
	[tilespmem:$0x10000] =	vst v63  }
0x116: {  	_ =	swait.ge [sflag:s21], $0x8000  }
0x117: {  	s12 =	rddreg [dreg:$0x12];
	[sflag:s21] =	ssyncset.done $0x0  }
0x118: {  	s16 =	rddreg [dreg:$0x13];
	[sflag:s21] =	ssyncadd.s32 $0xFFFF8000  }
0x119: {  	[hbm4b:s12+s2] =	stream.linear.scatter [tilespmem:s31], [sflag:$0x4], $0x8000, $0x38;
	[tilespmem:$0x10000] =	vst v63  }
0x11a: {  	s5 =	smov.u32 s9;
	s9 =	rddreg [dreg:$0x15]  }
0x11b: {  	[hbm4b:s16+s2] =	stream.linear.scatter [tilespmem:s31], [sflag:$0x4], $0x8000, $0x38;
	[tilespmem:$0x10000] =	vst v63  }
0x11c: {  	s16 =	smov.u32 s17;
	s17 =	smov.u32 s18;
	s18 =	smov.u32 s19  }
0x11d: {  	s19 =	smov.u32 s20;
	s20 =	smov.u32 s22;
	s22 =	smov.u32 s23  }
0x11e: {  	s23 =	smov.u32 s24;
	s24 =	smov.u32 s25;
	s25 =	smov.u32 s26  }
0x11f: {  	s26 =	smov.u32 s28;
	s28 =	smov.u32 s29;
	s29 =	smov.u32 s30  }
0x120: {  	[hbm4b:s29+s2] =	stream.linear.scatter [tilespmem:s31], [sflag:$0x4], $0x8000, $0x38;
	[tilespmem:$0x10000] =	vst v63  }
0x121: {  	s1 =	smov.u32 s6;
	s6 =	rddreg [dreg:$0x14];
	s30 =	smov.u32 s11  }
0x122: {  	[hbm4b:s30+s2] =	stream.linear.scatter [tilespmem:s31], [sflag:$0x4], $0x8000, $0x38;
	[tilespmem:$0x10000] =	vst v63  }
0x123: {  	s12 =	rddreg [dreg:$0x16];
	_ =	swait.ge [sflag:s4], $0x8000  }
0x124: {  	[sflag:s4] =	ssyncset.done $0x0  }
0x125: {  	[sflag:s4] =	ssyncadd.s32 $0xFFFF8000  }
0x126: {  	_ =	swait.ge [sflag:s4], $0x8000  }
0x127: {  	[sflag:s4] =	ssyncset.done $0x0  }
0x128: {  	[sflag:s4] =	ssyncadd.s32 $0xFFFF8000  }
0x129: {  	_ =	swait.ge [sflag:s4], $0x8000  }
0x12a: {  	[sflag:s4] =	ssyncset.done $0x0  }
0x12b: {  	[sflag:s4] =	ssyncadd.s32 $0xFFFF8000  }
0x12c: {  	_ =	swait.ge [sflag:s4], $0x8000  }
0x12d: {  	[sflag:s4] =	ssyncset.done $0x0  }
0x12e: {  	s21 =	simm.s32 $0x1;
	[sflag:s4] =	ssyncadd.s32 $0xFFFF8000  }
0x12f: {  	[tilespmem:s2], [sflag:$0x1] =	stream.linear.gather [hbm4b:s28+s2], $0x8000, $0x38;
	[tilespmem:$0x10000] =	vst v63  }
0x130: {  	_ =	swait.ge [sflag:s21], $0x8000  }
0x131: {  	[sflag:s21] =	ssyncset.done $0x0  }
0x132: {  	[sflag:s21] =	ssyncadd.s32 $0xFFFF8000  }
0x133: {  	[hbm4b:s23+s2] =	stream.linear.scatter [tilespmem:s2], [sflag:$0x3], $0x8000, $0x38;
	[tilespmem:$0x10000] =	vst v63  }
0x134: {  	_ = 	snop  }
0x135: {  	[hbm4b:s24+s2] =	stream.linear.scatter [tilespmem:s2], [sflag:$0x3], $0x8000, $0x38;
	[tilespmem:$0x10000] =	vst v63  }
0x136: {  	_ = 	snop  }
0x137: {  	[hbm4b:s25+s2] =	stream.linear.scatter [tilespmem:s2], [sflag:$0x3], $0x8000, $0x38;
	[tilespmem:$0x10000] =	vst v63  }
0x138: {  	_ = 	snop  }
0x139: {  	[hbm4b:s26+s2] =	stream.linear.scatter [tilespmem:s2], [sflag:$0x3], $0x8000, $0x38;
	[tilespmem:$0x10000] =	vst v63  }
0x13a: {  	_ =	swait.ge [sflag:s3], $0x8000  }
0x13b: {  	[sflag:s3] =	ssyncset.done $0x0  }
0x13c: {  	[sflag:s3] =	ssyncadd.s32 $0xFFFF8000  }
0x13d: {  	_ =	swait.ge [sflag:s3], $0x8000  }
0x13e: {  	[sflag:s3] =	ssyncset.done $0x0  }
0x13f: {  	[sflag:s3] =	ssyncadd.s32 $0xFFFF8000  }
0x140: {  	_ =	swait.ge [sflag:s3], $0x8000  }
0x141: {  	[sflag:s3] =	ssyncset.done $0x0  }
0x142: {  	[sflag:s3] =	ssyncadd.s32 $0xFFFF8000  }
0x143: {  	_ =	swait.ge [sflag:s3], $0x8000  }
0x144: {  	[sflag:s3] =	ssyncset.done $0x0  }
0x145: {  	s11 =	simm.s32 $0x2;
	[sflag:s3] =	ssyncadd.s32 $0xFFFF8000  }
0x146: {  	[tilespmem:s31], [sflag:$0x2] =	stream.linear.gather [hbm4b:s22+s2], $0x8000, $0x38;
	[tilespmem:$0x10000] =	vst v63  }
0x147: {  	_ =	swait.ge [sflag:s11], $0x8000  }
0x148: {  	[sflag:s11] =	ssyncset.done $0x0  }
0x149: {  	[sflag:s11] =	ssyncadd.s32 $0xFFFF8000  }
0x14a: {  	[hbm4b:s17+s2] =	stream.linear.scatter [tilespmem:s31], [sflag:$0x4], $0x8000, $0x38;
	[tilespmem:$0x10000] =	vst v63  }
0x14b: {  	_ = 	snop  }
0x14c: {  	[hbm4b:s18+s2] =	stream.linear.scatter [tilespmem:s31], [sflag:$0x4], $0x8000, $0x38;
	[tilespmem:$0x10000] =	vst v63  }
0x14d: {  	_ = 	snop  }
0x14e: {  	[hbm4b:s19+s2] =	stream.linear.scatter [tilespmem:s31], [sflag:$0x4], $0x8000, $0x38;
	[tilespmem:$0x10000] =	vst v63  }
0x14f: {  	_ = 	snop  }
0x150: {  	[hbm4b:s20+s2] =	stream.linear.scatter [tilespmem:s31], [sflag:$0x4], $0x8000, $0x38;
	[tilespmem:$0x10000] =	vst v63  }
0x151: {  	_ =	swait.ge [sflag:s4], $0x8000  }
0x152: {  	[sflag:s4] =	ssyncset.done $0x0  }
0x153: {  	[sflag:s4] =	ssyncadd.s32 $0xFFFF8000  }
0x154: {  	_ =	swait.ge [sflag:s4], $0x8000  }
0x155: {  	[sflag:s4] =	ssyncset.done $0x0  }
0x156: {  	[sflag:s4] =	ssyncadd.s32 $0xFFFF8000  }
0x157: {  	_ =	swait.ge [sflag:s4], $0x8000  }
0x158: {  	[sflag:s4] =	ssyncset.done $0x0  }
0x159: {  	[sflag:s4] =	ssyncadd.s32 $0xFFFF8000  }
0x15a: {  	_ =	swait.ge [sflag:s4], $0x8000  }
0x15b: {  	[sflag:s4] =	ssyncset.done $0x0  }
0x15c: {  	[sflag:s4] =	ssyncadd.s32 $0xFFFF8000  }
0x15d: {  	[tilespmem:s2], [sflag:$0x1] =	stream.linear.gather [hbm4b:s16+s2], $0x8000, $0x38;
	[tilespmem:$0x10000] =	vst v63  }
0x15e: {  	_ =	swait.ge [sflag:s21], $0x8000  }
0x15f: {  	[sflag:s21] =	ssyncset.done $0x0  }
0x160: {  	[sflag:s21] =	ssyncadd.s32 $0xFFFF8000  }
0x161: {  	[hbm4b:s9+s2] =	stream.linear.scatter [tilespmem:s2], [sflag:$0x3], $0x8000, $0x38;
	[tilespmem:$0x10000] =	vst v63  }
0x162: {  	_ = 	snop  }
0x163: {  	[hbm4b:s12+s2] =	stream.linear.scatter [tilespmem:s2], [sflag:$0x3], $0x8000, $0x38;
	[tilespmem:$0x10000] =	vst v63  }
0x164: {  	_ = 	snop  }
0x165: {  	[hbm4b:s14+s2] =	stream.linear.scatter [tilespmem:s2], [sflag:$0x3], $0x8000, $0x38;
	[tilespmem:$0x10000] =	vst v63  }
0x166: {  	_ = 	snop  }
0x167: {  	[hbm4b:s15+s2] =	stream.linear.scatter [tilespmem:s2], [sflag:$0x3], $0x8000, $0x38;
	[tilespmem:$0x10000] =	vst v63  }
0x168: {  	_ =	swait.ge [sflag:s3], $0x8000  }
0x169: {  	[sflag:s3] =	ssyncset.done $0x0  }
0x16a: {  	[sflag:s3] =	ssyncadd.s32 $0xFFFF8000  }
0x16b: {  	_ =	swait.ge [sflag:s3], $0x8000  }
0x16c: {  	[sflag:s3] =	ssyncset.done $0x0  }
0x16d: {  	[sflag:s3] =	ssyncadd.s32 $0xFFFF8000  }
0x16e: {  	_ =	swait.ge [sflag:s3], $0x8000  }
0x16f: {  	[sflag:s3] =	ssyncset.done $0x0  }
0x170: {  	[sflag:s3] =	ssyncadd.s32 $0xFFFF8000  }
0x171: {  	_ =	swait.ge [sflag:s3], $0x8000  }
0x172: {  	[sflag:s3] =	ssyncset.done $0x0  }
0x173: {  	[sflag:s3] =	ssyncadd.s32 $0xFFFF8000  }
0x174: {  	[tilespmem:s31], [sflag:$0x2] =	stream.linear.gather [hbm4b:s5+s2], $0x8000, $0x38;
	[tilespmem:$0x10000] =	vst v63  }
0x175: {  	_ =	swait.ge [sflag:s11], $0x8000  }
0x176: {  	[sflag:s11] =	ssyncset.done $0x0  }
0x177: {  	[sflag:s11] =	ssyncadd.s32 $0xFFFF8000  }
0x178: {  	[hbm4b:s1+s2] =	stream.linear.scatter [tilespmem:s31], [sflag:$0x4], $0x8000, $0x38;
	[tilespmem:$0x10000] =	vst v63  }
0x179: {  	s10 =	smov.u32 s7  }
0x17a: {  	[hbm4b:s10+s2] =	stream.linear.scatter [tilespmem:s31], [sflag:$0x4], $0x8000, $0x38;
	[tilespmem:$0x10000] =	vst v63  }
0x17b: {  	_ = 	snop  }
0x17c: {  	[hbm4b:s13+s2] =	stream.linear.scatter [tilespmem:s31], [sflag:$0x4], $0x8000, $0x38;
	[tilespmem:$0x10000] =	vst v63  }
0x17d: {  	_ = 	snop  }
0x17e: {  	[hbm4b:s8+s2] =	stream.linear.scatter [tilespmem:s31], [sflag:$0x4], $0x8000, $0x38;
	[tilespmem:$0x10000] =	vst v63  }
0x17f: {  	_ =	swait.ge [sflag:s4], $0x8000  }
0x180: {  	[sflag:s4] =	ssyncset.done $0x0  }
0x181: {  	[sflag:s4] =	ssyncadd.s32 $0xFFFF8000  }
0x182: {  	_ =	swait.ge [sflag:s4], $0x8000  }
0x183: {  	[sflag:s4] =	ssyncset.done $0x0  }
0x184: {  	[sflag:s4] =	ssyncadd.s32 $0xFFFF8000  }
0x185: {  	_ =	swait.ge [sflag:s4], $0x8000  }
0x186: {  	[sflag:s4] =	ssyncset.done $0x0  }
0x187: {  	[sflag:s4] =	ssyncadd.s32 $0xFFFF8000  }
0x188: {  	_ =	swait.ge [sflag:s4], $0x8000  }
0x189: {  	[sflag:s4] =	ssyncset.done $0x0  }
0x18a: {  	[sflag:s4] =	ssyncadd.s32 $0xFFFF8000  }
0x18b: {  	_ =	swait.ge [sflag:s3], $0x8000  }
0x18c: {  	[sflag:s3] =	ssyncset.done $0x0  }
0x18d: {  	[sflag:s3] =	ssyncadd.s32 $0xFFFF8000  }
0x18e: {  	_ =	swait.ge [sflag:s3], $0x8000  }
0x18f: {  	[sflag:s3] =	ssyncset.done $0x0  }
0x190: {  	p1 =	sne.s32 s0, $0x1;
	[sflag:s3] =	ssyncadd.s32 $0xFFFF8000  }
.Ltmp2:
0x191: {  	_ =	swait.ge [sflag:s3], $0x8000;
	(pc) =	sbr.rel @p1 .LBB2_2-.Ltmp2, $4  }
0x192: {  	[sflag:s3] =	ssyncset.done $0x0  }
0x193: {  	s0 =	sadd.s32 $0xFFFFFFFF, s0;
	[sflag:s3] =	ssyncadd.s32 $0xFFFF8000  }
0x194: {  	s7 =	smov.u32 s10;
	s9 =	smov.u32 s5;
	_ =	swait.ge [sflag:s3], $0x8000  }
0x195: {  	s5 =	smov.u32 s1;
	s1 =	rddreg [dreg:$0x3];
	[sflag:s3] =	ssyncset.done $0x0  }
.LBB2_3:
0x196: {  	[sflag:s3] =	ssyncadd.s32 @p0 $0xFFFF8000  }
0x197: {  	[tilespmem:s2], [sflag:$0x1] =	stream.linear.gather [hbm4b:s1+s2], $0x8000, $0x38;
	[tilespmem:$0x10000] =	vst v63  }
0x198: {  	_ =	swait.ge [sflag:s21], $0x8000  }
0x199: {  	[sflag:s21] =	ssyncset.done $0x0  }
0x19a: {  	[sflag:s21] =	ssyncadd.s32 $0xFFFF8000  }
0x19b: {  	[hbm4b:s6+s2] =	stream.linear.scatter [tilespmem:s2], [sflag:$0x3], $0x8000, $0x38;
	[tilespmem:$0x10000] =	vst v63  }
0x19c: {  	s0 =	rddreg [dreg:$0x4]  }
0x19d: {  	[hbm4b:s0+s2] =	stream.linear.scatter [tilespmem:s2], [sflag:$0x3], $0x8000, $0x38;
	[tilespmem:$0x10000] =	vst v63  }
0x19e: {  	s10 =	rddreg [dreg:$0x5]  }
0x19f: {  	[hbm4b:s10+s2] =	stream.linear.scatter [tilespmem:s2], [sflag:$0x3], $0x8000, $0x38;
	[tilespmem:$0x10000] =	vst v63  }
0x1a0: {  	s12 =	rddreg [dreg:$0x6]  }
0x1a1: {  	[hbm4b:s12+s2] =	stream.linear.scatter [tilespmem:s2], [sflag:$0x3], $0x8000, $0x38;
	[tilespmem:$0x10000] =	vst v63  }
0x1a2: {  	s6 =	rddreg [dreg:$0x7]  }
0x1a3: {  	[tilespmem:s31], [sflag:$0x2] =	stream.linear.gather [hbm4b:s6+s2], $0x8000, $0x38;
	[tilespmem:$0x10000] =	vst v63  }
0x1a4: {  	_ =	swait.ge [sflag:s11], $0x8000  }
0x1a5: {  	[sflag:s11] =	ssyncset.done $0x0  }
0x1a6: {  	s10 =	rddreg [dreg:$0x8];
	[sflag:s11] =	ssyncadd.s32 $0xFFFF8000  }
0x1a7: {  	[hbm4b:s10+s2] =	stream.linear.scatter [tilespmem:s31], [sflag:$0x4], $0x8000, $0x38;
	[tilespmem:$0x10000] =	vst v63  }
0x1a8: {  	s12 =	rddreg [dreg:$0x9]  }
0x1a9: {  	[hbm4b:s12+s2] =	stream.linear.scatter [tilespmem:s31], [sflag:$0x4], $0x8000, $0x38;
	[tilespmem:$0x10000] =	vst v63  }
0x1aa: {  	s6 =	rddreg [dreg:$0xa]  }
0x1ab: {  	[hbm4b:s6+s2] =	stream.linear.scatter [tilespmem:s31], [sflag:$0x4], $0x8000, $0x38;
	[tilespmem:$0x10000] =	vst v63  }
0x1ac: {  	s10 =	rddreg [dreg:$0xb]  }
0x1ad: {  	[hbm4b:s10+s2] =	stream.linear.scatter [tilespmem:s31], [sflag:$0x4], $0x8000, $0x38;
	[tilespmem:$0x10000] =	vst v63  }
0x1ae: {  	_ =	swait.ge [sflag:s4], $0x8000  }
0x1af: {  	[sflag:s4] =	ssyncset.done $0x0  }
0x1b0: {  	[sflag:s4] =	ssyncadd.s32 $0xFFFF8000  }
0x1b1: {  	_ =	swait.ge [sflag:s4], $0x8000  }
0x1b2: {  	[sflag:s4] =	ssyncset.done $0x0  }
0x1b3: {  	[sflag:s4] =	ssyncadd.s32 $0xFFFF8000  }
0x1b4: {  	_ =	swait.ge [sflag:s4], $0x8000  }
0x1b5: {  	[sflag:s4] =	ssyncset.done $0x0  }
0x1b6: {  	[sflag:s4] =	ssyncadd.s32 $0xFFFF8000  }
0x1b7: {  	_ =	swait.ge [sflag:s4], $0x8000  }
0x1b8: {  	[sflag:s4] =	ssyncset.done $0x0  }
0x1b9: {  	s12 =	rddreg [dreg:$0xc];
	[sflag:s4] =	ssyncadd.s32 $0xFFFF8000  }
0x1ba: {  	[tilespmem:s2], [sflag:$0x1] =	stream.linear.gather [hbm4b:s12+s2], $0x8000, $0x38;
	[tilespmem:$0x10000] =	vst v63  }
0x1bb: {  	_ =	swait.ge [sflag:s21], $0x8000  }
0x1bc: {  	[sflag:s21] =	ssyncset.done $0x0  }
0x1bd: {  	s1 =	rddreg [dreg:$0xd];
	[sflag:s21] =	ssyncadd.s32 $0xFFFF8000  }
0x1be: {  	[hbm4b:s1+s2] =	stream.linear.scatter [tilespmem:s2], [sflag:$0x3], $0x8000, $0x38;
	[tilespmem:$0x10000] =	vst v63  }
0x1bf: {  	s6 =	rddreg [dreg:$0xe]  }
0x1c0: {  	[hbm4b:s6+s2] =	stream.linear.scatter [tilespmem:s2], [sflag:$0x3], $0x8000, $0x38;
	[tilespmem:$0x10000] =	vst v63  }
0x1c1: {  	s10 =	rddreg [dreg:$0xf]  }
0x1c2: {  	[hbm4b:s10+s2] =	stream.linear.scatter [tilespmem:s2], [sflag:$0x3], $0x8000, $0x38;
	[tilespmem:$0x10000] =	vst v63  }
0x1c3: {  	s12 =	rddreg [dreg:$0x10]  }
0x1c4: {  	[hbm4b:s12+s2] =	stream.linear.scatter [tilespmem:s2], [sflag:$0x3], $0x8000, $0x38;
	[tilespmem:$0x10000] =	vst v63  }
0x1c5: {  	_ =	swait.ge [sflag:s3], $0x8000  }
0x1c6: {  	[sflag:s3] =	ssyncset.done $0x0  }
0x1c7: {  	[sflag:s3] =	ssyncadd.s32 $0xFFFF8000  }
0x1c8: {  	_ =	swait.ge [sflag:s3], $0x8000  }
0x1c9: {  	[sflag:s3] =	ssyncset.done $0x0  }
0x1ca: {  	[sflag:s3] =	ssyncadd.s32 $0xFFFF8000  }
0x1cb: {  	_ =	swait.ge [sflag:s3], $0x8000  }
0x1cc: {  	[sflag:s3] =	ssyncset.done $0x0  }
0x1cd: {  	[sflag:s3] =	ssyncadd.s32 $0xFFFF8000  }
0x1ce: {  	_ =	swait.ge [sflag:s3], $0x8000  }
0x1cf: {  	[sflag:s3] =	ssyncset.done $0x0  }
0x1d0: {  	s6 =	rddreg [dreg:$0x11];
	[sflag:s3] =	ssyncadd.s32 $0xFFFF8000  }
0x1d1: {  	[tilespmem:s31], [sflag:$0x2] =	stream.linear.gather [hbm4b:s6+s2], $0x8000, $0x38;
	[tilespmem:$0x10000] =	vst v63  }
0x1d2: {  	_ =	swait.ge [sflag:s11], $0x8000  }
0x1d3: {  	[sflag:s11] =	ssyncset.done $0x0  }
0x1d4: {  	s10 =	rddreg [dreg:$0x12];
	[sflag:s11] =	ssyncadd.s32 $0xFFFF8000  }
0x1d5: {  	[hbm4b:s10+s2] =	stream.linear.scatter [tilespmem:s31], [sflag:$0x4], $0x8000, $0x38;
	[tilespmem:$0x10000] =	vst v63  }
0x1d6: {  	s12 =	rddreg [dreg:$0x13]  }
0x1d7: {  	[hbm4b:s12+s2] =	stream.linear.scatter [tilespmem:s31], [sflag:$0x4], $0x8000, $0x38;
	[tilespmem:$0x10000] =	vst v63  }
0x1d8: {  	_ = 	snop  }
0x1d9: {  	[hbm4b:s29+s2] =	stream.linear.scatter [tilespmem:s31], [sflag:$0x4], $0x8000, $0x38;
	[tilespmem:$0x10000] =	vst v63  }
0x1da: {  	_ = 	snop  }
0x1db: {  	[hbm4b:s30+s2] =	stream.linear.scatter [tilespmem:s31], [sflag:$0x4], $0x8000, $0x38;
	[tilespmem:$0x10000] =	vst v63  }
0x1dc: {  	_ =	swait.ge [sflag:s4], $0x8000  }
0x1dd: {  	[sflag:s4] =	ssyncset.done $0x0  }
0x1de: {  	[sflag:s4] =	ssyncadd.s32 $0xFFFF8000  }
0x1df: {  	_ =	swait.ge [sflag:s4], $0x8000  }
0x1e0: {  	[sflag:s4] =	ssyncset.done $0x0  }
0x1e1: {  	[sflag:s4] =	ssyncadd.s32 $0xFFFF8000  }
0x1e2: {  	_ =	swait.ge [sflag:s4], $0x8000  }
0x1e3: {  	[sflag:s4] =	ssyncset.done $0x0  }
0x1e4: {  	[sflag:s4] =	ssyncadd.s32 $0xFFFF8000  }
0x1e5: {  	_ =	swait.ge [sflag:s4], $0x8000  }
0x1e6: {  	[sflag:s4] =	ssyncset.done $0x0  }
0x1e7: {  	[sflag:s4] =	ssyncadd.s32 $0xFFFF8000  }
0x1e8: {  	[tilespmem:s2], [sflag:$0x1] =	stream.linear.gather [hbm4b:s28+s2], $0x8000, $0x38;
	[tilespmem:$0x10000] =	vst v63  }
0x1e9: {  	_ =	swait.ge [sflag:s21], $0x8000  }
0x1ea: {  	[sflag:s21] =	ssyncset.done $0x0  }
0x1eb: {  	[sflag:s21] =	ssyncadd.s32 $0xFFFF8000  }
0x1ec: {  	[hbm4b:s23+s2] =	stream.linear.scatter [tilespmem:s2], [sflag:$0x3], $0x8000, $0x38;
	[tilespmem:$0x10000] =	vst v63  }
0x1ed: {  	_ = 	snop  }
0x1ee: {  	[hbm4b:s24+s2] =	stream.linear.scatter [tilespmem:s2], [sflag:$0x3], $0x8000, $0x38;
	[tilespmem:$0x10000] =	vst v63  }
0x1ef: {  	_ = 	snop  }
0x1f0: {  	[hbm4b:s25+s2] =	stream.linear.scatter [tilespmem:s2], [sflag:$0x3], $0x8000, $0x38;
	[tilespmem:$0x10000] =	vst v63  }
0x1f1: {  	_ = 	snop  }
0x1f2: {  	[hbm4b:s26+s2] =	stream.linear.scatter [tilespmem:s2], [sflag:$0x3], $0x8000, $0x38;
	[tilespmem:$0x10000] =	vst v63  }
0x1f3: {  	_ =	swait.ge [sflag:s3], $0x8000  }
0x1f4: {  	[sflag:s3] =	ssyncset.done $0x0  }
0x1f5: {  	[sflag:s3] =	ssyncadd.s32 $0xFFFF8000  }
0x1f6: {  	_ =	swait.ge [sflag:s3], $0x8000  }
0x1f7: {  	[sflag:s3] =	ssyncset.done $0x0  }
0x1f8: {  	[sflag:s3] =	ssyncadd.s32 $0xFFFF8000  }
0x1f9: {  	_ =	swait.ge [sflag:s3], $0x8000  }
0x1fa: {  	[sflag:s3] =	ssyncset.done $0x0  }
0x1fb: {  	[sflag:s3] =	ssyncadd.s32 $0xFFFF8000  }
0x1fc: {  	_ =	swait.ge [sflag:s3], $0x8000  }
0x1fd: {  	[sflag:s3] =	ssyncset.done $0x0  }
0x1fe: {  	[sflag:s3] =	ssyncadd.s32 $0xFFFF8000  }
0x1ff: {  	[tilespmem:s31], [sflag:$0x2] =	stream.linear.gather [hbm4b:s22+s2], $0x8000, $0x38;
	[tilespmem:$0x10000] =	vst v63  }
0x200: {  	_ =	swait.ge [sflag:s11], $0x8000  }
0x201: {  	[sflag:s11] =	ssyncset.done $0x0  }
0x202: {  	[sflag:s11] =	ssyncadd.s32 $0xFFFF8000  }
0x203: {  	[hbm4b:s17+s2] =	stream.linear.scatter [tilespmem:s31], [sflag:$0x4], $0x8000, $0x38;
	[tilespmem:$0x10000] =	vst v63  }
0x204: {  	_ = 	snop  }
0x205: {  	[hbm4b:s18+s2] =	stream.linear.scatter [tilespmem:s31], [sflag:$0x4], $0x8000, $0x38;
	[tilespmem:$0x10000] =	vst v63  }
0x206: {  	_ = 	snop  }
0x207: {  	[hbm4b:s19+s2] =	stream.linear.scatter [tilespmem:s31], [sflag:$0x4], $0x8000, $0x38;
	[tilespmem:$0x10000] =	vst v63  }
0x208: {  	_ = 	snop  }
0x209: {  	[hbm4b:s20+s2] =	stream.linear.scatter [tilespmem:s31], [sflag:$0x4], $0x8000, $0x38;
	[tilespmem:$0x10000] =	vst v63  }
0x20a: {  	_ =	swait.ge [sflag:s4], $0x8000  }
0x20b: {  	[sflag:s4] =	ssyncset.done $0x0  }
0x20c: {  	[sflag:s4] =	ssyncadd.s32 $0xFFFF8000  }
0x20d: {  	_ =	swait.ge [sflag:s4], $0x8000  }
0x20e: {  	[sflag:s4] =	ssyncset.done $0x0  }
0x20f: {  	[sflag:s4] =	ssyncadd.s32 $0xFFFF8000  }
0x210: {  	_ =	swait.ge [sflag:s4], $0x8000  }
0x211: {  	[sflag:s4] =	ssyncset.done $0x0  }
0x212: {  	[sflag:s4] =	ssyncadd.s32 $0xFFFF8000  }
0x213: {  	_ =	swait.ge [sflag:s4], $0x8000  }
0x214: {  	[sflag:s4] =	ssyncset.done $0x0  }
0x215: {  	[sflag:s4] =	ssyncadd.s32 $0xFFFF8000  }
0x216: {  	[tilespmem:s2], [sflag:$0x1] =	stream.linear.gather [hbm4b:s16+s2], $0x8000, $0x38;
	[tilespmem:$0x10000] =	vst v63  }
0x217: {  	_ =	swait.ge [sflag:s21], $0x8000  }
0x218: {  	[sflag:s21] =	ssyncset.done $0x0  }
0x219: {  	s29 =	rddreg [dreg:$0x15];
	[sflag:s21] =	ssyncadd.s32 $0xFFFF8000  }
0x21a: {  	[hbm4b:s29+s2] =	stream.linear.scatter [tilespmem:s2], [sflag:$0x3], $0x8000, $0x38;
	[tilespmem:$0x10000] =	vst v63  }
0x21b: {  	s30 =	rddreg [dreg:$0x16]  }
0x21c: {  	[hbm4b:s30+s2] =	stream.linear.scatter [tilespmem:s2], [sflag:$0x3], $0x8000, $0x38;
	[tilespmem:$0x10000] =	vst v63  }
0x21d: {  	_ = 	snop  }
0x21e: {  	[hbm4b:s14+s2] =	stream.linear.scatter [tilespmem:s2], [sflag:$0x3], $0x8000, $0x38;
	[tilespmem:$0x10000] =	vst v63  }
0x21f: {  	_ = 	snop  }
0x220: {  	[hbm4b:s15+s2] =	stream.linear.scatter [tilespmem:s2], [sflag:$0x3], $0x8000, $0x38;
	[tilespmem:$0x10000] =	vst v63  }
0x221: {  	_ =	swait.ge [sflag:s3], $0x8000  }
0x222: {  	[sflag:s3] =	ssyncset.done $0x0  }
0x223: {  	[sflag:s3] =	ssyncadd.s32 $0xFFFF8000  }
0x224: {  	_ =	swait.ge [sflag:s3], $0x8000  }
0x225: {  	[sflag:s3] =	ssyncset.done $0x0  }
0x226: {  	[sflag:s3] =	ssyncadd.s32 $0xFFFF8000  }
0x227: {  	_ =	swait.ge [sflag:s3], $0x8000  }
0x228: {  	[sflag:s3] =	ssyncset.done $0x0  }
0x229: {  	[sflag:s3] =	ssyncadd.s32 $0xFFFF8000  }
0x22a: {  	_ =	swait.ge [sflag:s3], $0x8000  }
0x22b: {  	[sflag:s3] =	ssyncset.done $0x0  }
0x22c: {  	[sflag:s3] =	ssyncadd.s32 $0xFFFF8000  }
0x22d: {  	[tilespmem:s31], [sflag:$0x2] =	stream.linear.gather [hbm4b:s9+s2], $0x8000, $0x38;
	[tilespmem:$0x10000] =	vst v63  }
0x22e: {  	_ =	swait.ge [sflag:s11], $0x8000  }
0x22f: {  	[sflag:s11] =	ssyncset.done $0x0  }
0x230: {  	[sflag:s11] =	ssyncadd.s32 $0xFFFF8000  }
0x231: {  	[hbm4b:s5+s2] =	stream.linear.scatter [tilespmem:s31], [sflag:$0x4], $0x8000, $0x38;
	[tilespmem:$0x10000] =	vst v63  }
0x232: {  	_ = 	snop  }
0x233: {  	[hbm4b:s7+s2] =	stream.linear.scatter [tilespmem:s31], [sflag:$0x4], $0x8000, $0x38;
	[tilespmem:$0x10000] =	vst v63  }
0x234: {  	_ = 	snop  }
0x235: {  	[hbm4b:s13+s2] =	stream.linear.scatter [tilespmem:s31], [sflag:$0x4], $0x8000, $0x38;
	[tilespmem:$0x10000] =	vst v63  }
0x236: {  	_ = 	snop  }
0x237: {  	[hbm4b:s8+s2] =	stream.linear.scatter [tilespmem:s31], [sflag:$0x4], $0x8000, $0x38;
	[tilespmem:$0x10000] =	vst v63  }
0x238: {  	_ =	swait.ge [sflag:s4], $0x8000  }
0x239: {  	[sflag:s4] =	ssyncset.done $0x0  }
0x23a: {  	[sflag:s4] =	ssyncadd.s32 $0xFFFF8000  }
0x23b: {  	_ =	swait.ge [sflag:s4], $0x8000  }
0x23c: {  	[sflag:s4] =	ssyncset.done $0x0  }
0x23d: {  	[sflag:s4] =	ssyncadd.s32 $0xFFFF8000  }
0x23e: {  	_ =	swait.ge [sflag:s4], $0x8000  }
0x23f: {  	[sflag:s4] =	ssyncset.done $0x0  }
0x240: {  	[sflag:s4] =	ssyncadd.s32 $0xFFFF8000  }
0x241: {  	_ =	swait.ge [sflag:s4], $0x8000  }
0x242: {  	[sflag:s4] =	ssyncset.done $0x0  }
0x243: {  	[sflag:s4] =	ssyncadd.s32 $0xFFFF8000  }
0x244: {  	_ =	swait.ge [sflag:s3], $0x8000  }
0x245: {  	[sflag:s3] =	ssyncset.done $0x0  }
0x246: {  	[sflag:s3] =	ssyncadd.s32 $0xFFFF8000  }
0x247: {  	_ =	swait.ge [sflag:s3], $0x8000  }
0x248: {  	[sflag:s3] =	ssyncset.done $0x0  }
0x249: {  	[sflag:s3] =	ssyncadd.s32 $0xFFFF8000  }
0x24a: {  	_ =	swait.ge [sflag:s3], $0x8000  }
0x24b: {  	[sflag:s3] =	ssyncset.done $0x0  }
0x24c: {  	[sflag:s3] =	ssyncadd.s32 $0xFFFF8000  }
0x24d: {  	_ =	swait.ge [sflag:s3], $0x8000  }
0x24e: {  	[sflag:s3] =	ssyncset.done $0x0  }
0x24f: {  	[sflag:s3] =	ssyncadd.s32 $0xFFFF8000  }
0x250: {  	_ =	sfence.sel $0x180000  }
0x251: {  	[bflag:$0x0] =	sbarrier.arrive $0xFFFF  }
0x252: {  	_ =	strace $0x90000047  }
0x253: {  	s31 =	stileid.u32;
	[bflag:$0x2] =	sbarrier.arrive $0xFFFF  }
0x254: {  	p0 =	sne.s32 s31, $0x0;
	s0 =	rddreg [dreg:$0x2]  }
0x255: {  	s0 =	sadd.s32 @!p0 $0x100000, s0  }
0x256: {  	[sflag:s0] =	ssyncadd.tile.s32 @!p0 $0x1;
	_ =	shalt  }
.Lfunc_end2:
_tile_overlayer_lowered:
.L_overlay_start_2:
0x257: {  	(tag) =	ssettag $0x2  }
0x258: {  	s0 =	rddreg [dreg:$0x0];
	s2 =	stileid.u32  }
0x259: {  	s1 =	rddreg [dreg:$0x1];
	p0 =	sne.s32 s2, $0x0  }
0x25a: {  	s3 =	rddreg [dreg:$0x2];
	[bflag:$0x3] =	sbarrier.arrive $0xFFFF;
	s2 =	simm.s32 @!p0 $0x1C05  }
0x25b: {  	[timem:s3], [sflag:s2] =	dma.local @!p0 [hbm:s0], s1  }
0x25c: {  	s0 =	simm.s32 @!p0 $0x5  }
0x25d: {  	_ =	swait.ge @!p0 [sflag:s0], s1  }
0x25e: {  	s1 =	ssub.s32 @!p0 $0x0, s1;
	[sflag:s0] =	ssyncset.done @!p0 $0x0  }
0x25f: {  	[sflag:s0] =	ssyncadd.s32 @!p0 s1  }
0x260: {  	[bflag:$0x3] =	sbarrier.arrive $0xFFFF  }
0x261: {  	_ =	shalt  }

</sc_bundles>
